<compile_context>
chip_gen: v7x
topology: tpu7x:2x2x1
jax: 0.10.2.dev20260603
libtpu: 0.0.44.dev20260713+nightly
codegen_flags: <defaults>
</compile_context>

<pallas_src>
import functools
import math

import jax
import jax.numpy as jnp
import numpy as np
from jax import lax
from jax.experimental import pallas as pl
from jax.experimental.pallas import tpu as pltpu
from jax.experimental.pallas import tpu_sc as plsc

_N = 10000
_E = 320000
_F = 128
_EV = 16
_XD = _F + _EV
_NC, _NS = 2, 16
_NW = _NC * _NS
_CHUNK = 80
_NCK = 5
_CE = _E // _NCK
_GPW = _CE // _NW
_REPEATS = (1, 3, 5, 7)
_OFFS = (0, 1, 4, 9)



def _sc_gather_body(x_hbm, s_hbm, r_hbm, outs_hbm, outr_hbm,
                    idx_s, idx_r, rows_s, rows_r,
                    sem_gs, sem_gr, sem_ws, sem_wr):
    wid = lax.axis_index("s") * _NC + lax.axis_index("c")
    base = wid * _GPW

    @pl.loop(0, _GPW // _CHUNK)
    def _(i):
        off = base + i * _CHUNK
        sl = pl.ds(off, _CHUNK)
        pltpu.sync_copy(s_hbm.at[sl], idx_s)
        gs = pltpu.make_async_copy(x_hbm.at[idx_s], rows_s, sem_gs)
        gs.start()
        pltpu.sync_copy(r_hbm.at[sl], idx_r)
        gr = pltpu.make_async_copy(x_hbm.at[idx_r], rows_r, sem_gr)
        gr.start()
        gs.wait()
        ws = pltpu.make_async_copy(rows_s, outs_hbm.at[sl], sem_ws)
        ws.start()
        gr.wait()
        wr = pltpu.make_async_copy(rows_r, outr_hbm.at[sl], sem_wr)
        wr.start()
        ws.wait()
        wr.wait()


def _sc_gather(x, senders, receivers):
    mesh = plsc.VectorSubcoreMesh(core_axis_name="c", subcore_axis_name="s")
    f = pl.kernel(
        _sc_gather_body,
        out_type=[
            jax.ShapeDtypeStruct((_CE, _XD), jnp.float32),
            jax.ShapeDtypeStruct((_CE, _XD), jnp.float32),
        ],
        mesh=mesh,
        scratch_types=[
            pltpu.VMEM((_CHUNK,), jnp.int32),
            pltpu.VMEM((_CHUNK,), jnp.int32),
            pltpu.VMEM((_CHUNK, _XD), jnp.float32),
            pltpu.VMEM((_CHUNK, _XD), jnp.float32),
            pltpu.SemaphoreType.DMA,
            pltpu.SemaphoreType.DMA,
            pltpu.SemaphoreType.DMA,
            pltpu.SemaphoreType.DMA,
        ],
        compiler_params=pltpu.CompilerParams(use_tc_tiling_on_sc=False),
    )
    return f(x, senders, receivers)



_CPC = _CE // _NC
_PW2 = _CPC // _NS
_ZROWS = 624
_ZTAIL = _N - _ZROWS * _NS


def _sc_scatter_body(s0, s1, s2, s3, s4, recv_hbm, zeros_hbm, out_hbm,
                     idx_v, rows_v, acc_sh):
    c = lax.axis_index("c")
    s = lax.axis_index("s")
    z0 = s * _ZROWS
    pltpu.sync_copy(zeros_hbm.at[pl.ds(0, _ZROWS)], acc_sh.at[pl.ds(z0, _ZROWS)])

    @pl.when(s == _NS - 1)
    def _():
        pltpu.sync_copy(
            zeros_hbm.at[pl.ds(0, _ZTAIL)],
            acc_sh.at[pl.ds(_ZROWS * _NS, _ZTAIL)],
        )

    plsc.subcore_barrier()

    base_l = c * _CPC + s * _PW2
    for ci, sc_hbm in enumerate((s0, s1, s2, s3, s4)):

        @pl.loop(0, _PW2 // _CHUNK)
        def _(i, sc_hbm=sc_hbm, ci=ci):
            off_l = base_l + i * _CHUNK
            off_g = ci * _CE + off_l
            pltpu.sync_copy(recv_hbm.at[pl.ds(off_g, _CHUNK)], idx_v)
            pltpu.sync_copy(sc_hbm.at[pl.ds(off_l, _CHUNK)], rows_v)
            pltpu.sync_copy(rows_v, acc_sh.at[idx_v], add=True)

    plsc.subcore_barrier()

    pltpu.sync_copy(acc_sh.at[pl.ds(z0, _ZROWS)], out_hbm.at[c, pl.ds(z0, _ZROWS)])

    @pl.when(s == _NS - 1)
    def _():
        pltpu.sync_copy(
            acc_sh.at[pl.ds(_ZROWS * _NS, _ZTAIL)],
            out_hbm.at[c, pl.ds(_ZROWS * _NS, _ZTAIL)],
        )


def _sc_scatter(scaled_chunks, receivers, zeros):
    mesh = plsc.VectorSubcoreMesh(core_axis_name="c", subcore_axis_name="s")
    f = pl.kernel(
        _sc_scatter_body,
        out_type=jax.ShapeDtypeStruct((_NC, _N, _XD), jnp.float32),
        mesh=mesh,
        scratch_types=[
            pltpu.VMEM((_CHUNK,), jnp.int32),
            pltpu.VMEM((_CHUNK, _XD), jnp.float32),
            pltpu.VMEM_SHARED((_N, _XD), jnp.float32),
        ],
        compiler_params=pltpu.CompilerParams(use_tc_tiling_on_sc=False),
    )
    return f(*scaled_chunks, receivers, zeros)



_BE = 2000


def _tc_edge_body(xs_ref, xr_ref, rbf_ref, sh_ref, cut_ref,
                  qbd_ref, kbd_ref, vbd_ref, w1_ref, b1_ref, w2_ref, b2_ref,
                  hc_ref, ec_ref, sc_ref, out_ref):
    f32 = jnp.float32
    bf16 = jnp.bfloat16
    xs = xs_ref[...]
    xr = xr_ref[...]
    xs_inv = xs[:, :_F].astype(bf16)
    xr_inv = xr[:, :_F].astype(bf16)

    dev = xs[:, _F:] - xr[:, _F:]
    inv_c = jnp.dot((dev * dev).astype(bf16), sc_ref[...], preferred_element_type=f32)

    fin = jnp.concatenate([rbf_ref[...].astype(bf16), inv_c.astype(bf16)], axis=1)
    h = jnp.dot(fin, w1_ref[...], preferred_element_type=f32) + b1_ref[...]
    h = jax.nn.silu(h)
    fwcat = jnp.dot(h.astype(bf16), w2_ref[...], preferred_element_type=f32) + b2_ref[...]

    qcat = jax.nn.silu(jnp.dot(xr_inv, qbd_ref[...], preferred_element_type=f32))
    kcat = jax.nn.silu(jnp.dot(xs_inv, kbd_ref[...], preferred_element_type=f32))
    v = jnp.dot(xs_inv, vbd_ref[...], preferred_element_type=f32)

    prod = qcat * kcat * fwcat
    alpha = jnp.dot(prod.astype(bf16), hc_ref[...], preferred_element_type=f32)
    coef = cut_ref[...] * alpha
    coef_exp = jnp.dot(coef.astype(bf16), ec_ref[...], preferred_element_type=f32)

    out_ref[:, :_F] = coef_exp[:, :_F] * v
    out_ref[:, _F:] = coef_exp[:, _F:] * sh_ref[...]


def _tc_edge(xg_s, xg_r, rbf, sh, cut, qbd, kbd, vbd, w1, b1, w2, b2, hc, ec, sc):
    grid = (_CE // _BE,)
    blk = lambda *shape: pl.BlockSpec(shape, lambda i: (i,) + (0,) * (len(shape) - 1))
    full = lambda *shape: pl.BlockSpec(shape, lambda i: (0,) * len(shape))
    return pl.pallas_call(
        _tc_edge_body,
        grid=grid,
        in_specs=[
            blk(_BE, _XD), blk(_BE, _XD), blk(_BE, 32), blk(_BE, _EV), blk(_BE, 1),
            full(_F, 256), full(_F, 256), full(_F, _F), full(36, _F), full(1, _F),
            full(_F, 256), full(1, 256), full(256, 12), full(12, _XD), full(_EV, 4),
        ],
        out_specs=blk(_BE, _XD),
        out_shape=jax.ShapeDtypeStruct((_CE, _XD), jnp.float32),
    )(xg_s, xg_r, rbf, sh, cut, qbd, kbd, vbd, w1, b1, w2, b2, hc, ec, sc)



_BN = 2000


def _tc_reduce_body(p_ref, inv_ref, ev_ref):
    s = p_ref[0] + p_ref[1]
    inv_ref[...] = s[:, :_F]
    ev_ref[...] = s[:, _F:]


def _tc_reduce(partials):
    return pl.pallas_call(
        _tc_reduce_body,
        grid=(_N // _BN,),
        in_specs=[pl.BlockSpec((2, _BN, _XD), lambda i: (0, i, 0))],
        out_specs=[
            pl.BlockSpec((_BN, _F), lambda i: (i, 0)),
            pl.BlockSpec((_BN, _EV), lambda i: (i, 0)),
        ],
        out_shape=[
            jax.ShapeDtypeStruct((_N, _F), jnp.float32),
            jax.ShapeDtypeStruct((_N, _EV), jnp.float32),
        ],
    )(partials)




def _block_diag(w):
    h, d, e = w.shape
    eye = jnp.eye(h, dtype=w.dtype)
    return jnp.einsum("hde,hg->hdge", w, eye).reshape(h * d, h * e)


def _static_mats():
    hc = np.zeros((256, 12), np.float32)
    for f in range(128):
        hc[f, f // 16] = 1.0
    for f in range(128):
        hc[128 + f, 8 + f // 32] = 1.0
    ec = np.zeros((12, _XD), np.float32)
    for h in range(8):
        ec[h, 16 * h:16 * h + 16] = 1.0 / 4.0
    for l in range(4):
        ec[8 + l, _F + _OFFS[l]:_F + _OFFS[l] + _REPEATS[l]] = 1.0 / math.sqrt(32.0)
    sc = np.zeros((_EV, 4), np.float32)
    for l in range(4):
        sc[_OFFS[l]:_OFFS[l] + _REPEATS[l], l] = 1.0
    return jnp.asarray(hc), jnp.asarray(ec), jnp.asarray(sc)


def kernel(inv_features, ev_features, rbf, senders, receivers, sh_vectors, cutoffs,
           W_q_inv, W_k_inv, W_v_inv, W_q_ev, W_k_ev,
           W1_inv, b1_inv, W2_inv, b2_inv, W1_ev, b1_ev, W2_ev, b2_ev):
    x = jnp.concatenate([inv_features, ev_features], axis=1)
    senders = senders.astype(jnp.int32)
    receivers = receivers.astype(jnp.int32)

    qbd = jnp.concatenate([_block_diag(W_q_inv), _block_diag(W_q_ev)], axis=1)
    kbd = jnp.concatenate([_block_diag(W_k_inv), _block_diag(W_k_ev)], axis=1)
    vbd = _block_diag(W_v_inv)
    w1 = jnp.concatenate([W1_inv, W1_ev], axis=1)
    b1 = jnp.concatenate([b1_inv, b1_ev]).reshape(1, -1)
    zero64 = jnp.zeros((64, _F), jnp.float32)
    w2 = jnp.concatenate(
        [jnp.concatenate([W2_inv, zero64], axis=1),
         jnp.concatenate([zero64, W2_ev], axis=1)], axis=0)
    b2 = jnp.concatenate([b2_inv, b2_ev]).reshape(1, -1)
    hc, ec, sc = _static_mats()
    bf16 = jnp.bfloat16
    qbd, kbd, vbd, w1, w2, hc, ec, sc = (
        a.astype(bf16) for a in (qbd, kbd, vbd, w1, w2, hc, ec, sc))

    scaled_chunks = []
    for ci in range(_NCK):
        lo, hi = ci * _CE, (ci + 1) * _CE
        xg_s, xg_r = _sc_gather(x, senders[lo:hi], receivers[lo:hi])
        scaled_chunks.append(_tc_edge(
            xg_s, xg_r, rbf[lo:hi], sh_vectors[lo:hi], cutoffs[lo:hi],
            qbd, kbd, vbd, w1, b1, w2, b2, hc, ec, sc))
    zeros = jnp.zeros((_ZROWS, _XD), jnp.float32)
    partials = _sc_scatter(scaled_chunks, receivers, zeros)
    d_att_inv, d_att_ev = _tc_reduce(partials)
    return (d_att_inv, d_att_ev)

# --- scband reference (transcript-rebuilt; emitter-appended) ---
"""Pipeline reference for scband-euclidean-attention-block-61546881352455 (READ-ONLY COPY).

The authoritative reference and input builder live on the scoring server;
editing this copy changes nothing except your own understanding.
"""

import jax, jax.numpy as jnp
import numpy as np

DEGREES = [0, 1, 2, 3]
REPEATS = np.array([2 * l + 1 for l in DEGREES])  # [1,3,5,7]
EV_DIM = int(REPEATS.sum())  # 16
N = 10000
E = 320000
F = 128
NUM_RBF = 32
H_INV = 8
D_INV = F // H_INV   # 16
H_EV = len(DEGREES)  # 4
D_EV = F // H_EV     # 32
HID = 64
FILT_IN = NUM_RBF + len(DEGREES)  # 36


def setup_inputs(seed: int = 0) -> dict:
    key = jax.random.key(seed)
    ks = [jax.random.fold_in(key, i) for i in range(32)]
    s = 0.05
    inp = {}
    inp["inv_features"] = jax.random.normal(ks[0], (N, F), jnp.float32)
    inp["ev_features"] = jax.random.normal(ks[1], (N, EV_DIM), jnp.float32)
    inp["rbf"] = jax.random.uniform(ks[2], (E, NUM_RBF), jnp.float32)
    inp["senders"] = jax.random.randint(ks[3], (E,), 0, N)
    inp["receivers"] = jax.random.randint(ks[4], (E,), 0, N)
    inp["sh_vectors"] = jax.random.normal(ks[5], (E, EV_DIM), jnp.float32)
    inp["cutoffs"] = jax.random.uniform(ks[6], (E, 1), jnp.float32)
    inp["W_q_inv"] = jax.random.normal(ks[7], (H_INV, D_INV, D_INV), jnp.float32) * s
    inp["W_k_inv"] = jax.random.normal(ks[8], (H_INV, D_INV, D_INV), jnp.float32) * s
    inp["W_v_inv"] = jax.random.normal(ks[9], (H_INV, D_INV, D_INV), jnp.float32) * s
    inp["W_q_ev"] = jax.random.normal(ks[10], (H_EV, D_EV, D_EV), jnp.float32) * s
    inp["W_k_ev"] = jax.random.normal(ks[11], (H_EV, D_EV, D_EV), jnp.float32) * s
    inp["W1_inv"] = jax.random.normal(ks[12], (FILT_IN, HID), jnp.float32) * s
    inp["b1_inv"] = jnp.zeros((HID,), jnp.float32)
    inp["W2_inv"] = jax.random.normal(ks[13], (HID, F), jnp.float32) * s
    inp["b2_inv"] = jnp.zeros((F,), jnp.float32)
    inp["W1_ev"] = jax.random.normal(ks[14], (FILT_IN, HID), jnp.float32) * s
    inp["b1_ev"] = jnp.zeros((HID,), jnp.float32)
    inp["W2_ev"] = jax.random.normal(ks[15], (HID, F), jnp.float32) * s
    inp["b2_ev"] = jnp.zeros((F,), jnp.float32)
    return inp


def _l0_contraction(ev):
    outs = []
    off = 0
    for r in REPEATS:
        seg = ev[..., off:off + int(r)]
        outs.append(jnp.sum(seg * seg, axis=-1))
        off += int(r)
    return jnp.stack(outs, axis=-1)


def _filter_net(rbf, inv, W1, b1, W2, b2):
    h = jnp.concatenate([rbf, inv], axis=-1) @ W1 + b1
    h = jax.nn.silu(h)
    return h @ W2 + b2


def reference(inv_features, ev_features, rbf, senders, receivers, sh_vectors, cutoffs,
              W_q_inv, W_k_inv, W_v_inv, W_q_ev, W_k_ev,
              W1_inv, b1_inv, W2_inv, b2_inv, W1_ev, b1_ev, W2_ev, b2_ev):
    ev_diff = ev_features[senders] - ev_features[receivers]
    inv_c = _l0_contraction(ev_diff)
    fw_inv = _filter_net(rbf, inv_c, W1_inv, b1_inv, W2_inv, b2_inv).reshape(-1, H_INV, D_INV)
    fw_ev = _filter_net(rbf, inv_c, W1_ev, b1_ev, W2_ev, b2_ev).reshape(-1, H_EV, D_EV)
    xi = inv_features.reshape(-1, H_INV, D_INV)
    xe = inv_features.reshape(-1, H_EV, D_EV)
    q_inv = jax.nn.silu(jnp.einsum('nhd,hde->nhe', xi, W_q_inv))[receivers]
    k_inv = jax.nn.silu(jnp.einsum('nhd,hde->nhe', xi, W_k_inv))[senders]
    v_inv = jnp.einsum('nhd,hde->nhe', xi, W_v_inv)[senders]
    q_ev = jax.nn.silu(jnp.einsum('nhd,hde->nhe', xe, W_q_ev))[receivers]
    k_ev = jax.nn.silu(jnp.einsum('nhd,hde->nhe', xe, W_k_ev))[senders]
    filtered_k_inv = k_inv * fw_inv
    filtered_k_ev = k_ev * fw_ev
    alpha_inv = jnp.sum(q_inv * filtered_k_inv, axis=-1, keepdims=True) / np.sqrt(D_INV)
    alpha_ev = jnp.sum(q_ev * filtered_k_ev, axis=-1) / np.sqrt(D_EV)
    scaled_inv = cutoffs[:, None] * alpha_inv * v_inv
    d_att_inv = jax.ops.segment_sum(scaled_inv, receivers, num_segments=N).reshape(-1, F)
    alpha_ev_r = jnp.repeat(alpha_ev, jnp.asarray(REPEATS), axis=-1, total_repeat_length=EV_DIM)
    scaled_ev = cutoffs * alpha_ev_r * sh_vectors
    d_att_ev = jax.ops.segment_sum(scaled_ev, receivers, num_segments=N)
    return (d_att_inv, d_att_ev)

if __name__ == "__main__":
    import jax
    _d = setup_inputs()
    print(jax.jit(kernel)(*tuple(_d.values())))

</pallas_src>

<mosaic_0001>
#map = affine_map<(d0, d1) -> (0, 0)>
#map1 = affine_map<(d0, d1) -> (0)>
module attributes {stable_mosaic.version = 14 : i64} {
  func.func @_sc_gather_body(%arg0: i32, %arg1: i32, %arg2: memref<10000x144xf32, #tpu.memory_space<hbm>>, %arg3: memref<64000xi32, #tpu.memory_space<hbm>>, %arg4: memref<64000xi32, #tpu.memory_space<hbm>>, %arg5: memref<64000x144xf32, #tpu.memory_space<hbm>>, %arg6: memref<64000x144xf32, #tpu.memory_space<hbm>>, %arg7: memref<80xi32, #tpu.memory_space<vmem>>, %arg8: memref<80xi32, #tpu.memory_space<vmem>>, %arg9: memref<80x144xf32, #tpu.memory_space<vmem>>, %arg10: memref<80x144xf32, #tpu.memory_space<vmem>>, %arg11: memref<!tpu.dma_semaphore, #tpu.memory_space<semaphore_mem>>, %arg12: memref<!tpu.dma_semaphore, #tpu.memory_space<semaphore_mem>>, %arg13: memref<!tpu.dma_semaphore, #tpu.memory_space<semaphore_mem>>, %arg14: memref<!tpu.dma_semaphore, #tpu.memory_space<semaphore_mem>>) attributes {dimension_semantics = [#tpu.dimension_semantics<core_parallel>, #tpu.dimension_semantics<subcore_parallel>], iteration_bounds = array<i64: 2, 16>, scalar_prefetch = 0 : i64, scratch_operands = 8 : i64, tpu.core_type = #tpu.core_type<sc_vector_subcore>, window_params = [{transform_indices = #map}, {transform_indices = #map1}, {transform_indices = #map1}, {transform_indices = #map}, {transform_indices = #map}]} {
    %mul3A = arith.constant 2 : i32
    %mul3A_0 = arith.muli %arg1, %mul3A : i32
    %add3A = arith.addi %mul3A_0, %arg0 : i32
    %mul3A_1 = arith.constant 2000 : i32
    %mul3A_2 = arith.muli %add3A, %mul3A_1 : i32
    %scan3A = arith.constant 0 : i32
    %scan3A_3 = arith.constant 25 : i32
    %scan3A_4 = arith.addi %scan3A, %scan3A_3 : i32
    %scan3A_5 = arith.constant 1 : i32
    scf.for %scan3A_7 = %scan3A to %scan3A_4 step %scan3A_5  : i32 {
      %mul3A_8 = arith.constant 1 : i32
      %mul3A_9 = arith.muli %scan3A_7, %mul3A_8 : i32
      %add3A_10 = arith.constant 0 : i32
      %add3A_11 = arith.addi %add3A_10, %mul3A_9 : i32
      %mul3A_12 = arith.constant 80 : i32
      %mul3A_13 = arith.muli %add3A_11, %mul3A_12 : i32
      %add3A_14 = arith.addi %mul3A_2, %mul3A_13 : i32
      "tpu.region"() ({
        %run_scoped3A = tpu.sem_alloc : memref<!tpu.dma_semaphore, #tpu.memory_space<semaphore_mem>>
        %dma_start3A_41 = tpu.memref_slice %arg3[%add3A_14] : memref<64000xi32, #tpu.memory_space<hbm>> -> memref<80xi32, #tpu.memory_space<hbm>>
        %dma_start3A_42 = tpu.memref_slice %arg3[%add3A_14] : memref<64000xi32, #tpu.memory_space<hbm>> -> memref<80xi32, #tpu.memory_space<hbm>>
        tpu.enqueue_dma source(%dma_start3A_42 : memref<80xi32, #tpu.memory_space<hbm>>) target(%arg7 : memref<80xi32, #tpu.memory_space<vmem>>) target_semaphore(%run_scoped3A : memref<!tpu.dma_semaphore, #tpu.memory_space<semaphore_mem>>)
        %dma_wait3A_43 = tpu.memref_slice %arg3[%add3A_14] : memref<64000xi32, #tpu.memory_space<hbm>> -> memref<80xi32, #tpu.memory_space<hbm>>
        %dma_wait3A_44 = tpu.memref_slice %arg3[%add3A_14] : memref<64000xi32, #tpu.memory_space<hbm>> -> memref<80xi32, #tpu.memory_space<hbm>>
        tpu.wait_dma2 semaphore(%run_scoped3A : memref<!tpu.dma_semaphore, #tpu.memory_space<semaphore_mem>>) src(%dma_wait3A_44 : memref<80xi32, #tpu.memory_space<hbm>>) dst(%arg7 : memref<80xi32, #tpu.memory_space<vmem>>)
        tpu.yield
      }) : () -> ()
      %dma_start3A = arith.constant 0 : i32
      %dma_start3A_15 = arith.constant 0 : i32
      %dma_start3A_16 = tpu.memref_slice %arg2[%dma_start3A, %dma_start3A_15] : memref<10000x144xf32, #tpu.memory_space<hbm>> -> memref<10000x144xf32, #tpu.memory_space<hbm>>
      tpu.enqueue_indirect_dma source(%dma_start3A_16 : memref<10000x144xf32, #tpu.memory_space<hbm>>) target(%arg9 : memref<80x144xf32, #tpu.memory_space<vmem>>) offsets(%arg7 : memref<80xi32, #tpu.memory_space<vmem>>) semaphore(%arg11 : memref<!tpu.dma_semaphore, #tpu.memory_space<semaphore_mem>>)
      "tpu.region"() ({
        %run_scoped3A = tpu.sem_alloc : memref<!tpu.dma_semaphore, #tpu.memory_space<semaphore_mem>>
        %dma_start3A_41 = tpu.memref_slice %arg4[%add3A_14] : memref<64000xi32, #tpu.memory_space<hbm>> -> memref<80xi32, #tpu.memory_space<hbm>>
        %dma_start3A_42 = tpu.memref_slice %arg4[%add3A_14] : memref<64000xi32, #tpu.memory_space<hbm>> -> memref<80xi32, #tpu.memory_space<hbm>>
        tpu.enqueue_dma source(%dma_start3A_42 : memref<80xi32, #tpu.memory_space<hbm>>) target(%arg8 : memref<80xi32, #tpu.memory_space<vmem>>) target_semaphore(%run_scoped3A : memref<!tpu.dma_semaphore, #tpu.memory_space<semaphore_mem>>)
        %dma_wait3A_43 = tpu.memref_slice %arg4[%add3A_14] : memref<64000xi32, #tpu.memory_space<hbm>> -> memref<80xi32, #tpu.memory_space<hbm>>
        %dma_wait3A_44 = tpu.memref_slice %arg4[%add3A_14] : memref<64000xi32, #tpu.memory_space<hbm>> -> memref<80xi32, #tpu.memory_space<hbm>>
        tpu.wait_dma2 semaphore(%run_scoped3A : memref<!tpu.dma_semaphore, #tpu.memory_space<semaphore_mem>>) src(%dma_wait3A_44 : memref<80xi32, #tpu.memory_space<hbm>>) dst(%arg8 : memref<80xi32, #tpu.memory_space<vmem>>)
        tpu.yield
      }) : () -> ()
      %dma_start3A_17 = arith.constant 0 : i32
      %dma_start3A_18 = arith.constant 0 : i32
      %dma_start3A_19 = tpu.memref_slice %arg2[%dma_start3A_17, %dma_start3A_18] : memref<10000x144xf32, #tpu.memory_space<hbm>> -> memref<10000x144xf32, #tpu.memory_space<hbm>>
      tpu.enqueue_indirect_dma source(%dma_start3A_19 : memref<10000x144xf32, #tpu.memory_space<hbm>>) target(%arg10 : memref<80x144xf32, #tpu.memory_space<vmem>>) offsets(%arg8 : memref<80xi32, #tpu.memory_space<vmem>>) semaphore(%arg12 : memref<!tpu.dma_semaphore, #tpu.memory_space<semaphore_mem>>)
      %dma_wait3A = arith.constant 0 : i32
      %dma_wait3A_20 = arith.constant 0 : i32
      %dma_wait3A_21 = tpu.memref_slice %arg2[%dma_wait3A, %dma_wait3A_20] : memref<10000x144xf32, #tpu.memory_space<hbm>> -> memref<10000x144xf32, #tpu.memory_space<hbm>>
      tpu.wait_indirect_dma semaphore(%arg11 : memref<!tpu.dma_semaphore, #tpu.memory_space<semaphore_mem>>) src(%dma_wait3A_21 : memref<10000x144xf32, #tpu.memory_space<hbm>>) dst(%arg9 : memref<80x144xf32, #tpu.memory_space<vmem>>)
      %dma_start3A_22 = arith.constant 0 : i32
      %dma_start3A_23 = tpu.memref_slice %arg5[%add3A_14, %dma_start3A_22] : memref<64000x144xf32, #tpu.memory_space<hbm>> -> memref<80x144xf32, #tpu.memory_space<hbm>>
      %dma_start3A_24 = arith.constant 0 : i32
      %dma_start3A_25 = tpu.memref_slice %arg5[%add3A_14, %dma_start3A_24] : memref<64000x144xf32, #tpu.memory_space<hbm>> -> memref<80x144xf32, #tpu.memory_space<hbm>>
      tpu.enqueue_dma source(%arg9 : memref<80x144xf32, #tpu.memory_space<vmem>>) target(%dma_start3A_25 : memref<80x144xf32, #tpu.memory_space<hbm>>) target_semaphore(%arg13 : memref<!tpu.dma_semaphore, #tpu.memory_space<semaphore_mem>>)
      %dma_wait3A_26 = arith.constant 0 : i32
      %dma_wait3A_27 = arith.constant 0 : i32
      %dma_wait3A_28 = tpu.memref_slice %arg2[%dma_wait3A_26, %dma_wait3A_27] : memref<10000x144xf32, #tpu.memory_space<hbm>> -> memref<10000x144xf32, #tpu.memory_space<hbm>>
      tpu.wait_indirect_dma semaphore(%arg12 : memref<!tpu.dma_semaphore, #tpu.memory_space<semaphore_mem>>) src(%dma_wait3A_28 : memref<10000x144xf32, #tpu.memory_space<hbm>>) dst(%arg10 : memref<80x144xf32, #tpu.memory_space<vmem>>)
      %dma_start3A_29 = arith.constant 0 : i32
      %dma_start3A_30 = tpu.memref_slice %arg6[%add3A_14, %dma_start3A_29] : memref<64000x144xf32, #tpu.memory_space<hbm>> -> memref<80x144xf32, #tpu.memory_space<hbm>>
      %dma_start3A_31 = arith.constant 0 : i32
      %dma_start3A_32 = tpu.memref_slice %arg6[%add3A_14, %dma_start3A_31] : memref<64000x144xf32, #tpu.memory_space<hbm>> -> memref<80x144xf32, #tpu.memory_space<hbm>>
      tpu.enqueue_dma source(%arg10 : memref<80x144xf32, #tpu.memory_space<vmem>>) target(%dma_start3A_32 : memref<80x144xf32, #tpu.memory_space<hbm>>) target_semaphore(%arg14 : memref<!tpu.dma_semaphore, #tpu.memory_space<semaphore_mem>>)
      %dma_wait3A_33 = arith.constant 0 : i32
      %dma_wait3A_34 = tpu.memref_slice %arg5[%add3A_14, %dma_wait3A_33] : memref<64000x144xf32, #tpu.memory_space<hbm>> -> memref<80x144xf32, #tpu.memory_space<hbm>>
      %dma_wait3A_35 = arith.constant 0 : i32
      %dma_wait3A_36 = tpu.memref_slice %arg5[%add3A_14, %dma_wait3A_35] : memref<64000x144xf32, #tpu.memory_space<hbm>> -> memref<80x144xf32, #tpu.memory_space<hbm>>
      tpu.wait_dma2 semaphore(%arg13 : memref<!tpu.dma_semaphore, #tpu.memory_space<semaphore_mem>>) src(%arg9 : memref<80x144xf32, #tpu.memory_space<vmem>>) dst(%dma_wait3A_36 : memref<80x144xf32, #tpu.memory_space<hbm>>)
      %dma_wait3A_37 = arith.constant 0 : i32
      %dma_wait3A_38 = tpu.memref_slice %arg6[%add3A_14, %dma_wait3A_37] : memref<64000x144xf32, #tpu.memory_space<hbm>> -> memref<80x144xf32, #tpu.memory_space<hbm>>
      %dma_wait3A_39 = arith.constant 0 : i32
      %dma_wait3A_40 = tpu.memref_slice %arg6[%add3A_14, %dma_wait3A_39] : memref<64000x144xf32, #tpu.memory_space<hbm>> -> memref<80x144xf32, #tpu.memory_space<hbm>>
      tpu.wait_dma2 semaphore(%arg14 : memref<!tpu.dma_semaphore, #tpu.memory_space<semaphore_mem>>) src(%arg10 : memref<80x144xf32, #tpu.memory_space<vmem>>) dst(%dma_wait3A_40 : memref<80x144xf32, #tpu.memory_space<hbm>>)
    }
    %scan3A_6 = arith.constant 25 : i32
    return
  }
}

#map = affine_map<(d0, d1) -> (0, 0)>
#map1 = affine_map<(d0, d1) -> (0)>
module attributes {stable_mosaic.version = 14 : i64} {
  func.func @_sc_gather_body(%arg0: i32, %arg1: i32, %arg2: memref<10000x144xf32, #tpu.memory_space<hbm>>, %arg3: memref<64000xi32, #tpu.memory_space<hbm>>, %arg4: memref<64000xi32, #tpu.memory_space<hbm>>, %arg5: memref<64000x144xf32, #tpu.memory_space<hbm>>, %arg6: memref<64000x144xf32, #tpu.memory_space<hbm>>, %arg7: memref<80xi32, #tpu.memory_space<vmem>>, %arg8: memref<80xi32, #tpu.memory_space<vmem>>, %arg9: memref<80x144xf32, #tpu.memory_space<vmem>>, %arg10: memref<80x144xf32, #tpu.memory_space<vmem>>, %arg11: memref<!tpu.dma_semaphore, #tpu.memory_space<semaphore_mem>>, %arg12: memref<!tpu.dma_semaphore, #tpu.memory_space<semaphore_mem>>, %arg13: memref<!tpu.dma_semaphore, #tpu.memory_space<semaphore_mem>>, %arg14: memref<!tpu.dma_semaphore, #tpu.memory_space<semaphore_mem>>) attributes {dimension_semantics = [#tpu.dimension_semantics<core_parallel>, #tpu.dimension_semantics<subcore_parallel>], iteration_bounds = array<i64: 2, 16>, scalar_prefetch = 0 : i64, scratch_operands = 8 : i64, tpu.core_type = #tpu.core_type<sc_vector_subcore>, window_params = [{transform_indices = #map}, {transform_indices = #map1}, {transform_indices = #map1}, {transform_indices = #map}, {transform_indices = #map}]} {
    %mul3A = arith.constant 2 : i32
    %mul3A_0 = arith.muli %arg1, %mul3A : i32
    %add3A = arith.addi %mul3A_0, %arg0 : i32
    %mul3A_1 = arith.constant 2000 : i32
    %mul3A_2 = arith.muli %add3A, %mul3A_1 : i32
    %scan3A = arith.constant 0 : i32
    %scan3A_3 = arith.constant 25 : i32
    %scan3A_4 = arith.addi %scan3A, %scan3A_3 : i32
    %scan3A_5 = arith.constant 1 : i32
    scf.for %scan3A_7 = %scan3A to %scan3A_4 step %scan3A_5  : i32 {
      %mul3A_8 = arith.constant 1 : i32
      %mul3A_9 = arith.muli %scan3A_7, %mul3A_8 : i32
      %add3A_10 = arith.constant 0 : i32
      %add3A_11 = arith.addi %add3A_10, %mul3A_9 : i32
      %mul3A_12 = arith.constant 80 : i32
      %mul3A_13 = arith.muli %add3A_11, %mul3A_12 : i32
      %add3A_14 = arith.addi %mul3A_2, %mul3A_13 : i32
      "tpu.region"() ({
        %run_scoped3A = tpu.sem_alloc : memref<!tpu.dma_semaphore, #tpu.memory_space<semaphore_mem>>
        %dma_start3A_41 = tpu.memref_slice %arg3[%add3A_14] : memref<64000xi32, #tpu.memory_space<hbm>> -> memref<80xi32, #tpu.memory_space<hbm>>
        %dma_start3A_42 = tpu.memref_slice %arg3[%add3A_14] : memref<64000xi32, #tpu.memory_space<hbm>> -> memref<80xi32, #tpu.memory_space<hbm>>
        tpu.enqueue_dma source(%dma_start3A_42 : memref<80xi32, #tpu.memory_space<hbm>>) target(%arg7 : memref<80xi32, #tpu.memory_space<vmem>>) target_semaphore(%run_scoped3A : memref<!tpu.dma_semaphore, #tpu.memory_space<semaphore_mem>>)
        %dma_wait3A_43 = tpu.memref_slice %arg3[%add3A_14] : memref<64000xi32, #tpu.memory_space<hbm>> -> memref<80xi32, #tpu.memory_space<hbm>>
        %dma_wait3A_44 = tpu.memref_slice %arg3[%add3A_14] : memref<64000xi32, #tpu.memory_space<hbm>> -> memref<80xi32, #tpu.memory_space<hbm>>
        tpu.wait_dma2 semaphore(%run_scoped3A : memref<!tpu.dma_semaphore, #tpu.memory_space<semaphore_mem>>) src(%dma_wait3A_44 : memref<80xi32, #tpu.memory_space<hbm>>) dst(%arg7 : memref<80xi32, #tpu.memory_space<vmem>>)
        tpu.yield
      }) : () -> ()
      %dma_start3A = arith.constant 0 : i32
      %dma_start3A_15 = arith.constant 0 : i32
      %dma_start3A_16 = tpu.memref_slice %arg2[%dma_start3A, %dma_start3A_15] : memref<10000x144xf32, #tpu.memory_space<hbm>> -> memref<10000x144xf32, #tpu.memory_space<hbm>>
      tpu.enqueue_indirect_dma source(%dma_start3A_16 : memref<10000x144xf32, #tpu.memory_space<hbm>>) target(%arg9 : memref<80x144xf32, #tpu.memory_space<vmem>>) offsets(%arg7 : memref<80xi32, #tpu.memory_space<vmem>>) semaphore(%arg11 : memref<!tpu.dma_semaphore, #tpu.memory_space<semaphore_mem>>)
      "tpu.region"() ({
        %run_scoped3A = tpu.sem_alloc : memref<!tpu.dma_semaphore, #tpu.memory_space<semaphore_mem>>
        %dma_start3A_41 = tpu.memref_slice %arg4[%add3A_14] : memref<64000xi32, #tpu.memory_space<hbm>> -> memref<80xi32, #tpu.memory_space<hbm>>
        %dma_start3A_42 = tpu.memref_slice %arg4[%add3A_14] : memref<64000xi32, #tpu.memory_space<hbm>> -> memref<80xi32, #tpu.memory_space<hbm>>
        tpu.enqueue_dma source(%dma_start3A_42 : memref<80xi32, #tpu.memory_space<hbm>>) target(%arg8 : memref<80xi32, #tpu.memory_space<vmem>>) target_semaphore(%run_scoped3A : memref<!tpu.dma_semaphore, #tpu.memory_space<semaphore_mem>>)
        %dma_wait3A_43 = tpu.memref_slice %arg4[%add3A_14] : memref<64000xi32, #tpu.memory_space<hbm>> -> memref<80xi32, #tpu.memory_space<hbm>>
        %dma_wait3A_44 = tpu.memref_slice %arg4[%add3A_14] : memref<64000xi32, #tpu.memory_space<hbm>> -> memref<80xi32, #tpu.memory_space<hbm>>
        tpu.wait_dma2 semaphore(%run_scoped3A : memref<!tpu.dma_semaphore, #tpu.memory_space<semaphore_mem>>) src(%dma_wait3A_44 : memref<80xi32, #tpu.memory_space<hbm>>) dst(%arg8 : memref<80xi32, #tpu.memory_space<vmem>>)
        tpu.yield
      }) : () -> ()
      %dma_start3A_17 = arith.constant 0 : i32
      %dma_start3A_18 = arith.constant 0 : i32
      %dma_start3A_19 = tpu.memref_slice %arg2[%dma_start3A_17, %dma_start3A_18] : memref<10000x144xf32, #tpu.memory_space<hbm>> -> memref<10000x144xf32, #tpu.memory_space<hbm>>
      tpu.enqueue_indirect_dma source(%dma_start3A_19 : memref<10000x144xf32, #tpu.memory_space<hbm>>) target(%arg10 : memref<80x144xf32, #tpu.memory_space<vmem>>) offsets(%arg8 : memref<80xi32, #tpu.memory_space<vmem>>) semaphore(%arg12 : memref<!tpu.dma_semaphore, #tpu.memory_space<semaphore_mem>>)
      %dma_wait3A = arith.constant 0 : i32
      %dma_wait3A_20 = arith.constant 0 : i32
      %dma_wait3A_21 = tpu.memref_slice %arg2[%dma_wait3A, %dma_wait3A_20] : memref<10000x144xf32, #tpu.memory_space<hbm>> -> memref<10000x144xf32, #tpu.memory_space<hbm>>
      tpu.wait_indirect_dma semaphore(%arg11 : memref<!tpu.dma_semaphore, #tpu.memory_space<semaphore_mem>>) src(%dma_wait3A_21 : memref<10000x144xf32, #tpu.memory_space<hbm>>) dst(%arg9 : memref<80x144xf32, #tpu.memory_space<vmem>>)
      %dma_start3A_22 = arith.constant 0 : i32
      %dma_start3A_23 = tpu.memref_slice %arg5[%add3A_14, %dma_start3A_22] : memref<64000x144xf32, #tpu.memory_space<hbm>> -> memref<80x144xf32, #tpu.memory_space<hbm>>
      %dma_start3A_24 = arith.constant 0 : i32
      %dma_start3A_25 = tpu.memref_slice %arg5[%add3A_14, %dma_start3A_24] : memref<64000x144xf32, #tpu.memory_space<hbm>> -> memref<80x144xf32, #tpu.memory_space<hbm>>
      tpu.enqueue_dma source(%arg9 : memref<80x144xf32, #tpu.memory_space<vmem>>) target(%dma_start3A_25 : memref<80x144xf32, #tpu.memory_space<hbm>>) target_semaphore(%arg13 : memref<!tpu.dma_semaphore, #tpu.memory_space<semaphore_mem>>)
      %dma_wait3A_26 = arith.constant 0 : i32
      %dma_wait3A_27 = arith.constant 0 : i32
      %dma_wait3A_28 = tpu.memref_slice %arg2[%dma_wait3A_26, %dma_wait3A_27] : memref<10000x144xf32, #tpu.memory_space<hbm>> -> memref<10000x144xf32, #tpu.memory_space<hbm>>
      tpu.wait_indirect_dma semaphore(%arg12 : memref<!tpu.dma_semaphore, #tpu.memory_space<semaphore_mem>>) src(%dma_wait3A_28 : memref<10000x144xf32, #tpu.memory_space<hbm>>) dst(%arg10 : memref<80x144xf32, #tpu.memory_space<vmem>>)
      %dma_start3A_29 = arith.constant 0 : i32
      %dma_start3A_30 = tpu.memref_slice %arg6[%add3A_14, %dma_start3A_29] : memref<64000x144xf32, #tpu.memory_space<hbm>> -> memref<80x144xf32, #tpu.memory_space<hbm>>
      %dma_start3A_31 = arith.constant 0 : i32
      %dma_start3A_32 = tpu.memref_slice %arg6[%add3A_14, %dma_start3A_31] : memref<64000x144xf32, #tpu.memory_space<hbm>> -> memref<80x144xf32, #tpu.memory_space<hbm>>
      tpu.enqueue_dma source(%arg10 : memref<80x144xf32, #tpu.memory_space<vmem>>) target(%dma_start3A_32 : memref<80x144xf32, #tpu.memory_space<hbm>>) target_semaphore(%arg14 : memref<!tpu.dma_semaphore, #tpu.memory_space<semaphore_mem>>)
      %dma_wait3A_33 = arith.constant 0 : i32
      %dma_wait3A_34 = tpu.memref_slice %arg5[%add3A_14, %dma_wait3A_33] : memref<64000x144xf32, #tpu.memory_space<hbm>> -> memref<80x144xf32, #tpu.memory_space<hbm>>
      %dma_wait3A_35 = arith.constant 0 : i32
      %dma_wait3A_36 = tpu.memref_slice %arg5[%add3A_14, %dma_wait3A_35] : memref<64000x144xf32, #tpu.memory_space<hbm>> -> memref<80x144xf32, #tpu.memory_space<hbm>>
      tpu.wait_dma2 semaphore(%arg13 : memref<!tpu.dma_semaphore, #tpu.memory_space<semaphore_mem>>) src(%arg9 : memref<80x144xf32, #tpu.memory_space<vmem>>) dst(%dma_wait3A_36 : memref<80x144xf32, #tpu.memory_space<hbm>>)
      %dma_wait3A_37 = arith.constant 0 : i32
      %dma_wait3A_38 = tpu.memref_slice %arg6[%add3A_14, %dma_wait3A_37] : memref<64000x144xf32, #tpu.memory_space<hbm>> -> memref<80x144xf32, #tpu.memory_space<hbm>>
      %dma_wait3A_39 = arith.constant 0 : i32
      %dma_wait3A_40 = tpu.memref_slice %arg6[%add3A_14, %dma_wait3A_39] : memref<64000x144xf32, #tpu.memory_space<hbm>> -> memref<80x144xf32, #tpu.memory_space<hbm>>
      tpu.wait_dma2 semaphore(%arg14 : memref<!tpu.dma_semaphore, #tpu.memory_space<semaphore_mem>>) src(%arg10 : memref<80x144xf32, #tpu.memory_space<vmem>>) dst(%dma_wait3A_40 : memref<80x144xf32, #tpu.memory_space<hbm>>)
    }
    %scan3A_6 = arith.constant 25 : i32
    return
  }
}

#map = affine_map<(d0, d1) -> (0, 0)>
#map1 = affine_map<(d0, d1) -> (0)>
module attributes {stable_mosaic.version = 14 : i64} {
  func.func @_sc_gather_body(%arg0: i32, %arg1: i32, %arg2: memref<10000x144xf32, #tpu.memory_space<hbm>>, %arg3: memref<64000xi32, #tpu.memory_space<hbm>>, %arg4: memref<64000xi32, #tpu.memory_space<hbm>>, %arg5: memref<64000x144xf32, #tpu.memory_space<hbm>>, %arg6: memref<64000x144xf32, #tpu.memory_space<hbm>>, %arg7: memref<80xi32, #tpu.memory_space<vmem>>, %arg8: memref<80xi32, #tpu.memory_space<vmem>>, %arg9: memref<80x144xf32, #tpu.memory_space<vmem>>, %arg10: memref<80x144xf32, #tpu.memory_space<vmem>>, %arg11: memref<!tpu.dma_semaphore, #tpu.memory_space<semaphore_mem>>, %arg12: memref<!tpu.dma_semaphore, #tpu.memory_space<semaphore_mem>>, %arg13: memref<!tpu.dma_semaphore, #tpu.memory_space<semaphore_mem>>, %arg14: memref<!tpu.dma_semaphore, #tpu.memory_space<semaphore_mem>>) attributes {dimension_semantics = [#tpu.dimension_semantics<core_parallel>, #tpu.dimension_semantics<subcore_parallel>], iteration_bounds = array<i64: 2, 16>, scalar_prefetch = 0 : i64, scratch_operands = 8 : i64, tpu.core_type = #tpu.core_type<sc_vector_subcore>, window_params = [{transform_indices = #map}, {transform_indices = #map1}, {transform_indices = #map1}, {transform_indices = #map}, {transform_indices = #map}]} {
    %mul3A = arith.constant 2 : i32
    %mul3A_0 = arith.muli %arg1, %mul3A : i32
    %add3A = arith.addi %mul3A_0, %arg0 : i32
    %mul3A_1 = arith.constant 2000 : i32
    %mul3A_2 = arith.muli %add3A, %mul3A_1 : i32
    %scan3A = arith.constant 0 : i32
    %scan3A_3 = arith.constant 25 : i32
    %scan3A_4 = arith.addi %scan3A, %scan3A_3 : i32
    %scan3A_5 = arith.constant 1 : i32
    scf.for %scan3A_7 = %scan3A to %scan3A_4 step %scan3A_5  : i32 {
      %mul3A_8 = arith.constant 1 : i32
      %mul3A_9 = arith.muli %scan3A_7, %mul3A_8 : i32
      %add3A_10 = arith.constant 0 : i32
      %add3A_11 = arith.addi %add3A_10, %mul3A_9 : i32
      %mul3A_12 = arith.constant 80 : i32
      %mul3A_13 = arith.muli %add3A_11, %mul3A_12 : i32
      %add3A_14 = arith.addi %mul3A_2, %mul3A_13 : i32
      "tpu.region"() ({
        %run_scoped3A = tpu.sem_alloc : memref<!tpu.dma_semaphore, #tpu.memory_space<semaphore_mem>>
        %dma_start3A_41 = tpu.memref_slice %arg3[%add3A_14] : memref<64000xi32, #tpu.memory_space<hbm>> -> memref<80xi32, #tpu.memory_space<hbm>>
        %dma_start3A_42 = tpu.memref_slice %arg3[%add3A_14] : memref<64000xi32, #tpu.memory_space<hbm>> -> memref<80xi32, #tpu.memory_space<hbm>>
        tpu.enqueue_dma source(%dma_start3A_42 : memref<80xi32, #tpu.memory_space<hbm>>) target(%arg7 : memref<80xi32, #tpu.memory_space<vmem>>) target_semaphore(%run_scoped3A : memref<!tpu.dma_semaphore, #tpu.memory_space<semaphore_mem>>)
        %dma_wait3A_43 = tpu.memref_slice %arg3[%add3A_14] : memref<64000xi32, #tpu.memory_space<hbm>> -> memref<80xi32, #tpu.memory_space<hbm>>
        %dma_wait3A_44 = tpu.memref_slice %arg3[%add3A_14] : memref<64000xi32, #tpu.memory_space<hbm>> -> memref<80xi32, #tpu.memory_space<hbm>>
        tpu.wait_dma2 semaphore(%run_scoped3A : memref<!tpu.dma_semaphore, #tpu.memory_space<semaphore_mem>>) src(%dma_wait3A_44 : memref<80xi32, #tpu.memory_space<hbm>>) dst(%arg7 : memref<80xi32, #tpu.memory_space<vmem>>)
        tpu.yield
      }) : () -> ()
      %dma_start3A = arith.constant 0 : i32
      %dma_start3A_15 = arith.constant 0 : i32
      %dma_start3A_16 = tpu.memref_slice %arg2[%dma_start3A, %dma_start3A_15] : memref<10000x144xf32, #tpu.memory_space<hbm>> -> memref<10000x144xf32, #tpu.memory_space<hbm>>
      tpu.enqueue_indirect_dma source(%dma_start3A_16 : memref<10000x144xf32, #tpu.memory_space<hbm>>) target(%arg9 : memref<80x144xf32, #tpu.memory_space<vmem>>) offsets(%arg7 : memref<80xi32, #tpu.memory_space<vmem>>) semaphore(%arg11 : memref<!tpu.dma_semaphore, #tpu.memory_space<semaphore_mem>>)
      "tpu.region"() ({
        %run_scoped3A = tpu.sem_alloc : memref<!tpu.dma_semaphore, #tpu.memory_space<semaphore_mem>>
        %dma_start3A_41 = tpu.memref_slice %arg4[%add3A_14] : memref<64000xi32, #tpu.memory_space<hbm>> -> memref<80xi32, #tpu.memory_space<hbm>>
        %dma_start3A_42 = tpu.memref_slice %arg4[%add3A_14] : memref<64000xi32, #tpu.memory_space<hbm>> -> memref<80xi32, #tpu.memory_space<hbm>>
        tpu.enqueue_dma source(%dma_start3A_42 : memref<80xi32, #tpu.memory_space<hbm>>) target(%arg8 : memref<80xi32, #tpu.memory_space<vmem>>) target_semaphore(%run_scoped3A : memref<!tpu.dma_semaphore, #tpu.memory_space<semaphore_mem>>)
        %dma_wait3A_43 = tpu.memref_slice %arg4[%add3A_14] : memref<64000xi32, #tpu.memory_space<hbm>> -> memref<80xi32, #tpu.memory_space<hbm>>
        %dma_wait3A_44 = tpu.memref_slice %arg4[%add3A_14] : memref<64000xi32, #tpu.memory_space<hbm>> -> memref<80xi32, #tpu.memory_space<hbm>>
        tpu.wait_dma2 semaphore(%run_scoped3A : memref<!tpu.dma_semaphore, #tpu.memory_space<semaphore_mem>>) src(%dma_wait3A_44 : memref<80xi32, #tpu.memory_space<hbm>>) dst(%arg8 : memref<80xi32, #tpu.memory_space<vmem>>)
        tpu.yield
      }) : () -> ()
      %dma_start3A_17 = arith.constant 0 : i32
      %dma_start3A_18 = arith.constant 0 : i32
      %dma_start3A_19 = tpu.memref_slice %arg2[%dma_start3A_17, %dma_start3A_18] : memref<10000x144xf32, #tpu.memory_space<hbm>> -> memref<10000x144xf32, #tpu.memory_space<hbm>>
      tpu.enqueue_indirect_dma source(%dma_start3A_19 : memref<10000x144xf32, #tpu.memory_space<hbm>>) target(%arg10 : memref<80x144xf32, #tpu.memory_space<vmem>>) offsets(%arg8 : memref<80xi32, #tpu.memory_space<vmem>>) semaphore(%arg12 : memref<!tpu.dma_semaphore, #tpu.memory_space<semaphore_mem>>)
      %dma_wait3A = arith.constant 0 : i32
      %dma_wait3A_20 = arith.constant 0 : i32
      %dma_wait3A_21 = tpu.memref_slice %arg2[%dma_wait3A, %dma_wait3A_20] : memref<10000x144xf32, #tpu.memory_space<hbm>> -> memref<10000x144xf32, #tpu.memory_space<hbm>>
      tpu.wait_indirect_dma semaphore(%arg11 : memref<!tpu.dma_semaphore, #tpu.memory_space<semaphore_mem>>) src(%dma_wait3A_21 : memref<10000x144xf32, #tpu.memory_space<hbm>>) dst(%arg9 : memref<80x144xf32, #tpu.memory_space<vmem>>)
      %dma_start3A_22 = arith.constant 0 : i32
      %dma_start3A_23 = tpu.memref_slice %arg5[%add3A_14, %dma_start3A_22] : memref<64000x144xf32, #tpu.memory_space<hbm>> -> memref<80x144xf32, #tpu.memory_space<hbm>>
      %dma_start3A_24 = arith.constant 0 : i32
      %dma_start3A_25 = tpu.memref_slice %arg5[%add3A_14, %dma_start3A_24] : memref<64000x144xf32, #tpu.memory_space<hbm>> -> memref<80x144xf32, #tpu.memory_space<hbm>>
      tpu.enqueue_dma source(%arg9 : memref<80x144xf32, #tpu.memory_space<vmem>>) target(%dma_start3A_25 : memref<80x144xf32, #tpu.memory_space<hbm>>) target_semaphore(%arg13 : memref<!tpu.dma_semaphore, #tpu.memory_space<semaphore_mem>>)
      %dma_wait3A_26 = arith.constant 0 : i32
      %dma_wait3A_27 = arith.constant 0 : i32
      %dma_wait3A_28 = tpu.memref_slice %arg2[%dma_wait3A_26, %dma_wait3A_27] : memref<10000x144xf32, #tpu.memory_space<hbm>> -> memref<10000x144xf32, #tpu.memory_space<hbm>>
      tpu.wait_indirect_dma semaphore(%arg12 : memref<!tpu.dma_semaphore, #tpu.memory_space<semaphore_mem>>) src(%dma_wait3A_28 : memref<10000x144xf32, #tpu.memory_space<hbm>>) dst(%arg10 : memref<80x144xf32, #tpu.memory_space<vmem>>)
      %dma_start3A_29 = arith.constant 0 : i32
      %dma_start3A_30 = tpu.memref_slice %arg6[%add3A_14, %dma_start3A_29] : memref<64000x144xf32, #tpu.memory_space<hbm>> -> memref<80x144xf32, #tpu.memory_space<hbm>>
      %dma_start3A_31 = arith.constant 0 : i32
      %dma_start3A_32 = tpu.memref_slice %arg6[%add3A_14, %dma_start3A_31] : memref<64000x144xf32, #tpu.memory_space<hbm>> -> memref<80x144xf32, #tpu.memory_space<hbm>>
      tpu.enqueue_dma source(%arg10 : memref<80x144xf32, #tpu.memory_space<vmem>>) target(%dma_start3A_32 : memref<80x144xf32, #tpu.memory_space<hbm>>) target_semaphore(%arg14 : memref<!tpu.dma_semaphore, #tpu.memory_space<semaphore_mem>>)
      %dma_wait3A_33 = arith.constant 0 : i32
      %dma_wait3A_34 = tpu.memref_slice %arg5[%add3A_14, %dma_wait3A_33] : memref<64000x144xf32, #tpu.memory_space<hbm>> -> memref<80x144xf32, #tpu.memory_space<hbm>>
      %dma_wait3A_35 = arith.constant 0 : i32
      %dma_wait3A_36 = tpu.memref_slice %arg5[%add3A_14, %dma_wait3A_35] : memref<64000x144xf32, #tpu.memory_space<hbm>> -> memref<80x144xf32, #tpu.memory_space<hbm>>
      tpu.wait_dma2 semaphore(%arg13 : memref<!tpu.dma_semaphore, #tpu.memory_space<semaphore_mem>>) src(%arg9 : memref<80x144xf32, #tpu.memory_space<vmem>>) dst(%dma_wait3A_36 : memref<80x144xf32, #tpu.memory_space<hbm>>)
      %dma_wait3A_37 = arith.constant 0 : i32
      %dma_wait3A_38 = tpu.memref_slice %arg6[%add3A_14, %dma_wait3A_37] : memref<64000x144xf32, #tpu.memory_space<hbm>> -> memref<80x144xf32, #tpu.memory_space<hbm>>
      %dma_wait3A_39 = arith.constant 0 : i32
      %dma_wait3A_40 = tpu.memref_slice %arg6[%add3A_14, %dma_wait3A_39] : memref<64000x144xf32, #tpu.memory_space<hbm>> -> memref<80x144xf32, #tpu.memory_space<hbm>>
      tpu.wait_dma2 semaphore(%arg14 : memref<!tpu.dma_semaphore, #tpu.memory_space<semaphore_mem>>) src(%arg10 : memref<80x144xf32, #tpu.memory_space<vmem>>) dst(%dma_wait3A_40 : memref<80x144xf32, #tpu.memory_space<hbm>>)
    }
    %scan3A_6 = arith.constant 25 : i32
    return
  }
}

#map = affine_map<(d0, d1) -> (0, 0)>
#map1 = affine_map<(d0, d1) -> (0)>
module attributes {stable_mosaic.version = 14 : i64} {
  func.func @_sc_gather_body(%arg0: i32, %arg1: i32, %arg2: memref<10000x144xf32, #tpu.memory_space<hbm>>, %arg3: memref<64000xi32, #tpu.memory_space<hbm>>, %arg4: memref<64000xi32, #tpu.memory_space<hbm>>, %arg5: memref<64000x144xf32, #tpu.memory_space<hbm>>, %arg6: memref<64000x144xf32, #tpu.memory_space<hbm>>, %arg7: memref<80xi32, #tpu.memory_space<vmem>>, %arg8: memref<80xi32, #tpu.memory_space<vmem>>, %arg9: memref<80x144xf32, #tpu.memory_space<vmem>>, %arg10: memref<80x144xf32, #tpu.memory_space<vmem>>, %arg11: memref<!tpu.dma_semaphore, #tpu.memory_space<semaphore_mem>>, %arg12: memref<!tpu.dma_semaphore, #tpu.memory_space<semaphore_mem>>, %arg13: memref<!tpu.dma_semaphore, #tpu.memory_space<semaphore_mem>>, %arg14: memref<!tpu.dma_semaphore, #tpu.memory_space<semaphore_mem>>) attributes {dimension_semantics = [#tpu.dimension_semantics<core_parallel>, #tpu.dimension_semantics<subcore_parallel>], iteration_bounds = array<i64: 2, 16>, scalar_prefetch = 0 : i64, scratch_operands = 8 : i64, tpu.core_type = #tpu.core_type<sc_vector_subcore>, window_params = [{transform_indices = #map}, {transform_indices = #map1}, {transform_indices = #map1}, {transform_indices = #map}, {transform_indices = #map}]} {
    %mul3A = arith.constant 2 : i32
    %mul3A_0 = arith.muli %arg1, %mul3A : i32
    %add3A = arith.addi %mul3A_0, %arg0 : i32
    %mul3A_1 = arith.constant 2000 : i32
    %mul3A_2 = arith.muli %add3A, %mul3A_1 : i32
    %scan3A = arith.constant 0 : i32
    %scan3A_3 = arith.constant 25 : i32
    %scan3A_4 = arith.addi %scan3A, %scan3A_3 : i32
    %scan3A_5 = arith.constant 1 : i32
    scf.for %scan3A_7 = %scan3A to %scan3A_4 step %scan3A_5  : i32 {
      %mul3A_8 = arith.constant 1 : i32
      %mul3A_9 = arith.muli %scan3A_7, %mul3A_8 : i32
      %add3A_10 = arith.constant 0 : i32
      %add3A_11 = arith.addi %add3A_10, %mul3A_9 : i32
      %mul3A_12 = arith.constant 80 : i32
      %mul3A_13 = arith.muli %add3A_11, %mul3A_12 : i32
      %add3A_14 = arith.addi %mul3A_2, %mul3A_13 : i32
      "tpu.region"() ({
        %run_scoped3A = tpu.sem_alloc : memref<!tpu.dma_semaphore, #tpu.memory_space<semaphore_mem>>
        %dma_start3A_41 = tpu.memref_slice %arg3[%add3A_14] : memref<64000xi32, #tpu.memory_space<hbm>> -> memref<80xi32, #tpu.memory_space<hbm>>
        %dma_start3A_42 = tpu.memref_slice %arg3[%add3A_14] : memref<64000xi32, #tpu.memory_space<hbm>> -> memref<80xi32, #tpu.memory_space<hbm>>
        tpu.enqueue_dma source(%dma_start3A_42 : memref<80xi32, #tpu.memory_space<hbm>>) target(%arg7 : memref<80xi32, #tpu.memory_space<vmem>>) target_semaphore(%run_scoped3A : memref<!tpu.dma_semaphore, #tpu.memory_space<semaphore_mem>>)
        %dma_wait3A_43 = tpu.memref_slice %arg3[%add3A_14] : memref<64000xi32, #tpu.memory_space<hbm>> -> memref<80xi32, #tpu.memory_space<hbm>>
        %dma_wait3A_44 = tpu.memref_slice %arg3[%add3A_14] : memref<64000xi32, #tpu.memory_space<hbm>> -> memref<80xi32, #tpu.memory_space<hbm>>
        tpu.wait_dma2 semaphore(%run_scoped3A : memref<!tpu.dma_semaphore, #tpu.memory_space<semaphore_mem>>) src(%dma_wait3A_44 : memref<80xi32, #tpu.memory_space<hbm>>) dst(%arg7 : memref<80xi32, #tpu.memory_space<vmem>>)
        tpu.yield
      }) : () -> ()
      %dma_start3A = arith.constant 0 : i32
      %dma_start3A_15 = arith.constant 0 : i32
      %dma_start3A_16 = tpu.memref_slice %arg2[%dma_start3A, %dma_start3A_15] : memref<10000x144xf32, #tpu.memory_space<hbm>> -> memref<10000x144xf32, #tpu.memory_space<hbm>>
      tpu.enqueue_indirect_dma source(%dma_start3A_16 : memref<10000x144xf32, #tpu.memory_space<hbm>>) target(%arg9 : memref<80x144xf32, #tpu.memory_space<vmem>>) offsets(%arg7 : memref<80xi32, #tpu.memory_space<vmem>>) semaphore(%arg11 : memref<!tpu.dma_semaphore, #tpu.memory_space<semaphore_mem>>)
      "tpu.region"() ({
        %run_scoped3A = tpu.sem_alloc : memref<!tpu.dma_semaphore, #tpu.memory_space<semaphore_mem>>
        %dma_start3A_41 = tpu.memref_slice %arg4[%add3A_14] : memref<64000xi32, #tpu.memory_space<hbm>> -> memref<80xi32, #tpu.memory_space<hbm>>
        %dma_start3A_42 = tpu.memref_slice %arg4[%add3A_14] : memref<64000xi32, #tpu.memory_space<hbm>> -> memref<80xi32, #tpu.memory_space<hbm>>
        tpu.enqueue_dma source(%dma_start3A_42 : memref<80xi32, #tpu.memory_space<hbm>>) target(%arg8 : memref<80xi32, #tpu.memory_space<vmem>>) target_semaphore(%run_scoped3A : memref<!tpu.dma_semaphore, #tpu.memory_space<semaphore_mem>>)
        %dma_wait3A_43 = tpu.memref_slice %arg4[%add3A_14] : memref<64000xi32, #tpu.memory_space<hbm>> -> memref<80xi32, #tpu.memory_space<hbm>>
        %dma_wait3A_44 = tpu.memref_slice %arg4[%add3A_14] : memref<64000xi32, #tpu.memory_space<hbm>> -> memref<80xi32, #tpu.memory_space<hbm>>
        tpu.wait_dma2 semaphore(%run_scoped3A : memref<!tpu.dma_semaphore, #tpu.memory_space<semaphore_mem>>) src(%dma_wait3A_44 : memref<80xi32, #tpu.memory_space<hbm>>) dst(%arg8 : memref<80xi32, #tpu.memory_space<vmem>>)
        tpu.yield
      }) : () -> ()
      %dma_start3A_17 = arith.constant 0 : i32
      %dma_start3A_18 = arith.constant 0 : i32
      %dma_start3A_19 = tpu.memref_slice %arg2[%dma_start3A_17, %dma_start3A_18] : memref<10000x144xf32, #tpu.memory_space<hbm>> -> memref<10000x144xf32, #tpu.memory_space<hbm>>
      tpu.enqueue_indirect_dma source(%dma_start3A_19 : memref<10000x144xf32, #tpu.memory_space<hbm>>) target(%arg10 : memref<80x144xf32, #tpu.memory_space<vmem>>) offsets(%arg8 : memref<80xi32, #tpu.memory_space<vmem>>) semaphore(%arg12 : memref<!tpu.dma_semaphore, #tpu.memory_space<semaphore_mem>>)
      %dma_wait3A = arith.constant 0 : i32
      %dma_wait3A_20 = arith.constant 0 : i32
      %dma_wait3A_21 = tpu.memref_slice %arg2[%dma_wait3A, %dma_wait3A_20] : memref<10000x144xf32, #tpu.memory_space<hbm>> -> memref<10000x144xf32, #tpu.memory_space<hbm>>
      tpu.wait_indirect_dma semaphore(%arg11 : memref<!tpu.dma_semaphore, #tpu.memory_space<semaphore_mem>>) src(%dma_wait3A_21 : memref<10000x144xf32, #tpu.memory_space<hbm>>) dst(%arg9 : memref<80x144xf32, #tpu.memory_space<vmem>>)
      %dma_start3A_22 = arith.constant 0 : i32
      %dma_start3A_23 = tpu.memref_slice %arg5[%add3A_14, %dma_start3A_22] : memref<64000x144xf32, #tpu.memory_space<hbm>> -> memref<80x144xf32, #tpu.memory_space<hbm>>
      %dma_start3A_24 = arith.constant 0 : i32
      %dma_start3A_25 = tpu.memref_slice %arg5[%add3A_14, %dma_start3A_24] : memref<64000x144xf32, #tpu.memory_space<hbm>> -> memref<80x144xf32, #tpu.memory_space<hbm>>
      tpu.enqueue_dma source(%arg9 : memref<80x144xf32, #tpu.memory_space<vmem>>) target(%dma_start3A_25 : memref<80x144xf32, #tpu.memory_space<hbm>>) target_semaphore(%arg13 : memref<!tpu.dma_semaphore, #tpu.memory_space<semaphore_mem>>)
      %dma_wait3A_26 = arith.constant 0 : i32
      %dma_wait3A_27 = arith.constant 0 : i32
      %dma_wait3A_28 = tpu.memref_slice %arg2[%dma_wait3A_26, %dma_wait3A_27] : memref<10000x144xf32, #tpu.memory_space<hbm>> -> memref<10000x144xf32, #tpu.memory_space<hbm>>
      tpu.wait_indirect_dma semaphore(%arg12 : memref<!tpu.dma_semaphore, #tpu.memory_space<semaphore_mem>>) src(%dma_wait3A_28 : memref<10000x144xf32, #tpu.memory_space<hbm>>) dst(%arg10 : memref<80x144xf32, #tpu.memory_space<vmem>>)
      %dma_start3A_29 = arith.constant 0 : i32
      %dma_start3A_30 = tpu.memref_slice %arg6[%add3A_14, %dma_start3A_29] : memref<64000x144xf32, #tpu.memory_space<hbm>> -> memref<80x144xf32, #tpu.memory_space<hbm>>
      %dma_start3A_31 = arith.constant 0 : i32
      %dma_start3A_32 = tpu.memref_slice %arg6[%add3A_14, %dma_start3A_31] : memref<64000x144xf32, #tpu.memory_space<hbm>> -> memref<80x144xf32, #tpu.memory_space<hbm>>
      tpu.enqueue_dma source(%arg10 : memref<80x144xf32, #tpu.memory_space<vmem>>) target(%dma_start3A_32 : memref<80x144xf32, #tpu.memory_space<hbm>>) target_semaphore(%arg14 : memref<!tpu.dma_semaphore, #tpu.memory_space<semaphore_mem>>)
      %dma_wait3A_33 = arith.constant 0 : i32
      %dma_wait3A_34 = tpu.memref_slice %arg5[%add3A_14, %dma_wait3A_33] : memref<64000x144xf32, #tpu.memory_space<hbm>> -> memref<80x144xf32, #tpu.memory_space<hbm>>
      %dma_wait3A_35 = arith.constant 0 : i32
      %dma_wait3A_36 = tpu.memref_slice %arg5[%add3A_14, %dma_wait3A_35] : memref<64000x144xf32, #tpu.memory_space<hbm>> -> memref<80x144xf32, #tpu.memory_space<hbm>>
      tpu.wait_dma2 semaphore(%arg13 : memref<!tpu.dma_semaphore, #tpu.memory_space<semaphore_mem>>) src(%arg9 : memref<80x144xf32, #tpu.memory_space<vmem>>) dst(%dma_wait3A_36 : memref<80x144xf32, #tpu.memory_space<hbm>>)
      %dma_wait3A_37 = arith.constant 0 : i32
      %dma_wait3A_38 = tpu.memref_slice %arg6[%add3A_14, %dma_wait3A_37] : memref<64000x144xf32, #tpu.memory_space<hbm>> -> memref<80x144xf32, #tpu.memory_space<hbm>>
      %dma_wait3A_39 = arith.constant 0 : i32
      %dma_wait3A_40 = tpu.memref_slice %arg6[%add3A_14, %dma_wait3A_39] : memref<64000x144xf32, #tpu.memory_space<hbm>> -> memref<80x144xf32, #tpu.memory_space<hbm>>
      tpu.wait_dma2 semaphore(%arg14 : memref<!tpu.dma_semaphore, #tpu.memory_space<semaphore_mem>>) src(%arg10 : memref<80x144xf32, #tpu.memory_space<vmem>>) dst(%dma_wait3A_40 : memref<80x144xf32, #tpu.memory_space<hbm>>)
    }
    %scan3A_6 = arith.constant 25 : i32
    return
  }
}

#map = affine_map<(d0, d1) -> (0, 0)>
#map1 = affine_map<(d0, d1) -> (0)>
module attributes {stable_mosaic.version = 14 : i64} {
  func.func @_sc_gather_body(%arg0: i32, %arg1: i32, %arg2: memref<10000x144xf32, #tpu.memory_space<hbm>>, %arg3: memref<64000xi32, #tpu.memory_space<hbm>>, %arg4: memref<64000xi32, #tpu.memory_space<hbm>>, %arg5: memref<64000x144xf32, #tpu.memory_space<hbm>>, %arg6: memref<64000x144xf32, #tpu.memory_space<hbm>>, %arg7: memref<80xi32, #tpu.memory_space<vmem>>, %arg8: memref<80xi32, #tpu.memory_space<vmem>>, %arg9: memref<80x144xf32, #tpu.memory_space<vmem>>, %arg10: memref<80x144xf32, #tpu.memory_space<vmem>>, %arg11: memref<!tpu.dma_semaphore, #tpu.memory_space<semaphore_mem>>, %arg12: memref<!tpu.dma_semaphore, #tpu.memory_space<semaphore_mem>>, %arg13: memref<!tpu.dma_semaphore, #tpu.memory_space<semaphore_mem>>, %arg14: memref<!tpu.dma_semaphore, #tpu.memory_space<semaphore_mem>>) attributes {dimension_semantics = [#tpu.dimension_semantics<core_parallel>, #tpu.dimension_semantics<subcore_parallel>], iteration_bounds = array<i64: 2, 16>, scalar_prefetch = 0 : i64, scratch_operands = 8 : i64, tpu.core_type = #tpu.core_type<sc_vector_subcore>, window_params = [{transform_indices = #map}, {transform_indices = #map1}, {transform_indices = #map1}, {transform_indices = #map}, {transform_indices = #map}]} {
    %mul3A = arith.constant 2 : i32
    %mul3A_0 = arith.muli %arg1, %mul3A : i32
    %add3A = arith.addi %mul3A_0, %arg0 : i32
    %mul3A_1 = arith.constant 2000 : i32
    %mul3A_2 = arith.muli %add3A, %mul3A_1 : i32
    %scan3A = arith.constant 0 : i32
    %scan3A_3 = arith.constant 25 : i32
    %scan3A_4 = arith.addi %scan3A, %scan3A_3 : i32
    %scan3A_5 = arith.constant 1 : i32
    scf.for %scan3A_7 = %scan3A to %scan3A_4 step %scan3A_5  : i32 {
      %mul3A_8 = arith.constant 1 : i32
      %mul3A_9 = arith.muli %scan3A_7, %mul3A_8 : i32
      %add3A_10 = arith.constant 0 : i32
      %add3A_11 = arith.addi %add3A_10, %mul3A_9 : i32
      %mul3A_12 = arith.constant 80 : i32
      %mul3A_13 = arith.muli %add3A_11, %mul3A_12 : i32
      %add3A_14 = arith.addi %mul3A_2, %mul3A_13 : i32
      "tpu.region"() ({
        %run_scoped3A = tpu.sem_alloc : memref<!tpu.dma_semaphore, #tpu.memory_space<semaphore_mem>>
        %dma_start3A_41 = tpu.memref_slice %arg3[%add3A_14] : memref<64000xi32, #tpu.memory_space<hbm>> -> memref<80xi32, #tpu.memory_space<hbm>>
        %dma_start3A_42 = tpu.memref_slice %arg3[%add3A_14] : memref<64000xi32, #tpu.memory_space<hbm>> -> memref<80xi32, #tpu.memory_space<hbm>>
        tpu.enqueue_dma source(%dma_start3A_42 : memref<80xi32, #tpu.memory_space<hbm>>) target(%arg7 : memref<80xi32, #tpu.memory_space<vmem>>) target_semaphore(%run_scoped3A : memref<!tpu.dma_semaphore, #tpu.memory_space<semaphore_mem>>)
        %dma_wait3A_43 = tpu.memref_slice %arg3[%add3A_14] : memref<64000xi32, #tpu.memory_space<hbm>> -> memref<80xi32, #tpu.memory_space<hbm>>
        %dma_wait3A_44 = tpu.memref_slice %arg3[%add3A_14] : memref<64000xi32, #tpu.memory_space<hbm>> -> memref<80xi32, #tpu.memory_space<hbm>>
        tpu.wait_dma2 semaphore(%run_scoped3A : memref<!tpu.dma_semaphore, #tpu.memory_space<semaphore_mem>>) src(%dma_wait3A_44 : memref<80xi32, #tpu.memory_space<hbm>>) dst(%arg7 : memref<80xi32, #tpu.memory_space<vmem>>)
        tpu.yield
      }) : () -> ()
      %dma_start3A = arith.constant 0 : i32
      %dma_start3A_15 = arith.constant 0 : i32
      %dma_start3A_16 = tpu.memref_slice %arg2[%dma_start3A, %dma_start3A_15] : memref<10000x144xf32, #tpu.memory_space<hbm>> -> memref<10000x144xf32, #tpu.memory_space<hbm>>
      tpu.enqueue_indirect_dma source(%dma_start3A_16 : memref<10000x144xf32, #tpu.memory_space<hbm>>) target(%arg9 : memref<80x144xf32, #tpu.memory_space<vmem>>) offsets(%arg7 : memref<80xi32, #tpu.memory_space<vmem>>) semaphore(%arg11 : memref<!tpu.dma_semaphore, #tpu.memory_space<semaphore_mem>>)
      "tpu.region"() ({
        %run_scoped3A = tpu.sem_alloc : memref<!tpu.dma_semaphore, #tpu.memory_space<semaphore_mem>>
        %dma_start3A_41 = tpu.memref_slice %arg4[%add3A_14] : memref<64000xi32, #tpu.memory_space<hbm>> -> memref<80xi32, #tpu.memory_space<hbm>>
        %dma_start3A_42 = tpu.memref_slice %arg4[%add3A_14] : memref<64000xi32, #tpu.memory_space<hbm>> -> memref<80xi32, #tpu.memory_space<hbm>>
        tpu.enqueue_dma source(%dma_start3A_42 : memref<80xi32, #tpu.memory_space<hbm>>) target(%arg8 : memref<80xi32, #tpu.memory_space<vmem>>) target_semaphore(%run_scoped3A : memref<!tpu.dma_semaphore, #tpu.memory_space<semaphore_mem>>)
        %dma_wait3A_43 = tpu.memref_slice %arg4[%add3A_14] : memref<64000xi32, #tpu.memory_space<hbm>> -> memref<80xi32, #tpu.memory_space<hbm>>
        %dma_wait3A_44 = tpu.memref_slice %arg4[%add3A_14] : memref<64000xi32, #tpu.memory_space<hbm>> -> memref<80xi32, #tpu.memory_space<hbm>>
        tpu.wait_dma2 semaphore(%run_scoped3A : memref<!tpu.dma_semaphore, #tpu.memory_space<semaphore_mem>>) src(%dma_wait3A_44 : memref<80xi32, #tpu.memory_space<hbm>>) dst(%arg8 : memref<80xi32, #tpu.memory_space<vmem>>)
        tpu.yield
      }) : () -> ()
      %dma_start3A_17 = arith.constant 0 : i32
      %dma_start3A_18 = arith.constant 0 : i32
      %dma_start3A_19 = tpu.memref_slice %arg2[%dma_start3A_17, %dma_start3A_18] : memref<10000x144xf32, #tpu.memory_space<hbm>> -> memref<10000x144xf32, #tpu.memory_space<hbm>>
      tpu.enqueue_indirect_dma source(%dma_start3A_19 : memref<10000x144xf32, #tpu.memory_space<hbm>>) target(%arg10 : memref<80x144xf32, #tpu.memory_space<vmem>>) offsets(%arg8 : memref<80xi32, #tpu.memory_space<vmem>>) semaphore(%arg12 : memref<!tpu.dma_semaphore, #tpu.memory_space<semaphore_mem>>)
      %dma_wait3A = arith.constant 0 : i32
      %dma_wait3A_20 = arith.constant 0 : i32
      %dma_wait3A_21 = tpu.memref_slice %arg2[%dma_wait3A, %dma_wait3A_20] : memref<10000x144xf32, #tpu.memory_space<hbm>> -> memref<10000x144xf32, #tpu.memory_space<hbm>>
      tpu.wait_indirect_dma semaphore(%arg11 : memref<!tpu.dma_semaphore, #tpu.memory_space<semaphore_mem>>) src(%dma_wait3A_21 : memref<10000x144xf32, #tpu.memory_space<hbm>>) dst(%arg9 : memref<80x144xf32, #tpu.memory_space<vmem>>)
      %dma_start3A_22 = arith.constant 0 : i32
      %dma_start3A_23 = tpu.memref_slice %arg5[%add3A_14, %dma_start3A_22] : memref<64000x144xf32, #tpu.memory_space<hbm>> -> memref<80x144xf32, #tpu.memory_space<hbm>>
      %dma_start3A_24 = arith.constant 0 : i32
      %dma_start3A_25 = tpu.memref_slice %arg5[%add3A_14, %dma_start3A_24] : memref<64000x144xf32, #tpu.memory_space<hbm>> -> memref<80x144xf32, #tpu.memory_space<hbm>>
      tpu.enqueue_dma source(%arg9 : memref<80x144xf32, #tpu.memory_space<vmem>>) target(%dma_start3A_25 : memref<80x144xf32, #tpu.memory_space<hbm>>) target_semaphore(%arg13 : memref<!tpu.dma_semaphore, #tpu.memory_space<semaphore_mem>>)
      %dma_wait3A_26 = arith.constant 0 : i32
      %dma_wait3A_27 = arith.constant 0 : i32
      %dma_wait3A_28 = tpu.memref_slice %arg2[%dma_wait3A_26, %dma_wait3A_27] : memref<10000x144xf32, #tpu.memory_space<hbm>> -> memref<10000x144xf32, #tpu.memory_space<hbm>>
      tpu.wait_indirect_dma semaphore(%arg12 : memref<!tpu.dma_semaphore, #tpu.memory_space<semaphore_mem>>) src(%dma_wait3A_28 : memref<10000x144xf32, #tpu.memory_space<hbm>>) dst(%arg10 : memref<80x144xf32, #tpu.memory_space<vmem>>)
      %dma_start3A_29 = arith.constant 0 : i32
      %dma_start3A_30 = tpu.memref_slice %arg6[%add3A_14, %dma_start3A_29] : memref<64000x144xf32, #tpu.memory_space<hbm>> -> memref<80x144xf32, #tpu.memory_space<hbm>>
      %dma_start3A_31 = arith.constant 0 : i32
      %dma_start3A_32 = tpu.memref_slice %arg6[%add3A_14, %dma_start3A_31] : memref<64000x144xf32, #tpu.memory_space<hbm>> -> memref<80x144xf32, #tpu.memory_space<hbm>>
      tpu.enqueue_dma source(%arg10 : memref<80x144xf32, #tpu.memory_space<vmem>>) target(%dma_start3A_32 : memref<80x144xf32, #tpu.memory_space<hbm>>) target_semaphore(%arg14 : memref<!tpu.dma_semaphore, #tpu.memory_space<semaphore_mem>>)
      %dma_wait3A_33 = arith.constant 0 : i32
      %dma_wait3A_34 = tpu.memref_slice %arg5[%add3A_14, %dma_wait3A_33] : memref<64000x144xf32, #tpu.memory_space<hbm>> -> memref<80x144xf32, #tpu.memory_space<hbm>>
      %dma_wait3A_35 = arith.constant 0 : i32
      %dma_wait3A_36 = tpu.memref_slice %arg5[%add3A_14, %dma_wait3A_35] : memref<64000x144xf32, #tpu.memory_space<hbm>> -> memref<80x144xf32, #tpu.memory_space<hbm>>
      tpu.wait_dma2 semaphore(%arg13 : memref<!tpu.dma_semaphore, #tpu.memory_space<semaphore_mem>>) src(%arg9 : memref<80x144xf32, #tpu.memory_space<vmem>>) dst(%dma_wait3A_36 : memref<80x144xf32, #tpu.memory_space<hbm>>)
      %dma_wait3A_37 = arith.constant 0 : i32
      %dma_wait3A_38 = tpu.memref_slice %arg6[%add3A_14, %dma_wait3A_37] : memref<64000x144xf32, #tpu.memory_space<hbm>> -> memref<80x144xf32, #tpu.memory_space<hbm>>
      %dma_wait3A_39 = arith.constant 0 : i32
      %dma_wait3A_40 = tpu.memref_slice %arg6[%add3A_14, %dma_wait3A_39] : memref<64000x144xf32, #tpu.memory_space<hbm>> -> memref<80x144xf32, #tpu.memory_space<hbm>>
      tpu.wait_dma2 semaphore(%arg14 : memref<!tpu.dma_semaphore, #tpu.memory_space<semaphore_mem>>) src(%arg10 : memref<80x144xf32, #tpu.memory_space<vmem>>) dst(%dma_wait3A_40 : memref<80x144xf32, #tpu.memory_space<hbm>>)
    }
    %scan3A_6 = arith.constant 25 : i32
    return
  }
}

#map = affine_map<(d0, d1) -> (0, 0)>
#map1 = affine_map<(d0, d1) -> (0)>
#map2 = affine_map<(d0, d1) -> (0, 0, 0)>
module attributes {stable_mosaic.version = 14 : i64} {
  func.func @_sc_scatter_body(%arg0: i32, %arg1: i32, %arg2: memref<64000x144xf32, #tpu.memory_space<hbm>>, %arg3: memref<64000x144xf32, #tpu.memory_space<hbm>>, %arg4: memref<64000x144xf32, #tpu.memory_space<hbm>>, %arg5: memref<64000x144xf32, #tpu.memory_space<hbm>>, %arg6: memref<64000x144xf32, #tpu.memory_space<hbm>>, %arg7: memref<320000xi32, #tpu.memory_space<hbm>>, %arg8: memref<624x144xf32, #tpu.memory_space<hbm>>, %arg9: memref<2x10000x144xf32, #tpu.memory_space<hbm>>, %arg10: memref<80xi32, #tpu.memory_space<vmem>>, %arg11: memref<80x144xf32, #tpu.memory_space<vmem>>, %arg12: memref<10000x144xf32, #tpu.memory_space<vmem_shared>>) attributes {dimension_semantics = [#tpu.dimension_semantics<core_parallel>, #tpu.dimension_semantics<subcore_parallel>], iteration_bounds = array<i64: 2, 16>, scalar_prefetch = 0 : i64, scratch_operands = 3 : i64, tpu.core_type = #tpu.core_type<sc_vector_subcore>, window_params = [{transform_indices = #map}, {transform_indices = #map}, {transform_indices = #map}, {transform_indices = #map}, {transform_indices = #map}, {transform_indices = #map1}, {transform_indices = #map}, {transform_indices = #map2}]} {
    %mul3A = arith.constant 624 : i32
    %mul3A_0 = arith.muli %arg1, %mul3A : i32
    "tpu.region"() ({
      %run_scoped3A = tpu.sem_alloc : memref<!tpu.dma_semaphore, #tpu.memory_space<semaphore_mem>>
      %dma_start3A = arith.constant 0 : i32
      %dma_start3A_37 = tpu.memref_slice %arg12[%mul3A_0, %dma_start3A] : memref<10000x144xf32, #tpu.memory_space<vmem_shared>> -> memref<624x144xf32, #tpu.memory_space<vmem_shared>>
      %dma_start3A_38 = arith.constant 0 : i32
      %dma_start3A_39 = arith.constant 0 : i32
      %dma_start3A_40 = tpu.memref_slice %arg8[%dma_start3A_38, %dma_start3A_39] : memref<624x144xf32, #tpu.memory_space<hbm>> -> memref<624x144xf32, #tpu.memory_space<hbm>>
      tpu.enqueue_dma source(%dma_start3A_40 : memref<624x144xf32, #tpu.memory_space<hbm>>) target(%dma_start3A_37 : memref<624x144xf32, #tpu.memory_space<vmem_shared>>) target_semaphore(%run_scoped3A : memref<!tpu.dma_semaphore, #tpu.memory_space<semaphore_mem>>)
      %dma_wait3A = arith.constant 0 : i32
      %dma_wait3A_41 = tpu.memref_slice %arg12[%mul3A_0, %dma_wait3A] : memref<10000x144xf32, #tpu.memory_space<vmem_shared>> -> memref<624x144xf32, #tpu.memory_space<vmem_shared>>
      %dma_wait3A_42 = arith.constant 0 : i32
      %dma_wait3A_43 = arith.constant 0 : i32
      %dma_wait3A_44 = tpu.memref_slice %arg8[%dma_wait3A_42, %dma_wait3A_43] : memref<624x144xf32, #tpu.memory_space<hbm>> -> memref<624x144xf32, #tpu.memory_space<hbm>>
      tpu.wait_dma2 semaphore(%run_scoped3A : memref<!tpu.dma_semaphore, #tpu.memory_space<semaphore_mem>>) src(%dma_wait3A_44 : memref<624x144xf32, #tpu.memory_space<hbm>>) dst(%dma_wait3A_41 : memref<624x144xf32, #tpu.memory_space<vmem_shared>>)
      tpu.yield
    }) : () -> ()
    %eq3A = arith.constant 15 : i32
    %eq3A_1 = arith.cmpi eq, %arg1, %eq3A : i32
    %convert_element_type3A = arith.extui %eq3A_1 : i1 to i32
    %cond3A = arith.constant 0 : i32
    %cond3A_2 = arith.cmpi ne, %convert_element_type3A, %cond3A : i32
    scf.if %cond3A_2 {
      "tpu.region"() ({
        %run_scoped3A = tpu.sem_alloc : memref<!tpu.dma_semaphore, #tpu.memory_space<semaphore_mem>>
        %dma_start3A = arith.constant 9984 : i32
        %dma_start3A_37 = arith.constant 0 : i32
        %dma_start3A_38 = tpu.memref_slice %arg12[%dma_start3A, %dma_start3A_37] : memref<10000x144xf32, #tpu.memory_space<vmem_shared>> -> memref<16x144xf32, #tpu.memory_space<vmem_shared>>
        %dma_start3A_39 = arith.constant 0 : i32
        %dma_start3A_40 = arith.constant 0 : i32
        %dma_start3A_41 = tpu.memref_slice %arg8[%dma_start3A_39, %dma_start3A_40] : memref<624x144xf32, #tpu.memory_space<hbm>> -> memref<16x144xf32, #tpu.memory_space<hbm>>
        tpu.enqueue_dma source(%dma_start3A_41 : memref<16x144xf32, #tpu.memory_space<hbm>>) target(%dma_start3A_38 : memref<16x144xf32, #tpu.memory_space<vmem_shared>>) target_semaphore(%run_scoped3A : memref<!tpu.dma_semaphore, #tpu.memory_space<semaphore_mem>>)
        %dma_wait3A = arith.constant 9984 : i32
        %dma_wait3A_42 = arith.constant 0 : i32
        %dma_wait3A_43 = tpu.memref_slice %arg12[%dma_wait3A, %dma_wait3A_42] : memref<10000x144xf32, #tpu.memory_space<vmem_shared>> -> memref<16x144xf32, #tpu.memory_space<vmem_shared>>
        %dma_wait3A_44 = arith.constant 0 : i32
        %dma_wait3A_45 = arith.constant 0 : i32
        %dma_wait3A_46 = tpu.memref_slice %arg8[%dma_wait3A_44, %dma_wait3A_45] : memref<624x144xf32, #tpu.memory_space<hbm>> -> memref<16x144xf32, #tpu.memory_space<hbm>>
        tpu.wait_dma2 semaphore(%run_scoped3A : memref<!tpu.dma_semaphore, #tpu.memory_space<semaphore_mem>>) src(%dma_wait3A_46 : memref<16x144xf32, #tpu.memory_space<hbm>>) dst(%dma_wait3A_43 : memref<16x144xf32, #tpu.memory_space<vmem_shared>>)
        tpu.yield
      }) : () -> ()
    } else {
    }
    %barrier3A = arith.constant 0 : index
    tpu.barrier barrier_id(%barrier3A)
    %mul3A_3 = arith.constant 32000 : i32
    %mul3A_4 = arith.muli %arg0, %mul3A_3 : i32
    %mul3A_5 = arith.constant 2000 : i32
    %mul3A_6 = arith.muli %arg1, %mul3A_5 : i32
    %add3A = arith.addi %mul3A_4, %mul3A_6 : i32
    %scan3A = arith.constant 0 : i32
    %scan3A_7 = arith.constant 25 : i32
    %scan3A_8 = arith.addi %scan3A, %scan3A_7 : i32
    %scan3A_9 = arith.constant 1 : i32
    scf.for %scan3A_37 = %scan3A to %scan3A_8 step %scan3A_9  : i32 {
      %mul3A_38 = arith.constant 1 : i32
      %mul3A_39 = arith.muli %scan3A_37, %mul3A_38 : i32
      %add3A_40 = arith.constant 0 : i32
      %add3A_41 = arith.addi %add3A_40, %mul3A_39 : i32
      %mul3A_42 = arith.constant 80 : i32
      %mul3A_43 = arith.muli %add3A_41, %mul3A_42 : i32
      %add3A_44 = arith.addi %add3A, %mul3A_43 : i32
      %add3A_45 = arith.constant 0 : i32
      %add3A_46 = arith.addi %add3A_45, %add3A_44 : i32
      "tpu.region"() ({
        %run_scoped3A = tpu.sem_alloc : memref<!tpu.dma_semaphore, #tpu.memory_space<semaphore_mem>>
        %dma_start3A = tpu.memref_slice %arg7[%add3A_46] : memref<320000xi32, #tpu.memory_space<hbm>> -> memref<80xi32, #tpu.memory_space<hbm>>
        %dma_start3A_47 = tpu.memref_slice %arg7[%add3A_46] : memref<320000xi32, #tpu.memory_space<hbm>> -> memref<80xi32, #tpu.memory_space<hbm>>
        tpu.enqueue_dma source(%dma_start3A_47 : memref<80xi32, #tpu.memory_space<hbm>>) target(%arg10 : memref<80xi32, #tpu.memory_space<vmem>>) target_semaphore(%run_scoped3A : memref<!tpu.dma_semaphore, #tpu.memory_space<semaphore_mem>>)
        %dma_wait3A = tpu.memref_slice %arg7[%add3A_46] : memref<320000xi32, #tpu.memory_space<hbm>> -> memref<80xi32, #tpu.memory_space<hbm>>
        %dma_wait3A_48 = tpu.memref_slice %arg7[%add3A_46] : memref<320000xi32, #tpu.memory_space<hbm>> -> memref<80xi32, #tpu.memory_space<hbm>>
        tpu.wait_dma2 semaphore(%run_scoped3A : memref<!tpu.dma_semaphore, #tpu.memory_space<semaphore_mem>>) src(%dma_wait3A_48 : memref<80xi32, #tpu.memory_space<hbm>>) dst(%arg10 : memref<80xi32, #tpu.memory_space<vmem>>)
        tpu.yield
      }) : () -> ()
      "tpu.region"() ({
        %run_scoped3A = tpu.sem_alloc : memref<!tpu.dma_semaphore, #tpu.memory_space<semaphore_mem>>
        %dma_start3A = arith.constant 0 : i32
        %dma_start3A_47 = tpu.memref_slice %arg2[%add3A_44, %dma_start3A] : memref<64000x144xf32, #tpu.memory_space<hbm>> -> memref<80x144xf32, #tpu.memory_space<hbm>>
        %dma_start3A_48 = arith.constant 0 : i32
        %dma_start3A_49 = tpu.memref_slice %arg2[%add3A_44, %dma_start3A_48] : memref<64000x144xf32, #tpu.memory_space<hbm>> -> memref<80x144xf32, #tpu.memory_space<hbm>>
        tpu.enqueue_dma source(%dma_start3A_49 : memref<80x144xf32, #tpu.memory_space<hbm>>) target(%arg11 : memref<80x144xf32, #tpu.memory_space<vmem>>) target_semaphore(%run_scoped3A : memref<!tpu.dma_semaphore, #tpu.memory_space<semaphore_mem>>)
        %dma_wait3A = arith.constant 0 : i32
        %dma_wait3A_50 = tpu.memref_slice %arg2[%add3A_44, %dma_wait3A] : memref<64000x144xf32, #tpu.memory_space<hbm>> -> memref<80x144xf32, #tpu.memory_space<hbm>>
        %dma_wait3A_51 = arith.constant 0 : i32
        %dma_wait3A_52 = tpu.memref_slice %arg2[%add3A_44, %dma_wait3A_51] : memref<64000x144xf32, #tpu.memory_space<hbm>> -> memref<80x144xf32, #tpu.memory_space<hbm>>
        tpu.wait_dma2 semaphore(%run_scoped3A : memref<!tpu.dma_semaphore, #tpu.memory_space<semaphore_mem>>) src(%dma_wait3A_52 : memref<80x144xf32, #tpu.memory_space<hbm>>) dst(%arg11 : memref<80x144xf32, #tpu.memory_space<vmem>>)
        tpu.yield
      }) : () -> ()
      "tpu.region"() ({
        %run_scoped3A = tpu.sem_alloc : memref<!tpu.dma_semaphore, #tpu.memory_space<semaphore_mem>>
        %dma_start3A = arith.constant 0 : i32
        %dma_start3A_47 = arith.constant 0 : i32
        %dma_start3A_48 = tpu.memref_slice %arg12[%dma_start3A, %dma_start3A_47] : memref<10000x144xf32, #tpu.memory_space<vmem_shared>> -> memref<10000x144xf32, #tpu.memory_space<vmem_shared>>
        tpu.enqueue_indirect_dma source(%arg11 : memref<80x144xf32, #tpu.memory_space<vmem>>) target(%dma_start3A_48 : memref<10000x144xf32, #tpu.memory_space<vmem_shared>>) offsets(%arg10 : memref<80xi32, #tpu.memory_space<vmem>>) semaphore(%run_scoped3A : memref<!tpu.dma_semaphore, #tpu.memory_space<semaphore_mem>>) {add = true}
        %dma_wait3A = arith.constant 0 : i32
        %dma_wait3A_49 = arith.constant 0 : i32
        %dma_wait3A_50 = tpu.memref_slice %arg12[%dma_wait3A, %dma_wait3A_49] : memref<10000x144xf32, #tpu.memory_space<vmem_shared>> -> memref<10000x144xf32, #tpu.memory_space<vmem_shared>>
        tpu.wait_indirect_dma semaphore(%run_scoped3A : memref<!tpu.dma_semaphore, #tpu.memory_space<semaphore_mem>>) src(%arg11 : memref<80x144xf32, #tpu.memory_space<vmem>>) dst(%dma_wait3A_50 : memref<10000x144xf32, #tpu.memory_space<vmem_shared>>)
        tpu.yield
      }) : () -> ()
    }
    %scan3A_10 = arith.constant 25 : i32
    %scan3A_11 = arith.constant 0 : i32
    %scan3A_12 = arith.constant 25 : i32
    %scan3A_13 = arith.addi %scan3A_11, %scan3A_12 : i32
    %scan3A_14 = arith.constant 1 : i32
    scf.for %scan3A_37 = %scan3A_11 to %scan3A_13 step %scan3A_14  : i32 {
      %mul3A_38 = arith.constant 1 : i32
      %mul3A_39 = arith.muli %scan3A_37, %mul3A_38 : i32
      %add3A_40 = arith.constant 0 : i32
      %add3A_41 = arith.addi %add3A_40, %mul3A_39 : i32
      %mul3A_42 = arith.constant 80 : i32
      %mul3A_43 = arith.muli %add3A_41, %mul3A_42 : i32
      %add3A_44 = arith.addi %add3A, %mul3A_43 : i32
      %add3A_45 = arith.constant 64000 : i32
      %add3A_46 = arith.addi %add3A_45, %add3A_44 : i32
      "tpu.region"() ({
        %run_scoped3A = tpu.sem_alloc : memref<!tpu.dma_semaphore, #tpu.memory_space<semaphore_mem>>
        %dma_start3A = tpu.memref_slice %arg7[%add3A_46] : memref<320000xi32, #tpu.memory_space<hbm>> -> memref<80xi32, #tpu.memory_space<hbm>>
        %dma_start3A_47 = tpu.memref_slice %arg7[%add3A_46] : memref<320000xi32, #tpu.memory_space<hbm>> -> memref<80xi32, #tpu.memory_space<hbm>>
        tpu.enqueue_dma source(%dma_start3A_47 : memref<80xi32, #tpu.memory_space<hbm>>) target(%arg10 : memref<80xi32, #tpu.memory_space<vmem>>) target_semaphore(%run_scoped3A : memref<!tpu.dma_semaphore, #tpu.memory_space<semaphore_mem>>)
        %dma_wait3A = tpu.memref_slice %arg7[%add3A_46] : memref<320000xi32, #tpu.memory_space<hbm>> -> memref<80xi32, #tpu.memory_space<hbm>>
        %dma_wait3A_48 = tpu.memref_slice %arg7[%add3A_46] : memref<320000xi32, #tpu.memory_space<hbm>> -> memref<80xi32, #tpu.memory_space<hbm>>
        tpu.wait_dma2 semaphore(%run_scoped3A : memref<!tpu.dma_semaphore, #tpu.memory_space<semaphore_mem>>) src(%dma_wait3A_48 : memref<80xi32, #tpu.memory_space<hbm>>) dst(%arg10 : memref<80xi32, #tpu.memory_space<vmem>>)
        tpu.yield
      }) : () -> ()
      "tpu.region"() ({
        %run_scoped3A = tpu.sem_alloc : memref<!tpu.dma_semaphore, #tpu.memory_space<semaphore_mem>>
        %dma_start3A = arith.constant 0 : i32
        %dma_start3A_47 = tpu.memref_slice %arg3[%add3A_44, %dma_start3A] : memref<64000x144xf32, #tpu.memory_space<hbm>> -> memref<80x144xf32, #tpu.memory_space<hbm>>
        %dma_start3A_48 = arith.constant 0 : i32
        %dma_start3A_49 = tpu.memref_slice %arg3[%add3A_44, %dma_start3A_48] : memref<64000x144xf32, #tpu.memory_space<hbm>> -> memref<80x144xf32, #tpu.memory_space<hbm>>
        tpu.enqueue_dma source(%dma_start3A_49 : memref<80x144xf32, #tpu.memory_space<hbm>>) target(%arg11 : memref<80x144xf32, #tpu.memory_space<vmem>>) target_semaphore(%run_scoped3A : memref<!tpu.dma_semaphore, #tpu.memory_space<semaphore_mem>>)
        %dma_wait3A = arith.constant 0 : i32
        %dma_wait3A_50 = tpu.memref_slice %arg3[%add3A_44, %dma_wait3A] : memref<64000x144xf32, #tpu.memory_space<hbm>> -> memref<80x144xf32, #tpu.memory_space<hbm>>
        %dma_wait3A_51 = arith.constant 0 : i32
        %dma_wait3A_52 = tpu.memref_slice %arg3[%add3A_44, %dma_wait3A_51] : memref<64000x144xf32, #tpu.memory_space<hbm>> -> memref<80x144xf32, #tpu.memory_space<hbm>>
        tpu.wait_dma2 semaphore(%run_scoped3A : memref<!tpu.dma_semaphore, #tpu.memory_space<semaphore_mem>>) src(%dma_wait3A_52 : memref<80x144xf32, #tpu.memory_space<hbm>>) dst(%arg11 : memref<80x144xf32, #tpu.memory_space<vmem>>)
        tpu.yield
      }) : () -> ()
      "tpu.region"() ({
        %run_scoped3A = tpu.sem_alloc : memref<!tpu.dma_semaphore, #tpu.memory_space<semaphore_mem>>
        %dma_start3A = arith.constant 0 : i32
        %dma_start3A_47 = arith.constant 0 : i32
        %dma_start3A_48 = tpu.memref_slice %arg12[%dma_start3A, %dma_start3A_47] : memref<10000x144xf32, #tpu.memory_space<vmem_shared>> -> memref<10000x144xf32, #tpu.memory_space<vmem_shared>>
        tpu.enqueue_indirect_dma source(%arg11 : memref<80x144xf32, #tpu.memory_space<vmem>>) target(%dma_start3A_48 : memref<10000x144xf32, #tpu.memory_space<vmem_shared>>) offsets(%arg10 : memref<80xi32, #tpu.memory_space<vmem>>) semaphore(%run_scoped3A : memref<!tpu.dma_semaphore, #tpu.memory_space<semaphore_mem>>) {add = true}
        %dma_wait3A = arith.constant 0 : i32
        %dma_wait3A_49 = arith.constant 0 : i32
        %dma_wait3A_50 = tpu.memref_slice %arg12[%dma_wait3A, %dma_wait3A_49] : memref<10000x144xf32, #tpu.memory_space<vmem_shared>> -> memref<10000x144xf32, #tpu.memory_space<vmem_shared>>
        tpu.wait_indirect_dma semaphore(%run_scoped3A : memref<!tpu.dma_semaphore, #tpu.memory_space<semaphore_mem>>) src(%arg11 : memref<80x144xf32, #tpu.memory_space<vmem>>) dst(%dma_wait3A_50 : memref<10000x144xf32, #tpu.memory_space<vmem_shared>>)
        tpu.yield
      }) : () -> ()
    }
    %scan3A_15 = arith.constant 25 : i32
    %scan3A_16 = arith.constant 0 : i32
    %scan3A_17 = arith.constant 25 : i32
    %scan3A_18 = arith.addi %scan3A_16, %scan3A_17 : i32
    %scan3A_19 = arith.constant 1 : i32
    scf.for %scan3A_37 = %scan3A_16 to %scan3A_18 step %scan3A_19  : i32 {
      %mul3A_38 = arith.constant 1 : i32
      %mul3A_39 = arith.muli %scan3A_37, %mul3A_38 : i32
      %add3A_40 = arith.constant 0 : i32
      %add3A_41 = arith.addi %add3A_40, %mul3A_39 : i32
      %mul3A_42 = arith.constant 80 : i32
      %mul3A_43 = arith.muli %add3A_41, %mul3A_42 : i32
      %add3A_44 = arith.addi %add3A, %mul3A_43 : i32
      %add3A_45 = arith.constant 128000 : i32
      %add3A_46 = arith.addi %add3A_45, %add3A_44 : i32
      "tpu.region"() ({
        %run_scoped3A = tpu.sem_alloc : memref<!tpu.dma_semaphore, #tpu.memory_space<semaphore_mem>>
        %dma_start3A = tpu.memref_slice %arg7[%add3A_46] : memref<320000xi32, #tpu.memory_space<hbm>> -> memref<80xi32, #tpu.memory_space<hbm>>
        %dma_start3A_47 = tpu.memref_slice %arg7[%add3A_46] : memref<320000xi32, #tpu.memory_space<hbm>> -> memref<80xi32, #tpu.memory_space<hbm>>
        tpu.enqueue_dma source(%dma_start3A_47 : memref<80xi32, #tpu.memory_space<hbm>>) target(%arg10 : memref<80xi32, #tpu.memory_space<vmem>>) target_semaphore(%run_scoped3A : memref<!tpu.dma_semaphore, #tpu.memory_space<semaphore_mem>>)
        %dma_wait3A = tpu.memref_slice %arg7[%add3A_46] : memref<320000xi32, #tpu.memory_space<hbm>> -> memref<80xi32, #tpu.memory_space<hbm>>
        %dma_wait3A_48 = tpu.memref_slice %arg7[%add3A_46] : memref<320000xi32, #tpu.memory_space<hbm>> -> memref<80xi32, #tpu.memory_space<hbm>>
        tpu.wait_dma2 semaphore(%run_scoped3A : memref<!tpu.dma_semaphore, #tpu.memory_space<semaphore_mem>>) src(%dma_wait3A_48 : memref<80xi32, #tpu.memory_space<hbm>>) dst(%arg10 : memref<80xi32, #tpu.memory_space<vmem>>)
        tpu.yield
      }) : () -> ()
      "tpu.region"() ({
        %run_scoped3A = tpu.sem_alloc : memref<!tpu.dma_semaphore, #tpu.memory_space<semaphore_mem>>
        %dma_start3A = arith.constant 0 : i32
        %dma_start3A_47 = tpu.memref_slice %arg4[%add3A_44, %dma_start3A] : memref<64000x144xf32, #tpu.memory_space<hbm>> -> memref<80x144xf32, #tpu.memory_space<hbm>>
        %dma_start3A_48 = arith.constant 0 : i32
        %dma_start3A_49 = tpu.memref_slice %arg4[%add3A_44, %dma_start3A_48] : memref<64000x144xf32, #tpu.memory_space<hbm>> -> memref<80x144xf32, #tpu.memory_space<hbm>>
        tpu.enqueue_dma source(%dma_start3A_49 : memref<80x144xf32, #tpu.memory_space<hbm>>) target(%arg11 : memref<80x144xf32, #tpu.memory_space<vmem>>) target_semaphore(%run_scoped3A : memref<!tpu.dma_semaphore, #tpu.memory_space<semaphore_mem>>)
        %dma_wait3A = arith.constant 0 : i32
        %dma_wait3A_50 = tpu.memref_slice %arg4[%add3A_44, %dma_wait3A] : memref<64000x144xf32, #tpu.memory_space<hbm>> -> memref<80x144xf32, #tpu.memory_space<hbm>>
        %dma_wait3A_51 = arith.constant 0 : i32
        %dma_wait3A_52 = tpu.memref_slice %arg4[%add3A_44, %dma_wait3A_51] : memref<64000x144xf32, #tpu.memory_space<hbm>> -> memref<80x144xf32, #tpu.memory_space<hbm>>
        tpu.wait_dma2 semaphore(%run_scoped3A : memref<!tpu.dma_semaphore, #tpu.memory_space<semaphore_mem>>) src(%dma_wait3A_52 : memref<80x144xf32, #tpu.memory_space<hbm>>) dst(%arg11 : memref<80x144xf32, #tpu.memory_space<vmem>>)
        tpu.yield
      }) : () -> ()
      "tpu.region"() ({
        %run_scoped3A = tpu.sem_alloc : memref<!tpu.dma_semaphore, #tpu.memory_space<semaphore_mem>>
        %dma_start3A = arith.constant 0 : i32
        %dma_start3A_47 = arith.constant 0 : i32
        %dma_start3A_48 = tpu.memref_slice %arg12[%dma_start3A, %dma_start3A_47] : memref<10000x144xf32, #tpu.memory_space<vmem_shared>> -> memref<10000x144xf32, #tpu.memory_space<vmem_shared>>
        tpu.enqueue_indirect_dma source(%arg11 : memref<80x144xf32, #tpu.memory_space<vmem>>) target(%dma_start3A_48 : memref<10000x144xf32, #tpu.memory_space<vmem_shared>>) offsets(%arg10 : memref<80xi32, #tpu.memory_space<vmem>>) semaphore(%run_scoped3A : memref<!tpu.dma_semaphore, #tpu.memory_space<semaphore_mem>>) {add = true}
        %dma_wait3A = arith.constant 0 : i32
        %dma_wait3A_49 = arith.constant 0 : i32
        %dma_wait3A_50 = tpu.memref_slice %arg12[%dma_wait3A, %dma_wait3A_49] : memref<10000x144xf32, #tpu.memory_space<vmem_shared>> -> memref<10000x144xf32, #tpu.memory_space<vmem_shared>>
        tpu.wait_indirect_dma semaphore(%run_scoped3A : memref<!tpu.dma_semaphore, #tpu.memory_space<semaphore_mem>>) src(%arg11 : memref<80x144xf32, #tpu.memory_space<vmem>>) dst(%dma_wait3A_50 : memref<10000x144xf32, #tpu.memory_space<vmem_shared>>)
        tpu.yield
      }) : () -> ()
    }
    %scan3A_20 = arith.constant 25 : i32
    %scan3A_21 = arith.constant 0 : i32
    %scan3A_22 = arith.constant 25 : i32
    %scan3A_23 = arith.addi %scan3A_21, %scan3A_22 : i32
    %scan3A_24 = arith.constant 1 : i32
    scf.for %scan3A_37 = %scan3A_21 to %scan3A_23 step %scan3A_24  : i32 {
      %mul3A_38 = arith.constant 1 : i32
      %mul3A_39 = arith.muli %scan3A_37, %mul3A_38 : i32
      %add3A_40 = arith.constant 0 : i32
      %add3A_41 = arith.addi %add3A_40, %mul3A_39 : i32
      %mul3A_42 = arith.constant 80 : i32
      %mul3A_43 = arith.muli %add3A_41, %mul3A_42 : i32
      %add3A_44 = arith.addi %add3A, %mul3A_43 : i32
      %add3A_45 = arith.constant 192000 : i32
      %add3A_46 = arith.addi %add3A_45, %add3A_44 : i32
      "tpu.region"() ({
        %run_scoped3A = tpu.sem_alloc : memref<!tpu.dma_semaphore, #tpu.memory_space<semaphore_mem>>
        %dma_start3A = tpu.memref_slice %arg7[%add3A_46] : memref<320000xi32, #tpu.memory_space<hbm>> -> memref<80xi32, #tpu.memory_space<hbm>>
        %dma_start3A_47 = tpu.memref_slice %arg7[%add3A_46] : memref<320000xi32, #tpu.memory_space<hbm>> -> memref<80xi32, #tpu.memory_space<hbm>>
        tpu.enqueue_dma source(%dma_start3A_47 : memref<80xi32, #tpu.memory_space<hbm>>) target(%arg10 : memref<80xi32, #tpu.memory_space<vmem>>) target_semaphore(%run_scoped3A : memref<!tpu.dma_semaphore, #tpu.memory_space<semaphore_mem>>)
        %dma_wait3A = tpu.memref_slice %arg7[%add3A_46] : memref<320000xi32, #tpu.memory_space<hbm>> -> memref<80xi32, #tpu.memory_space<hbm>>
        %dma_wait3A_48 = tpu.memref_slice %arg7[%add3A_46] : memref<320000xi32, #tpu.memory_space<hbm>> -> memref<80xi32, #tpu.memory_space<hbm>>
        tpu.wait_dma2 semaphore(%run_scoped3A : memref<!tpu.dma_semaphore, #tpu.memory_space<semaphore_mem>>) src(%dma_wait3A_48 : memref<80xi32, #tpu.memory_space<hbm>>) dst(%arg10 : memref<80xi32, #tpu.memory_space<vmem>>)
        tpu.yield
      }) : () -> ()
      "tpu.region"() ({
        %run_scoped3A = tpu.sem_alloc : memref<!tpu.dma_semaphore, #tpu.memory_space<semaphore_mem>>
        %dma_start3A = arith.constant 0 : i32
        %dma_start3A_47 = tpu.memref_slice %arg5[%add3A_44, %dma_start3A] : memref<64000x144xf32, #tpu.memory_space<hbm>> -> memref<80x144xf32, #tpu.memory_space<hbm>>
        %dma_start3A_48 = arith.constant 0 : i32
        %dma_start3A_49 = tpu.memref_slice %arg5[%add3A_44, %dma_start3A_48] : memref<64000x144xf32, #tpu.memory_space<hbm>> -> memref<80x144xf32, #tpu.memory_space<hbm>>
        tpu.enqueue_dma source(%dma_start3A_49 : memref<80x144xf32, #tpu.memory_space<hbm>>) target(%arg11 : memref<80x144xf32, #tpu.memory_space<vmem>>) target_semaphore(%run_scoped3A : memref<!tpu.dma_semaphore, #tpu.memory_space<semaphore_mem>>)
        %dma_wait3A = arith.constant 0 : i32
        %dma_wait3A_50 = tpu.memref_slice %arg5[%add3A_44, %dma_wait3A] : memref<64000x144xf32, #tpu.memory_space<hbm>> -> memref<80x144xf32, #tpu.memory_space<hbm>>
        %dma_wait3A_51 = arith.constant 0 : i32
        %dma_wait3A_52 = tpu.memref_slice %arg5[%add3A_44, %dma_wait3A_51] : memref<64000x144xf32, #tpu.memory_space<hbm>> -> memref<80x144xf32, #tpu.memory_space<hbm>>
        tpu.wait_dma2 semaphore(%run_scoped3A : memref<!tpu.dma_semaphore, #tpu.memory_space<semaphore_mem>>) src(%dma_wait3A_52 : memref<80x144xf32, #tpu.memory_space<hbm>>) dst(%arg11 : memref<80x144xf32, #tpu.memory_space<vmem>>)
        tpu.yield
      }) : () -> ()
      "tpu.region"() ({
        %run_scoped3A = tpu.sem_alloc : memref<!tpu.dma_semaphore, #tpu.memory_space<semaphore_mem>>
        %dma_start3A = arith.constant 0 : i32
        %dma_start3A_47 = arith.constant 0 : i32
        %dma_start3A_48 = tpu.memref_slice %arg12[%dma_start3A, %dma_start3A_47] : memref<10000x144xf32, #tpu.memory_space<vmem_shared>> -> memref<10000x144xf32, #tpu.memory_space<vmem_shared>>
        tpu.enqueue_indirect_dma source(%arg11 : memref<80x144xf32, #tpu.memory_space<vmem>>) target(%dma_start3A_48 : memref<10000x144xf32, #tpu.memory_space<vmem_shared>>) offsets(%arg10 : memref<80xi32, #tpu.memory_space<vmem>>) semaphore(%run_scoped3A : memref<!tpu.dma_semaphore, #tpu.memory_space<semaphore_mem>>) {add = true}
        %dma_wait3A = arith.constant 0 : i32
        %dma_wait3A_49 = arith.constant 0 : i32
        %dma_wait3A_50 = tpu.memref_slice %arg12[%dma_wait3A, %dma_wait3A_49] : memref<10000x144xf32, #tpu.memory_space<vmem_shared>> -> memref<10000x144xf32, #tpu.memory_space<vmem_shared>>
        tpu.wait_indirect_dma semaphore(%run_scoped3A : memref<!tpu.dma_semaphore, #tpu.memory_space<semaphore_mem>>) src(%arg11 : memref<80x144xf32, #tpu.memory_space<vmem>>) dst(%dma_wait3A_50 : memref<10000x144xf32, #tpu.memory_space<vmem_shared>>)
        tpu.yield
      }) : () -> ()
    }
    %scan3A_25 = arith.constant 25 : i32
    %scan3A_26 = arith.constant 0 : i32
    %scan3A_27 = arith.constant 25 : i32
    %scan3A_28 = arith.addi %scan3A_26, %scan3A_27 : i32
    %scan3A_29 = arith.constant 1 : i32
    scf.for %scan3A_37 = %scan3A_26 to %scan3A_28 step %scan3A_29  : i32 {
      %mul3A_38 = arith.constant 1 : i32
      %mul3A_39 = arith.muli %scan3A_37, %mul3A_38 : i32
      %add3A_40 = arith.constant 0 : i32
      %add3A_41 = arith.addi %add3A_40, %mul3A_39 : i32
      %mul3A_42 = arith.constant 80 : i32
      %mul3A_43 = arith.muli %add3A_41, %mul3A_42 : i32
      %add3A_44 = arith.addi %add3A, %mul3A_43 : i32
      %add3A_45 = arith.constant 256000 : i32
      %add3A_46 = arith.addi %add3A_45, %add3A_44 : i32
      "tpu.region"() ({
        %run_scoped3A = tpu.sem_alloc : memref<!tpu.dma_semaphore, #tpu.memory_space<semaphore_mem>>
        %dma_start3A = tpu.memref_slice %arg7[%add3A_46] : memref<320000xi32, #tpu.memory_space<hbm>> -> memref<80xi32, #tpu.memory_space<hbm>>
        %dma_start3A_47 = tpu.memref_slice %arg7[%add3A_46] : memref<320000xi32, #tpu.memory_space<hbm>> -> memref<80xi32, #tpu.memory_space<hbm>>
        tpu.enqueue_dma source(%dma_start3A_47 : memref<80xi32, #tpu.memory_space<hbm>>) target(%arg10 : memref<80xi32, #tpu.memory_space<vmem>>) target_semaphore(%run_scoped3A : memref<!tpu.dma_semaphore, #tpu.memory_space<semaphore_mem>>)
        %dma_wait3A = tpu.memref_slice %arg7[%add3A_46] : memref<320000xi32, #tpu.memory_space<hbm>> -> memref<80xi32, #tpu.memory_space<hbm>>
        %dma_wait3A_48 = tpu.memref_slice %arg7[%add3A_46] : memref<320000xi32, #tpu.memory_space<hbm>> -> memref<80xi32, #tpu.memory_space<hbm>>
        tpu.wait_dma2 semaphore(%run_scoped3A : memref<!tpu.dma_semaphore, #tpu.memory_space<semaphore_mem>>) src(%dma_wait3A_48 : memref<80xi32, #tpu.memory_space<hbm>>) dst(%arg10 : memref<80xi32, #tpu.memory_space<vmem>>)
        tpu.yield
      }) : () -> ()
      "tpu.region"() ({
        %run_scoped3A = tpu.sem_alloc : memref<!tpu.dma_semaphore, #tpu.memory_space<semaphore_mem>>
        %dma_start3A = arith.constant 0 : i32
        %dma_start3A_47 = tpu.memref_slice %arg6[%add3A_44, %dma_start3A] : memref<64000x144xf32, #tpu.memory_space<hbm>> -> memref<80x144xf32, #tpu.memory_space<hbm>>
        %dma_start3A_48 = arith.constant 0 : i32
        %dma_start3A_49 = tpu.memref_slice %arg6[%add3A_44, %dma_start3A_48] : memref<64000x144xf32, #tpu.memory_space<hbm>> -> memref<80x144xf32, #tpu.memory_space<hbm>>
        tpu.enqueue_dma source(%dma_start3A_49 : memref<80x144xf32, #tpu.memory_space<hbm>>) target(%arg11 : memref<80x144xf32, #tpu.memory_space<vmem>>) target_semaphore(%run_scoped3A : memref<!tpu.dma_semaphore, #tpu.memory_space<semaphore_mem>>)
        %dma_wait3A = arith.constant 0 : i32
        %dma_wait3A_50 = tpu.memref_slice %arg6[%add3A_44, %dma_wait3A] : memref<64000x144xf32, #tpu.memory_space<hbm>> -> memref<80x144xf32, #tpu.memory_space<hbm>>
        %dma_wait3A_51 = arith.constant 0 : i32
        %dma_wait3A_52 = tpu.memref_slice %arg6[%add3A_44, %dma_wait3A_51] : memref<64000x144xf32, #tpu.memory_space<hbm>> -> memref<80x144xf32, #tpu.memory_space<hbm>>
        tpu.wait_dma2 semaphore(%run_scoped3A : memref<!tpu.dma_semaphore, #tpu.memory_space<semaphore_mem>>) src(%dma_wait3A_52 : memref<80x144xf32, #tpu.memory_space<hbm>>) dst(%arg11 : memref<80x144xf32, #tpu.memory_space<vmem>>)
        tpu.yield
      }) : () -> ()
      "tpu.region"() ({
        %run_scoped3A = tpu.sem_alloc : memref<!tpu.dma_semaphore, #tpu.memory_space<semaphore_mem>>
        %dma_start3A = arith.constant 0 : i32
        %dma_start3A_47 = arith.constant 0 : i32
        %dma_start3A_48 = tpu.memref_slice %arg12[%dma_start3A, %dma_start3A_47] : memref<10000x144xf32, #tpu.memory_space<vmem_shared>> -> memref<10000x144xf32, #tpu.memory_space<vmem_shared>>
        tpu.enqueue_indirect_dma source(%arg11 : memref<80x144xf32, #tpu.memory_space<vmem>>) target(%dma_start3A_48 : memref<10000x144xf32, #tpu.memory_space<vmem_shared>>) offsets(%arg10 : memref<80xi32, #tpu.memory_space<vmem>>) semaphore(%run_scoped3A : memref<!tpu.dma_semaphore, #tpu.memory_space<semaphore_mem>>) {add = true}
        %dma_wait3A = arith.constant 0 : i32
        %dma_wait3A_49 = arith.constant 0 : i32
        %dma_wait3A_50 = tpu.memref_slice %arg12[%dma_wait3A, %dma_wait3A_49] : memref<10000x144xf32, #tpu.memory_space<vmem_shared>> -> memref<10000x144xf32, #tpu.memory_space<vmem_shared>>
        tpu.wait_indirect_dma semaphore(%run_scoped3A : memref<!tpu.dma_semaphore, #tpu.memory_space<semaphore_mem>>) src(%arg11 : memref<80x144xf32, #tpu.memory_space<vmem>>) dst(%dma_wait3A_50 : memref<10000x144xf32, #tpu.memory_space<vmem_shared>>)
        tpu.yield
      }) : () -> ()
    }
    %scan3A_30 = arith.constant 25 : i32
    %barrier3A_31 = arith.constant 0 : index
    tpu.barrier barrier_id(%barrier3A_31)
    "tpu.region"() ({
      %run_scoped3A = tpu.sem_alloc : memref<!tpu.dma_semaphore, #tpu.memory_space<semaphore_mem>>
      %dma_start3A = arith.constant 0 : i32
      %dma_start3A_37 = tpu.memref_slice %arg9[%arg0, %mul3A_0, %dma_start3A] : memref<2x10000x144xf32, #tpu.memory_space<hbm>> -> memref<1x624x144xf32, #tpu.memory_space<hbm>>
      %dma_start3A_38 = tpu.memref_squeeze %dma_start3A_37 : memref<1x624x144xf32, #tpu.memory_space<hbm>> -> memref<624x144xf32, #tpu.memory_space<hbm>>
      %dma_start3A_39 = arith.constant 0 : i32
      %dma_start3A_40 = tpu.memref_slice %arg12[%mul3A_0, %dma_start3A_39] : memref<10000x144xf32, #tpu.memory_space<vmem_shared>> -> memref<624x144xf32, #tpu.memory_space<vmem_shared>>
      tpu.enqueue_dma source(%dma_start3A_40 : memref<624x144xf32, #tpu.memory_space<vmem_shared>>) target(%dma_start3A_38 : memref<624x144xf32, #tpu.memory_space<hbm>>) target_semaphore(%run_scoped3A : memref<!tpu.dma_semaphore, #tpu.memory_space<semaphore_mem>>)
      %dma_wait3A = arith.constant 0 : i32
      %dma_wait3A_41 = tpu.memref_slice %arg9[%arg0, %mul3A_0, %dma_wait3A] : memref<2x10000x144xf32, #tpu.memory_space<hbm>> -> memref<1x624x144xf32, #tpu.memory_space<hbm>>
      %dma_wait3A_42 = tpu.memref_squeeze %dma_wait3A_41 : memref<1x624x144xf32, #tpu.memory_space<hbm>> -> memref<624x144xf32, #tpu.memory_space<hbm>>
      %dma_wait3A_43 = arith.constant 0 : i32
      %dma_wait3A_44 = tpu.memref_slice %arg12[%mul3A_0, %dma_wait3A_43] : memref<10000x144xf32, #tpu.memory_space<vmem_shared>> -> memref<624x144xf32, #tpu.memory_space<vmem_shared>>
      tpu.wait_dma2 semaphore(%run_scoped3A : memref<!tpu.dma_semaphore, #tpu.memory_space<semaphore_mem>>) src(%dma_wait3A_44 : memref<624x144xf32, #tpu.memory_space<vmem_shared>>) dst(%dma_wait3A_42 : memref<624x144xf32, #tpu.memory_space<hbm>>)
      tpu.yield
    }) : () -> ()
    %eq3A_32 = arith.constant 15 : i32
    %eq3A_33 = arith.cmpi eq, %arg1, %eq3A_32 : i32
    %convert_element_type3A_34 = arith.extui %eq3A_33 : i1 to i32
    %cond3A_35 = arith.constant 0 : i32
    %cond3A_36 = arith.cmpi ne, %convert_element_type3A_34, %cond3A_35 : i32
    scf.if %cond3A_36 {
      "tpu.region"() ({
        %run_scoped3A = tpu.sem_alloc : memref<!tpu.dma_semaphore, #tpu.memory_space<semaphore_mem>>
        %dma_start3A = arith.constant 9984 : i32
        %dma_start3A_37 = arith.constant 0 : i32
        %dma_start3A_38 = tpu.memref_slice %arg9[%arg0, %dma_start3A, %dma_start3A_37] : memref<2x10000x144xf32, #tpu.memory_space<hbm>> -> memref<1x16x144xf32, #tpu.memory_space<hbm>>
        %dma_start3A_39 = tpu.memref_squeeze %dma_start3A_38 : memref<1x16x144xf32, #tpu.memory_space<hbm>> -> memref<16x144xf32, #tpu.memory_space<hbm>>
        %dma_start3A_40 = arith.constant 9984 : i32
        %dma_start3A_41 = arith.constant 0 : i32
        %dma_start3A_42 = tpu.memref_slice %arg12[%dma_start3A_40, %dma_start3A_41] : memref<10000x144xf32, #tpu.memory_space<vmem_shared>> -> memref<16x144xf32, #tpu.memory_space<vmem_shared>>
        tpu.enqueue_dma source(%dma_start3A_42 : memref<16x144xf32, #tpu.memory_space<vmem_shared>>) target(%dma_start3A_39 : memref<16x144xf32, #tpu.memory_space<hbm>>) target_semaphore(%run_scoped3A : memref<!tpu.dma_semaphore, #tpu.memory_space<semaphore_mem>>)
        %dma_wait3A = arith.constant 9984 : i32
        %dma_wait3A_43 = arith.constant 0 : i32
        %dma_wait3A_44 = tpu.memref_slice %arg9[%arg0, %dma_wait3A, %dma_wait3A_43] : memref<2x10000x144xf32, #tpu.memory_space<hbm>> -> memref<1x16x144xf32, #tpu.memory_space<hbm>>
        %dma_wait3A_45 = tpu.memref_squeeze %dma_wait3A_44 : memref<1x16x144xf32, #tpu.memory_space<hbm>> -> memref<16x144xf32, #tpu.memory_space<hbm>>
        %dma_wait3A_46 = arith.constant 9984 : i32
        %dma_wait3A_47 = arith.constant 0 : i32
        %dma_wait3A_48 = tpu.memref_slice %arg12[%dma_wait3A_46, %dma_wait3A_47] : memref<10000x144xf32, #tpu.memory_space<vmem_shared>> -> memref<16x144xf32, #tpu.memory_space<vmem_shared>>
        tpu.wait_dma2 semaphore(%run_scoped3A : memref<!tpu.dma_semaphore, #tpu.memory_space<semaphore_mem>>) src(%dma_wait3A_48 : memref<16x144xf32, #tpu.memory_space<vmem_shared>>) dst(%dma_wait3A_45 : memref<16x144xf32, #tpu.memory_space<hbm>>)
        tpu.yield
      }) : () -> ()
    } else {
    }
    return
  }
}

module attributes {stable_mosaic.version = 14 : i64} {
  func.func @_tc_edge_body(%arg0: i32, %arg1: memref<2000x144xf32, #tpu.memory_space<vmem>>, %arg2: memref<2000x144xf32, #tpu.memory_space<vmem>>, %arg3: memref<2000x32xf32, #tpu.memory_space<vmem>>, %arg4: memref<2000x16xf32, #tpu.memory_space<vmem>>, %arg5: memref<2000x1xf32, #tpu.memory_space<vmem>>, %arg6: memref<128x256xbf16, #tpu.memory_space<vmem>>, %arg7: memref<128x256xbf16, #tpu.memory_space<vmem>>, %arg8: memref<128x128xbf16, #tpu.memory_space<vmem>>, %arg9: memref<36x128xbf16, #tpu.memory_space<vmem>>, %arg10: memref<1x128xf32, #tpu.memory_space<vmem>>, %arg11: memref<128x256xbf16, #tpu.memory_space<vmem>>, %arg12: memref<1x256xf32, #tpu.memory_space<vmem>>, %arg13: memref<256x12xbf16, #tpu.memory_space<vmem>>, %arg14: memref<12x144xbf16, #tpu.memory_space<vmem>>, %arg15: memref<16x4xbf16, #tpu.memory_space<vmem>>, %arg16: memref<2000x144xf32, #tpu.memory_space<vmem>>) attributes {dimension_semantics = [#tpu.dimension_semantics<arbitrary>], iteration_bounds = array<i64: 32>, scalar_prefetch = 0 : i64, scratch_operands = 0 : i64, tpu.core_type = #tpu.core_type<tc>, window_params = [{transform_indices = @transform_0, window_bounds = array<i64: 2000, 144>}, {transform_indices = @transform_1, window_bounds = array<i64: 2000, 144>}, {transform_indices = @transform_2, window_bounds = array<i64: 2000, 32>}, {transform_indices = @transform_3, window_bounds = array<i64: 2000, 16>}, {transform_indices = @transform_4, window_bounds = array<i64: 2000, 1>}, {pipeline_mode = #tpu.pipeline_mode<synchronous>, transform_indices = @transform_5, window_bounds = array<i64: 128, 256>}, {pipeline_mode = #tpu.pipeline_mode<synchronous>, transform_indices = @transform_6, window_bounds = array<i64: 128, 256>}, {pipeline_mode = #tpu.pipeline_mode<synchronous>, transform_indices = @transform_7, window_bounds = array<i64: 128, 128>}, {pipeline_mode = #tpu.pipeline_mode<synchronous>, transform_indices = @transform_8, window_bounds = array<i64: 36, 128>}, {pipeline_mode = #tpu.pipeline_mode<synchronous>, transform_indices = @transform_9, window_bounds = array<i64: 1, 128>}, {pipeline_mode = #tpu.pipeline_mode<synchronous>, transform_indices = @transform_10, window_bounds = array<i64: 128, 256>}, {pipeline_mode = #tpu.pipeline_mode<synchronous>, transform_indices = @transform_11, window_bounds = array<i64: 1, 256>}, {pipeline_mode = #tpu.pipeline_mode<synchronous>, transform_indices = @transform_12, window_bounds = array<i64: 256, 12>}, {pipeline_mode = #tpu.pipeline_mode<synchronous>, transform_indices = @transform_13, window_bounds = array<i64: 12, 144>}, {pipeline_mode = #tpu.pipeline_mode<synchronous>, transform_indices = @transform_14, window_bounds = array<i64: 16, 4>}, {transform_indices = @transform_15, window_bounds = array<i64: 2000, 144>}]} {
    %get3A = arith.constant 0 : index
    %get3A_0 = arith.constant 0 : index
    %get3A_1 = vector.load %arg1[%get3A, %get3A_0] : memref<2000x144xf32, #tpu.memory_space<vmem>>, vector<2000x144xf32>
    %get3A_2 = arith.constant 0 : index
    %get3A_3 = arith.constant 0 : index
    %get3A_4 = vector.load %arg2[%get3A_2, %get3A_3] : memref<2000x144xf32, #tpu.memory_space<vmem>>, vector<2000x144xf32>
    %slice3A = vector.extract_strided_slice %get3A_1 {offsets = [0, 0], sizes = [2000, 128], strides = [1, 1]} : vector<2000x144xf32> to vector<2000x128xf32>
    %convert_element_type3A = arith.truncf %slice3A : vector<2000x128xf32> to vector<2000x128xbf16>
    %slice3A_5 = vector.extract_strided_slice %get3A_4 {offsets = [0, 0], sizes = [2000, 128], strides = [1, 1]} : vector<2000x144xf32> to vector<2000x128xf32>
    %convert_element_type3A_6 = arith.truncf %slice3A_5 : vector<2000x128xf32> to vector<2000x128xbf16>
    %slice3A_7 = vector.extract_strided_slice %get3A_1 {offsets = [0, 128], sizes = [2000, 16], strides = [1, 1]} : vector<2000x144xf32> to vector<2000x16xf32>
    %slice3A_8 = vector.extract_strided_slice %get3A_4 {offsets = [0, 128], sizes = [2000, 16], strides = [1, 1]} : vector<2000x144xf32> to vector<2000x16xf32>
    %sub3A = arith.subf %slice3A_7, %slice3A_8 : vector<2000x16xf32>
    %mul3A = arith.mulf %sub3A, %sub3A : vector<2000x16xf32>
    %convert_element_type3A_9 = arith.truncf %mul3A : vector<2000x16xf32> to vector<2000x16xbf16>
    %get3A_10 = arith.constant 0 : index
    %get3A_11 = arith.constant 0 : index
    %get3A_12 = vector.load %arg15[%get3A_10, %get3A_11] : memref<16x4xbf16, #tpu.memory_space<vmem>>, vector<16x4xbf16>
    %dot_general3A = arith.constant dense<0.000000e+00> : vector<2000x4xf32>
    %dot_general3A_13 = tpu.matmul %convert_element_type3A_9, %get3A_12, %dot_general3A {dimension_numbers = #tpu.dot_dimension_numbers<[1], [0], [0], [1], [0, 0, 1, 1], [], []>, transpose_lhs_hint = false} : vector<2000x16xbf16>, vector<16x4xbf16>, vector<2000x4xf32> -> vector<2000x4xf32>
    %get3A_14 = arith.constant 0 : index
    %get3A_15 = arith.constant 0 : index
    %get3A_16 = vector.load %arg3[%get3A_14, %get3A_15] : memref<2000x32xf32, #tpu.memory_space<vmem>>, vector<2000x32xf32>
    %convert_element_type3A_17 = arith.truncf %get3A_16 : vector<2000x32xf32> to vector<2000x32xbf16>
    %convert_element_type3A_18 = arith.truncf %dot_general3A_13 : vector<2000x4xf32> to vector<2000x4xbf16>
    %concatenate3A = tpu.concatenate %convert_element_type3A_17, %convert_element_type3A_18 in 1 : vector<2000x32xbf16>, vector<2000x4xbf16> -> vector<2000x36xbf16>
    %get3A_19 = arith.constant 0 : index
    %get3A_20 = arith.constant 0 : index
    %get3A_21 = vector.load %arg9[%get3A_19, %get3A_20] : memref<36x128xbf16, #tpu.memory_space<vmem>>, vector<36x128xbf16>
    %dot_general3A_22 = arith.constant dense<0.000000e+00> : vector<2000x128xf32>
    %dot_general3A_23 = tpu.matmul %concatenate3A, %get3A_21, %dot_general3A_22 {dimension_numbers = #tpu.dot_dimension_numbers<[1], [0], [0], [1], [0, 0, 1, 1], [], []>, transpose_lhs_hint = false} : vector<2000x36xbf16>, vector<36x128xbf16>, vector<2000x128xf32> -> vector<2000x128xf32>
    %get3A_24 = arith.constant 0 : index
    %get3A_25 = arith.constant 0 : index
    %get3A_26 = vector.load %arg10[%get3A_24, %get3A_25] : memref<1x128xf32, #tpu.memory_space<vmem>>, vector<1x128xf32>
    %add3A = vector.broadcast %get3A_26 : vector<1x128xf32> to vector<2000x128xf32>
    %add3A_27 = arith.addf %dot_general3A_23, %add3A : vector<2000x128xf32>
    %logistic3A = arith.negf %add3A_27 : vector<2000x128xf32>
    %logistic3A_28 = math.exp %logistic3A : vector<2000x128xf32>
    %logistic3A_29 = arith.constant 1.000000e+00 : f32
    %logistic3A_30 = vector.broadcast %logistic3A_29 : f32 to vector<2000x128xf32>
    %logistic3A_31 = arith.addf %logistic3A_30, %logistic3A_28 : vector<2000x128xf32>
    %logistic3A_32 = arith.divf %logistic3A_30, %logistic3A_31 : vector<2000x128xf32>
    %mul3A_33 = arith.mulf %add3A_27, %logistic3A_32 : vector<2000x128xf32>
    %convert_element_type3A_34 = arith.truncf %mul3A_33 : vector<2000x128xf32> to vector<2000x128xbf16>
    %get3A_35 = arith.constant 0 : index
    %get3A_36 = arith.constant 0 : index
    %get3A_37 = vector.load %arg11[%get3A_35, %get3A_36] : memref<128x256xbf16, #tpu.memory_space<vmem>>, vector<128x256xbf16>
    %dot_general3A_38 = arith.constant dense<0.000000e+00> : vector<2000x256xf32>
    %dot_general3A_39 = tpu.matmul %convert_element_type3A_34, %get3A_37, %dot_general3A_38 {dimension_numbers = #tpu.dot_dimension_numbers<[1], [0], [0], [1], [0, 0, 1, 1], [], []>, transpose_lhs_hint = false} : vector<2000x128xbf16>, vector<128x256xbf16>, vector<2000x256xf32> -> vector<2000x256xf32>
    %get3A_40 = arith.constant 0 : index
    %get3A_41 = arith.constant 0 : index
    %get3A_42 = vector.load %arg12[%get3A_40, %get3A_41] : memref<1x256xf32, #tpu.memory_space<vmem>>, vector<1x256xf32>
    %add3A_43 = vector.broadcast %get3A_42 : vector<1x256xf32> to vector<2000x256xf32>
    %add3A_44 = arith.addf %dot_general3A_39, %add3A_43 : vector<2000x256xf32>
    %get3A_45 = arith.constant 0 : index
    %get3A_46 = arith.constant 0 : index
    %get3A_47 = vector.load %arg6[%get3A_45, %get3A_46] : memref<128x256xbf16, #tpu.memory_space<vmem>>, vector<128x256xbf16>
    %dot_general3A_48 = arith.constant dense<0.000000e+00> : vector<2000x256xf32>
    %dot_general3A_49 = tpu.matmul %convert_element_type3A_6, %get3A_47, %dot_general3A_48 {dimension_numbers = #tpu.dot_dimension_numbers<[1], [0], [0], [1], [0, 0, 1, 1], [], []>, transpose_lhs_hint = false} : vector<2000x128xbf16>, vector<128x256xbf16>, vector<2000x256xf32> -> vector<2000x256xf32>
    %logistic3A_50 = arith.negf %dot_general3A_49 : vector<2000x256xf32>
    %logistic3A_51 = math.exp %logistic3A_50 : vector<2000x256xf32>
    %logistic3A_52 = arith.constant 1.000000e+00 : f32
    %logistic3A_53 = vector.broadcast %logistic3A_52 : f32 to vector<2000x256xf32>
    %logistic3A_54 = arith.addf %logistic3A_53, %logistic3A_51 : vector<2000x256xf32>
    %logistic3A_55 = arith.divf %logistic3A_53, %logistic3A_54 : vector<2000x256xf32>
    %mul3A_56 = arith.mulf %dot_general3A_49, %logistic3A_55 : vector<2000x256xf32>
    %get3A_57 = arith.constant 0 : index
    %get3A_58 = arith.constant 0 : index
    %get3A_59 = vector.load %arg7[%get3A_57, %get3A_58] : memref<128x256xbf16, #tpu.memory_space<vmem>>, vector<128x256xbf16>
    %dot_general3A_60 = arith.constant dense<0.000000e+00> : vector<2000x256xf32>
    %dot_general3A_61 = tpu.matmul %convert_element_type3A, %get3A_59, %dot_general3A_60 {dimension_numbers = #tpu.dot_dimension_numbers<[1], [0], [0], [1], [0, 0, 1, 1], [], []>, transpose_lhs_hint = false} : vector<2000x128xbf16>, vector<128x256xbf16>, vector<2000x256xf32> -> vector<2000x256xf32>
    %logistic3A_62 = arith.negf %dot_general3A_61 : vector<2000x256xf32>
    %logistic3A_63 = math.exp %logistic3A_62 : vector<2000x256xf32>
    %logistic3A_64 = arith.constant 1.000000e+00 : f32
    %logistic3A_65 = vector.broadcast %logistic3A_64 : f32 to vector<2000x256xf32>
    %logistic3A_66 = arith.addf %logistic3A_65, %logistic3A_63 : vector<2000x256xf32>
    %logistic3A_67 = arith.divf %logistic3A_65, %logistic3A_66 : vector<2000x256xf32>
    %mul3A_68 = arith.mulf %dot_general3A_61, %logistic3A_67 : vector<2000x256xf32>
    %get3A_69 = arith.constant 0 : index
    %get3A_70 = arith.constant 0 : index
    %get3A_71 = vector.load %arg8[%get3A_69, %get3A_70] : memref<128x128xbf16, #tpu.memory_space<vmem>>, vector<128x128xbf16>
    %dot_general3A_72 = arith.constant dense<0.000000e+00> : vector<2000x128xf32>
    %dot_general3A_73 = tpu.matmul %convert_element_type3A, %get3A_71, %dot_general3A_72 {dimension_numbers = #tpu.dot_dimension_numbers<[1], [0], [0], [1], [0, 0, 1, 1], [], []>, transpose_lhs_hint = false} : vector<2000x128xbf16>, vector<128x128xbf16>, vector<2000x128xf32> -> vector<2000x128xf32>
    %mul3A_74 = arith.mulf %mul3A_56, %mul3A_68 : vector<2000x256xf32>
    %mul3A_75 = arith.mulf %mul3A_74, %add3A_44 : vector<2000x256xf32>
    %convert_element_type3A_76 = arith.truncf %mul3A_75 : vector<2000x256xf32> to vector<2000x256xbf16>
    %get3A_77 = arith.constant 0 : index
    %get3A_78 = arith.constant 0 : index
    %get3A_79 = vector.load %arg13[%get3A_77, %get3A_78] : memref<256x12xbf16, #tpu.memory_space<vmem>>, vector<256x12xbf16>
    %dot_general3A_80 = arith.constant dense<0.000000e+00> : vector<2000x12xf32>
    %dot_general3A_81 = tpu.matmul %convert_element_type3A_76, %get3A_79, %dot_general3A_80 {dimension_numbers = #tpu.dot_dimension_numbers<[1], [0], [0], [1], [0, 0, 1, 1], [], []>, transpose_lhs_hint = false} : vector<2000x256xbf16>, vector<256x12xbf16>, vector<2000x12xf32> -> vector<2000x12xf32>
    %get3A_82 = arith.constant 0 : index
    %get3A_83 = arith.constant 0 : index
    %get3A_84 = vector.load %arg5[%get3A_82, %get3A_83] : memref<2000x1xf32, #tpu.memory_space<vmem>>, vector<2000x1xf32>
    %mul3A_85 = vector.broadcast %get3A_84 : vector<2000x1xf32> to vector<2000x12xf32>
    %mul3A_86 = arith.mulf %mul3A_85, %dot_general3A_81 : vector<2000x12xf32>
    %convert_element_type3A_87 = arith.truncf %mul3A_86 : vector<2000x12xf32> to vector<2000x12xbf16>
    %get3A_88 = arith.constant 0 : index
    %get3A_89 = arith.constant 0 : index
    %get3A_90 = vector.load %arg14[%get3A_88, %get3A_89] : memref<12x144xbf16, #tpu.memory_space<vmem>>, vector<12x144xbf16>
    %dot_general3A_91 = arith.constant dense<0.000000e+00> : vector<2000x144xf32>
    %dot_general3A_92 = tpu.matmul %convert_element_type3A_87, %get3A_90, %dot_general3A_91 {dimension_numbers = #tpu.dot_dimension_numbers<[1], [0], [0], [1], [0, 0, 1, 1], [], []>, transpose_lhs_hint = false} : vector<2000x12xbf16>, vector<12x144xbf16>, vector<2000x144xf32> -> vector<2000x144xf32>
    %slice3A_93 = vector.extract_strided_slice %dot_general3A_92 {offsets = [0, 0], sizes = [2000, 128], strides = [1, 1]} : vector<2000x144xf32> to vector<2000x128xf32>
    %mul3A_94 = arith.mulf %slice3A_93, %dot_general3A_73 : vector<2000x128xf32>
    %swap3A = arith.constant 0 : index
    %swap3A_95 = arith.constant 0 : index
    %swap3A_96 = vector.load %arg16[%swap3A, %swap3A_95] : memref<2000x144xf32, #tpu.memory_space<vmem>>, vector<2000x128xf32>
    tpu.vector_store %arg16[%swap3A, %swap3A_95], %mul3A_94 {strides = array<i32>} : memref<2000x144xf32, #tpu.memory_space<vmem>>, vector<2000x128xf32>,
    %slice3A_97 = vector.extract_strided_slice %dot_general3A_92 {offsets = [0, 128], sizes = [2000, 16], strides = [1, 1]} : vector<2000x144xf32> to vector<2000x16xf32>
    %get3A_98 = arith.constant 0 : index
    %get3A_99 = arith.constant 0 : index
    %get3A_100 = vector.load %arg4[%get3A_98, %get3A_99] : memref<2000x16xf32, #tpu.memory_space<vmem>>, vector<2000x16xf32>
    %mul3A_101 = arith.mulf %slice3A_97, %get3A_100 : vector<2000x16xf32>
    %swap3A_102 = arith.constant 0 : index
    %swap3A_103 = arith.constant 128 : index
    %swap3A_104 = vector.load %arg16[%swap3A_102, %swap3A_103] : memref<2000x144xf32, #tpu.memory_space<vmem>>, vector<2000x16xf32>
    tpu.vector_store %arg16[%swap3A_102, %swap3A_103], %mul3A_101 {strides = array<i32>} : memref<2000x144xf32, #tpu.memory_space<vmem>>, vector<2000x16xf32>,
    return
  }
  func.func @transform_0(%arg0: i32) -> (i32, i32) {
    %c0_i32 = arith.constant 0 : i32
    %c0_i32_0 = arith.constant 0 : i32
    return %arg0, %c0_i32 : i32, i32
  }
  func.func @transform_1(%arg0: i32) -> (i32, i32) {
    %c0_i32 = arith.constant 0 : i32
    %c0_i32_0 = arith.constant 0 : i32
    return %arg0, %c0_i32 : i32, i32
  }
  func.func @transform_2(%arg0: i32) -> (i32, i32) {
    %c0_i32 = arith.constant 0 : i32
    %c0_i32_0 = arith.constant 0 : i32
    return %arg0, %c0_i32 : i32, i32
  }
  func.func @transform_3(%arg0: i32) -> (i32, i32) {
    %c0_i32 = arith.constant 0 : i32
    %c0_i32_0 = arith.constant 0 : i32
    return %arg0, %c0_i32 : i32, i32
  }
  func.func @transform_4(%arg0: i32) -> (i32, i32) {
    %c0_i32 = arith.constant 0 : i32
    %c0_i32_0 = arith.constant 0 : i32
    return %arg0, %c0_i32 : i32, i32
  }
  func.func @transform_5(%arg0: i32) -> (i32, i32) {
    %c0_i32 = arith.constant 0 : i32
    %c0_i32_0 = arith.constant 0 : i32
    %c0_i32_1 = arith.constant 0 : i32
    return %c0_i32, %c0_i32_0 : i32, i32
  }
  func.func @transform_6(%arg0: i32) -> (i32, i32) {
    %c0_i32 = arith.constant 0 : i32
    %c0_i32_0 = arith.constant 0 : i32
    %c0_i32_1 = arith.constant 0 : i32
    return %c0_i32, %c0_i32_0 : i32, i32
  }
  func.func @transform_7(%arg0: i32) -> (i32, i32) {
    %c0_i32 = arith.constant 0 : i32
    %c0_i32_0 = arith.constant 0 : i32
    %c0_i32_1 = arith.constant 0 : i32
    return %c0_i32, %c0_i32_0 : i32, i32
  }
  func.func @transform_8(%arg0: i32) -> (i32, i32) {
    %c0_i32 = arith.constant 0 : i32
    %c0_i32_0 = arith.constant 0 : i32
    %c0_i32_1 = arith.constant 0 : i32
    return %c0_i32, %c0_i32_0 : i32, i32
  }
  func.func @transform_9(%arg0: i32) -> (i32, i32) {
    %c0_i32 = arith.constant 0 : i32
    %c0_i32_0 = arith.constant 0 : i32
    %c0_i32_1 = arith.constant 0 : i32
    return %c0_i32, %c0_i32_0 : i32, i32
  }
  func.func @transform_10(%arg0: i32) -> (i32, i32) {
    %c0_i32 = arith.constant 0 : i32
    %c0_i32_0 = arith.constant 0 : i32
    %c0_i32_1 = arith.constant 0 : i32
    return %c0_i32, %c0_i32_0 : i32, i32
  }
  func.func @transform_11(%arg0: i32) -> (i32, i32) {
    %c0_i32 = arith.constant 0 : i32
    %c0_i32_0 = arith.constant 0 : i32
    %c0_i32_1 = arith.constant 0 : i32
    return %c0_i32, %c0_i32_0 : i32, i32
  }
  func.func @transform_12(%arg0: i32) -> (i32, i32) {
    %c0_i32 = arith.constant 0 : i32
    %c0_i32_0 = arith.constant 0 : i32
    %c0_i32_1 = arith.constant 0 : i32
    return %c0_i32, %c0_i32_0 : i32, i32
  }
  func.func @transform_13(%arg0: i32) -> (i32, i32) {
    %c0_i32 = arith.constant 0 : i32
    %c0_i32_0 = arith.constant 0 : i32
    %c0_i32_1 = arith.constant 0 : i32
    return %c0_i32, %c0_i32_0 : i32, i32
  }
  func.func @transform_14(%arg0: i32) -> (i32, i32) {
    %c0_i32 = arith.constant 0 : i32
    %c0_i32_0 = arith.constant 0 : i32
    %c0_i32_1 = arith.constant 0 : i32
    return %c0_i32, %c0_i32_0 : i32, i32
  }
  func.func @transform_15(%arg0: i32) -> (i32, i32) {
    %c0_i32 = arith.constant 0 : i32
    %c0_i32_0 = arith.constant 0 : i32
    return %arg0, %c0_i32 : i32, i32
  }
}

module attributes {stable_mosaic.version = 14 : i64} {
  func.func @_tc_reduce_body(%arg0: i32, %arg1: memref<2x2000x144xf32, #tpu.memory_space<vmem>>, %arg2: memref<2000x128xf32, #tpu.memory_space<vmem>>, %arg3: memref<2000x16xf32, #tpu.memory_space<vmem>>) attributes {dimension_semantics = [#tpu.dimension_semantics<arbitrary>], iteration_bounds = array<i64: 5>, scalar_prefetch = 0 : i64, scratch_operands = 0 : i64, tpu.core_type = #tpu.core_type<tc>, window_params = [{transform_indices = @transform_0, window_bounds = array<i64: 2, 2000, 144>}, {transform_indices = @transform_1, window_bounds = array<i64: 2000, 128>}, {transform_indices = @transform_2, window_bounds = array<i64: 2000, 16>}]} {
    %get3A = arith.constant 0 : index
    %get3A_0 = arith.constant 0 : index
    %get3A_1 = arith.constant 0 : index
    %get3A_2 = vector.load %arg1[%get3A, %get3A_0, %get3A_1] : memref<2x2000x144xf32, #tpu.memory_space<vmem>>, vector<1x2000x144xf32>
    %get3A_3 = vector.shape_cast %get3A_2 : vector<1x2000x144xf32> to vector<2000x144xf32>
    %get3A_4 = arith.constant 1 : index
    %get3A_5 = arith.constant 0 : index
    %get3A_6 = arith.constant 0 : index
    %get3A_7 = vector.load %arg1[%get3A_4, %get3A_5, %get3A_6] : memref<2x2000x144xf32, #tpu.memory_space<vmem>>, vector<1x2000x144xf32>
    %get3A_8 = vector.shape_cast %get3A_7 : vector<1x2000x144xf32> to vector<2000x144xf32>
    %add3A = arith.addf %get3A_3, %get3A_8 : vector<2000x144xf32>
    %slice3A = vector.extract_strided_slice %add3A {offsets = [0, 0], sizes = [2000, 128], strides = [1, 1]} : vector<2000x144xf32> to vector<2000x128xf32>
    %swap3A = arith.constant 0 : index
    %swap3A_9 = arith.constant 0 : index
    %swap3A_10 = vector.load %arg2[%swap3A, %swap3A_9] : memref<2000x128xf32, #tpu.memory_space<vmem>>, vector<2000x128xf32>
    tpu.vector_store %arg2[%swap3A, %swap3A_9], %slice3A {strides = array<i32>} : memref<2000x128xf32, #tpu.memory_space<vmem>>, vector<2000x128xf32>,
    %slice3A_11 = vector.extract_strided_slice %add3A {offsets = [0, 128], sizes = [2000, 16], strides = [1, 1]} : vector<2000x144xf32> to vector<2000x16xf32>
    %swap3A_12 = arith.constant 0 : index
    %swap3A_13 = arith.constant 0 : index
    %swap3A_14 = vector.load %arg3[%swap3A_12, %swap3A_13] : memref<2000x16xf32, #tpu.memory_space<vmem>>, vector<2000x16xf32>
    tpu.vector_store %arg3[%swap3A_12, %swap3A_13], %slice3A_11 {strides = array<i32>} : memref<2000x16xf32, #tpu.memory_space<vmem>>, vector<2000x16xf32>,
    return
  }
  func.func @transform_0(%arg0: i32) -> (i32, i32, i32) {
    %c0_i32 = arith.constant 0 : i32
    %c0_i32_0 = arith.constant 0 : i32
    %c0_i32_1 = arith.constant 0 : i32
    return %c0_i32, %arg0, %c0_i32_0 : i32, i32, i32
  }
  func.func @transform_1(%arg0: i32) -> (i32, i32) {
    %c0_i32 = arith.constant 0 : i32
    %c0_i32_0 = arith.constant 0 : i32
    return %arg0, %c0_i32 : i32, i32
  }
  func.func @transform_2(%arg0: i32) -> (i32, i32) {
    %c0_i32 = arith.constant 0 : i32
    %c0_i32_0 = arith.constant 0 : i32
    return %arg0, %c0_i32 : i32, i32
  }
}

</mosaic_0001>

<sc_bundles>
// kernel: kernel.14.cloned.1.call-start
scs
__scs_entry_jumppad:
0x0: {  	(pc) =	sbr.rel $0x88, $3  }
0x1: {  	(tag) =	ssettag $0x0;
	lr =	simm.s32 $0x1  }
0x2: {  	[smem:$0x3F8D] =	sst lr;
	_ =	strace $0xD0000000  }
0x3: {  	_ = 	snop  }
0x4: {  	_ = 	snop  }
0x5: {  	_ = 	snop  }
0x6: {  	_ = 	snop  }
0x7: {  	_ = 	snop  }
__scs_overlays_trampoline_lowered:
0x8: {  	[smem:$0x3F9C] =	sst s0  }
0x9: {  	[smem:$0x3F9D] =	sst s1  }
0xa: {  	[smem:$0x3F9E] =	sst s2  }
0xb: {  	[smem:$0x3F9F] =	sst s3  }
0xc: {  	[smem:$0x3FA0] =	sst s4  }
0xd: {  	[smem:$0x3FA1] =	sst s5  }
0xe: {  	[smem:$0x3FA2] =	sst s6  }
0xf: {  	[smem:$0x3FA3] =	sst s7  }
0x10: {  	[smem:$0x3FA4] =	sst s8  }
0x11: {  	[smem:$0x3FA5] =	sst s9;
	s0 =	simm.s32 @!p0 $0x0  }
0x12: {  	s1 =	sld [smem:$0x3F8B];
	s0 =	simm.s32 @p0 $0x1  }
0x13: {  	[smem:$0x3FA6] =	sst s0;
	s0 =	simm.s32 @!p1 $0x0  }
0x14: {  	s2 =	sld [smem:$0x3F8A];
	s0 =	simm.s32 @p1 $0x1  }
0x15: {  	[smem:$0x3FA7] =	sst s0;
	s0 =	simm.s32 @!p2 $0x0  }
0x16: {  	s3 =	sld [smem:$0x3FDB];
	s0 =	simm.s32 @p2 $0x1  }
0x17: {  	s4 =	simm.s32 $0x1BF5;
	[smem:$0x3FA9] =	sst s0  }
0x18: {  	s0 =	sld [smem:$0x3F8C];
	_ =	swait.ge [sflag:s4], $0x0  }
0x19: {  	s7 =	sld [smem:$0x3F8D]  }
0x1a: {  	s8 =	sadd.s32 $0xFFFFE003, lr  }
0x1b: {  	s9 =	sadd.s32 $0xFFFFFEF7, lr;
	s5 =	simm.s32 $0xFFFFFFFF;
	p2 =	slt.u32 s8, $0xFFFFF086  }
0x1c: {  	p1 =	slt.u32 s9, $0xF7A;
	s5 =	simm.s32 @!p2 $0x0  }
0x1d: {  	s5 =	simm.s32 @p1 $0x1;
	p0 =	seq.s32 s7, s2  }
0x1e: {  	s7 =	smul.u32 @!p0 $0xF7A, s2;
	p2 =	seq.s32 @!p0 s5, $0x0  }
0x1f: {  	s9 =	smul.u32 $0xF7A, s1;
	s8 =	simm.s32 @!p0 $0x1BF5;
	p2 =	por !p2, p0  }
0x20: {  	[sflag:s8] =	ssyncset.s32 @!p0 $0xFFFFF086;
	s6 =	sadd.s32 @!p0 s3, s7;
	s7 =	simm.s32 @!p0 $0x108  }
0x21: {  	s3 =	sadd.s32 s3, s9;
	s6 =	sadd.s32 @!p0 $0x88, s6;
	s7 =	simm.s32 @p2 $0x1082  }
0x22: {  	[simem:s7], [sflag:s8] =	dma.local @!p0 [hbm:s6], $0xF7A  }
0x23: {  	s9 =	sor.u32 $0xD0000000, s2;
	s6 =	simm.s32 $0x108;
	_ =	swait.ge @!p0 [sflag:s8], $0x0  }
0x24: {  	s3 =	sadd.s32 $0x88, s3;
	s6 =	simm.s32 @!p1 $0x1082;
	[sflag:s4] =	ssyncset.s32 $0xFFFFF086  }
0x25: {  	[simem:s6], [sflag:s4] =	dma.local [hbm:s3], $0xF7A  }
0x26: {  	[smem:$0x3F8D] =	sst s1;
	(tag) =	ssettag s2;
	_ =	strace s9  }
0x27: {  	s1 =	sld [smem:$0x3F9D]  }
0x28: {  	s2 =	sld [smem:$0x3F9E]  }
0x29: {  	s4 =	sld [smem:$0x3FA0]  }
0x2a: {  	p0 =	seq.s32 s5, $0x0;
	s5 =	sld [smem:$0x3FA1]  }
0x2b: {  	s6 =	sld [smem:$0x3FA2]  }
0x2c: {  	s7 =	sld [smem:$0x3FA3]  }
0x2d: {  	s3 =	simm.s32 $0x108;
	s8 =	sld [smem:$0x3FA4]  }
0x2e: {  	s3 =	simm.s32 @!p0 $0x1082;
	s9 =	sld [smem:$0x3FA5]  }
0x2f: {  	lr =	sadd.s32 s0, s3;
	s0 =	sld [smem:$0x3F9C]  }
0x30: {  	s3 =	sld [smem:$0x3F9F]  }
0x31: {  	[smem:$0x3FA8] =	sst s10  }
0x32: {  	s10 =	sld [smem:$0x3FA6];
	_ =	sdelay $0x3  }
0x33: {  	p0 =	seq.s32 s10, $0x1;
	s10 =	sld [smem:$0x3FA8];
	_ =	sdelay $0x3  }
0x34: {  	[smem:$0x3FA8] =	sst s10  }
0x35: {  	s10 =	sld [smem:$0x3FA7];
	_ =	sdelay $0x3  }
0x36: {  	p1 =	seq.s32 s10, $0x1;
	s10 =	sld [smem:$0x3FA8];
	_ =	sdelay $0x3  }
0x37: {  	[smem:$0x3FA8] =	sst s10  }
0x38: {  	s10 =	sld [smem:$0x3FA9]  }
0x39: {  	_ = 	snop;
	(pc) =	sbr.ind lr, $3  }
0x3a: {  	_ = 	snop  }
0x3b: {  	_ = 	snop  }
0x3c: {  	p2 =	seq.s32 s10, $0x1;
	s10 =	sld [smem:$0x3FA8]  }
0x3d: {  	_ =	shalt  }
0x3e: {  	_ =	shalt  }
0x3f: {  	_ =	shalt  }
0x40: {  	_ =	shalt  }
0x41: {  	_ =	shalt  }
0x42: {  	_ =	shalt  }
0x43: {  	_ =	shalt  }
0x44: {  	_ =	shalt  }
0x45: {  	_ =	shalt  }
0x46: {  	_ =	shalt  }
0x47: {  	_ =	shalt  }
0x48: {  	_ =	shalt  }
0x49: {  	_ =	shalt  }
0x4a: {  	_ =	shalt  }
0x4b: {  	_ =	shalt  }
0x4c: {  	_ =	shalt  }
0x4d: {  	_ =	shalt  }
0x4e: {  	_ =	shalt  }
0x4f: {  	_ =	shalt  }
0x50: {  	_ =	shalt  }
0x51: {  	_ =	shalt  }
0x52: {  	_ =	shalt  }
0x53: {  	_ =	shalt  }
0x54: {  	_ =	shalt  }
0x55: {  	_ =	shalt  }
0x56: {  	_ =	shalt  }
0x57: {  	_ =	shalt  }
0x58: {  	_ =	shalt  }
0x59: {  	_ =	shalt  }
0x5a: {  	_ =	shalt  }
0x5b: {  	_ =	shalt  }
0x5c: {  	_ =	shalt  }
0x5d: {  	_ =	shalt  }
0x5e: {  	_ =	shalt  }
0x5f: {  	_ =	shalt  }
0x60: {  	_ =	shalt  }
0x61: {  	_ =	shalt  }
0x62: {  	_ =	shalt  }
0x63: {  	_ =	shalt  }
0x64: {  	_ =	shalt  }
0x65: {  	_ =	shalt  }
0x66: {  	_ =	shalt  }
0x67: {  	_ =	shalt  }
0x68: {  	_ =	shalt  }
0x69: {  	_ =	shalt  }
0x6a: {  	_ =	shalt  }
0x6b: {  	_ =	shalt  }
0x6c: {  	_ =	shalt  }
0x6d: {  	_ =	shalt  }
0x6e: {  	_ =	shalt  }
0x6f: {  	_ =	shalt  }
0x70: {  	_ =	shalt  }
0x71: {  	_ =	shalt  }
0x72: {  	_ =	shalt  }
0x73: {  	_ =	shalt  }
0x74: {  	_ =	shalt  }
0x75: {  	_ =	shalt  }
0x76: {  	_ =	shalt  }
0x77: {  	_ =	shalt  }
0x78: {  	_ =	shalt  }
0x79: {  	_ =	shalt  }
0x7a: {  	_ =	shalt  }
0x7b: {  	_ =	shalt  }
0x7c: {  	_ =	shalt  }
0x7d: {  	_ =	shalt  }
0x7e: {  	_ =	shalt  }
0x7f: {  	_ =	shalt  }
0x80: {  	_ =	shalt  }
0x81: {  	_ =	shalt  }
0x82: {  	_ =	shalt  }
0x83: {  	_ =	shalt  }
0x84: {  	_ =	shalt  }
0x85: {  	_ =	shalt  }
0x86: {  	_ =	shalt  }
0x87: {  	_ =	shalt  }
.Lfunc_end0:
.L_simem_size_0:
called_computation_lowered:
.L_overlay_start_0:
0x88: {  	s2 =	sld [smem:$0x3FD9]  }
0x89: {  	s3 =	sld [smem:$0x3FFE];
	_ =	sdelay $0x1  }
0x8a: {  	s1 =	srdreg.scid  }
0x8b: {  	s0 =	sand.u32 $0x1, s1  }
0x8c: {  	s17 =	sshll.u32 s0, $0xA;
	s2 =	sadd.s32 s3, s2  }
0x8d: {  	s2 =	sadd.s32 s2, s17  }
0x8e: {  	[smem:$0x3FB4] =	sst s2  }
0x8f: {  	_ = 	snop  }
0x90: {  	(tm) =	ssettm $0x1  }
0x91: {  	s18 =	sld [smem:$0x3FFB];
	_ =	sdelay $0x3  }
0x92: {  	_ =	strace s18  }
0x93: {  	s2 =	sld [smem:$0x3FFC];
	_ =	sdelay $0x3  }
0x94: {  	_ =	strace s2  }
0x95: {  	s2 =	sld [smem:$0x3FFD];
	_ =	sdelay $0x3  }
0x96: {  	_ =	strace s2  }
0x97: {  	_ =	strace $0x8FFFFFFF  }
0x98: {  	s19 =	sld [smem:$0x3FDB];
	_ =	sdelay $0x1  }
0x99: {  	s20 =	simm.s32 $_scs_section_size  }
0x9a: {  	s4 =	simm.s32 $_size__tile_overlayer_lowered;
	s5 =	simm.s32 $_tile_overlayer_lowered  }
0x9b: {  	s6 =	simm.s32 $0x1BFF;
	s21 =	sshll.u32 s5, $0x1;
	s3 =	sadd.s32 s20, s19  }
0x9c: {  	s22 =	simm.s32 $0x0;
	s4 =	sshll.u32 s4, $0x1;
	s5 =	sadd.s32 s21, s3  }
0x9d: {  	[timem:s22], [sflag:s6] =	dma.local [hbm:s5], s4  }
0x9e: {  	_ =	swait.ge [sflag:s6], s4  }
0x9f: {  	s4 =	ssub.s32 $0x0, s4;
	[sflag:s6] =	ssyncset.done $0x0  }
0xa0: {  	[sflag:s6] =	ssyncadd.s32 s4;
	_ =	sdelay $0x1  }
0xa1: {  	s23 =	simm.s32 $0x1B8B  }
0xa2: {  	_ =	swait.ge [sflag:s23], $0x1  }
0xa3: {  	[sflag:s23] =	ssyncset.done $0x0  }
0xa4: {  	[sflag:s23] =	ssyncadd.s32 $0xFFFFFFFF  }
0xa5: {  	s4 =	sld [smem:$0x0]  }
0xa6: {  	s5 =	sand.u32 $0xFFFFFFFE, s1  }
0xa7: {  	p0 =	sne.s32 s1, s5  }
0xa8: {  	s5 =	sshll.u32 @p0 s5, $0xE  }
0xa9: {  	s5 =	sadd.s32 @p0 $0x11B8D, s5;
	s6 =	sshll.u32 @p0 s4, $0x11  }
0xaa: {  	s5 =	sor.u32 @p0 s6, s5  }
0xab: {  	[sflag:s5] =	ssyncadd.remote.s32 @p0 $0x1;
	_ =	sdelay $0x1  }
0xac: {  	s5 =	simm.s32 @p0 $0x1B8D  }
0xad: {  	_ =	swait.eq @p0 [sflag:s5], $0x1  }
0xae: {  	[sflag:s5] =	ssyncadd.s32 @p0 $0xFFFFFFFF  }
0xaf: {  	s6 =	sshll.u32 @!p0 s1, $0xE  }
0xb0: {  	s6 =	sor.u32 @!p0 $0x4000, s6;
	s5 =	simm.s32 @!p0 $0x1B8D  }
0xb1: {  	s4 =	sshll.u32 @!p0 s4, $0x11;
	s6 =	sadd.s32 @!p0 $0x11B8D, s6;
	_ =	swait.eq @!p0 [sflag:s5], $0x1  }
0xb2: {  	s4 =	sor.u32 @!p0 s4, s6;
	[sflag:s5] =	ssyncadd.s32 @!p0 $0xFFFFFFFF  }
0xb3: {  	s25 =	simm.s32 $0x1B8E;
	s24 =	sld [smem:$0x3FFE];
	[sflag:s4] =	ssyncadd.remote.s32 @!p0 $0x1  }
0xb4: {  	s26 =	simm.s32 $execute0_lowered;
	[smem:$0x3FD2] =	sst s25  }
0xb5: {  	s5 =	sshll.u32 s26, $0x1;
	_ =	strace $0x80000052;
	[dreg:$0x1] =	wrdreg $0xFFFFFFFF  }
0xb6: {  	s28 =	simm.s32 $_size_execute0_lowered;
	s3 =	sadd.s32 s3, s5;
	[dreg:$0x0] =	wrdreg $0x0  }
0xb7: {  	s5 =	sshll.u32 s28, $0x1;
	[dreg:$0x2] =	wrdreg s3  }
0xb8: {  	[dreg:$0x3] =	wrdreg s5  }
0xb9: {  	[dreg:$0x4] =	wrdreg $0xC0  }
0xba: {  	_ =	task [dreg:s22], $0x5FFFF  }
0xbb: {  	[dreg:$0x1] =	wrdreg $0xFFFFFFFF  }
0xbc: {  	[dreg:$0x0] =	wrdreg $0x60  }
0xbd: {  	[dreg:$0x2] =	wrdreg s24  }
0xbe: {  	[dreg:$0x3] =	wrdreg $0x9  }
0xbf: {  	_ =	task.clear_ibuf [dreg:s22], $0x4FFFF;
	_ =	strace $0x90000052  }
0xc0: {  	s29 =	simm.s32 $0x9;
	_ =	strace $0x80000054  }
0xc1: {  	_ =	swait.ge [sflag:s29], $0x1  }
0xc2: {  	[sflag:s29] =	ssyncadd.s32 $0xFFFFFFFF  }
0xc3: {  	_ =	strace $0x90000054  }
0xc4: {  	_ =	sfence  }
0xc5: {  	s30 =	sld [smem:$0x0];
	_ =	sdelay $0x2  }
0xc6: {  	s31 =	sshll.u32 s1, $0xD;
	s1 =	sshrl.u32 s1, $0x2  }
0xc7: {  	s4 =	sand.u32 $0x4000, s31;
	s1 =	sadd.s32 s1, s30  }
0xc8: {  	s0 =	sor.u32 s4, s0;
	s1 =	sshll.u32 s1, $0x11  }
0xc9: {  	s0 =	sor.u32 s1, s0  }
0xca: {  	s0 =	sadd.s32 $0x8F2B, s0  }
0xcb: {  	[sflag:s0] =	ssyncadd.remote.s32 $0x1  }
0xcc: {  	_ =	sfence.sel $0xFFFF  }
0xcd: {  	[dreg:$0x0] =	wrdreg $0xFFFFFFFF;
	(pc) =	sbr.abs _section_cstart, $3  }
0xce: {  	[dreg:$0x1] =	wrdreg $0xFFFFFFFF  }
0xcf: {  	_ =	task.clear_ibuf [dreg:s22], $0x2FFFF;
	_ =	strace $0x9FFFFFFF  }
0xd0: {  	(tm) =	ssettm $0x7FFFFFFF  }
0xd1: {  	_ =	shalt  }
tec
execute0_lowered:
.L_overlay_start_1:
0x0: {  	(tag) =	ssettag $0x1  }
0x1: {  	s4 =	rddreg [dreg:$0x0]  }
0x2: {  	s0 =	rddreg [dreg:$0x1]  }
0x3: {  	s3 =	srdreg.scid;
	s1 =	stileid.u32;
	s2 =	simm.s32 $0x0  }
0x4: {  	s10 =	simm.s32 $0x50;
	s11 =	simm.s32 $0xA0;
	s12 =	simm.s32 $0x2DA0  }
0x5: {  	s13 =	simm.s32 $0x1;
	s14 =	simm.s32 $0x2;
	s15 =	simm.s32 $0x3  }
0x6: {  	s16 =	simm.s32 $0x4;
	s17 =	simm.s32 $0x0;
	s6 =	smul.u32 $0xFA0, s1  }
0x7: {  	s5 =	sand.u32 $0x1, s3;
	[smem:$0x7FF] =	sst s2;
	s8 =	smul.u32 $0x11940, s1  }
0x8: {  	s3 =	sadd.s32 $0x7600, s4;
	s7 =	smul.u32 $0x7D0, s5;
	s9 =	ssub.s32 $0x2, s5  }
0x9: {  	_ =	strace $0x80000053;
	s5 =	smul.u32 $0x8CA0, s5;
	s30 =	sshrl.u32 s9, $0x1  }
0xa: {  	s29 =	sadd.s32 s8, s4;
	s6 =	sadd.s32 s7, s6;
	s8 =	ssub.s32 s9, s30  }
0xb: {  	s7 =	sadd.s32 s5, s29;
	s9 =	simm.s32 $0x5;
	s6 =	sshrl.u32 s6, $0x3  }
0xc: {  	s5 =	sadd.s32 $0xA28A00, s7;
	s31 =	sadd.s32 s6, s4;
	s4 =	smax.u32 s8, $0x1  }
0xd: {  	s6 =	sadd.s32 $0x90F600, s7;
	s7 =	sadd.s32 $0x3B600, s31;
	s8 =	sadd.s32 $0x43600, s31  }
.LBB2_1:
0xe: {  	s18 =	sadd.s32 $0x0, s8  }
0xf: {  	[tilespmem:s2], [sflag:$0x5] =	stream.linear.gather [hbm4b:s18+s2], $0x50, $0x38;
	[tilespmem:$0x5AA0] =	vst v63  }
0x10: {  	_ =	swait.ge [sflag:s9], $0x50  }
0x11: {  	[sflag:s9] =	ssyncset.done $0x0  }
0x12: {  	[sflag:s9] =	ssyncadd.s32 $0xFFFFFFB0  }
0x13: {  	[tilespmem:s11], [sflag:$0x1] =	stream.indirect.gather [hbm4b:s3+s10], $0x90, s2, s10, $0xb8;
	[tilespmem:$0x5AA0] =	vst v63  }
0x14: {  	s31 =	sadd.s32 $0x0, s7  }
0x15: {  	[tilespmem:s10], [sflag:$0x5] =	stream.linear.gather [hbm4b:s31+s2], $0x50, $0x38;
	[tilespmem:$0x5AA0] =	vst v63  }
0x16: {  	_ =	swait.ge [sflag:s9], $0x50  }
0x17: {  	[sflag:s9] =	ssyncset.done $0x0  }
0x18: {  	[sflag:s9] =	ssyncadd.s32 $0xFFFFFFB0  }
0x19: {  	[tilespmem:s12], [sflag:$0x2] =	stream.indirect.gather [hbm4b:s3+s10], $0x90, s10, s10, $0xb8;
	[tilespmem:$0x5AA0] =	vst v63  }
0x1a: {  	_ =	swait.ge [sflag:s13], $0x2D00  }
0x1b: {  	[sflag:s13] =	ssyncset.done $0x0  }
0x1c: {  	[sflag:s13] =	ssyncadd.s32 $0xFFFFD300  }
0x1d: {  	[hbm4b:s5+s2] =	stream.linear.scatter [tilespmem:s11], [sflag:$0x3], $0x2D00, $0x38;
	[tilespmem:$0x5AA0] =	vst v63  }
0x1e: {  	_ =	swait.ge [sflag:s14], $0x2D00  }
0x1f: {  	[sflag:s14] =	ssyncset.done $0x0  }
0x20: {  	[sflag:s14] =	ssyncadd.s32 $0xFFFFD300  }
0x21: {  	[hbm4b:s6+s2] =	stream.linear.scatter [tilespmem:s12], [sflag:$0x4], $0x2D00, $0x38;
	[tilespmem:$0x5AA0] =	vst v63  }
0x22: {  	_ =	swait.ge [sflag:s15], $0x2D00  }
0x23: {  	[sflag:s15] =	ssyncset.done $0x0  }
0x24: {  	[sflag:s15] =	ssyncadd.s32 $0xFFFFD300  }
0x25: {  	s20 =	simm.s32 $0xA;
	s21 =	simm.s32 $0x14;
	_ =	swait.ge [sflag:s16], $0x2D00  }
0x26: {  	s19 =	sadd.s32 $0x5A0, s5;
	s18 =	sadd.s32 $0x5A0, s6;
	[sflag:s16] =	ssyncset.done $0x0  }
.LBB2_2:
0x27: {  	s22 =	sadd.s32 s20, s8  }
0x28: {  	[sflag:s16] =	ssyncadd.s32 $0xFFFFD300;
	s23 =	smov.u32 s21;
	s24 =	sadd.s32 $0xA, s21  }
0x29: {  	[tilespmem:s2], [sflag:$0x5] =	stream.linear.gather [hbm4b:s22+s2], $0x50, $0x38;
	[tilespmem:$0x5AA0] =	vst v63  }
0x2a: {  	p0 =	sne.s32 s21, $0xF0;
	_ =	swait.ge [sflag:s9], $0x50  }
0x2b: {  	[sflag:s9] =	ssyncset.done $0x0  }
0x2c: {  	[sflag:s9] =	ssyncadd.s32 $0xFFFFFFB0  }
0x2d: {  	[tilespmem:s11], [sflag:$0x1] =	stream.indirect.gather [hbm4b:s3+s10], $0x90, s2, s10, $0xb8;
	[tilespmem:$0x5AA0] =	vst v63  }
0x2e: {  	s21 =	sadd.s32 s20, s7;
	s20 =	smov.u32 s23  }
0x2f: {  	[tilespmem:s10], [sflag:$0x5] =	stream.linear.gather [hbm4b:s21+s2], $0x50, $0x38;
	[tilespmem:$0x5AA0] =	vst v63  }
0x30: {  	_ =	swait.ge [sflag:s9], $0x50  }
0x31: {  	[sflag:s9] =	ssyncset.done $0x0  }
0x32: {  	[sflag:s9] =	ssyncadd.s32 $0xFFFFFFB0  }
0x33: {  	[tilespmem:s12], [sflag:$0x2] =	stream.indirect.gather [hbm4b:s3+s10], $0x90, s10, s10, $0xb8;
	[tilespmem:$0x5AA0] =	vst v63  }
0x34: {  	_ =	swait.ge [sflag:s13], $0x2D00  }
0x35: {  	[sflag:s13] =	ssyncset.done $0x0  }
0x36: {  	[sflag:s13] =	ssyncadd.s32 $0xFFFFD300  }
0x37: {  	[hbm4b:s19+s2] =	stream.linear.scatter [tilespmem:s11], [sflag:$0x3], $0x2D00, $0x38;
	[tilespmem:$0x5AA0] =	vst v63  }
0x38: {  	_ =	swait.ge [sflag:s14], $0x2D00  }
0x39: {  	[sflag:s14] =	ssyncset.done $0x0  }
0x3a: {  	[sflag:s14] =	ssyncadd.s32 $0xFFFFD300  }
0x3b: {  	[hbm4b:s18+s2] =	stream.linear.scatter [tilespmem:s12], [sflag:$0x4], $0x2D00, $0x38;
	[tilespmem:$0x5AA0] =	vst v63  }
.Ltmp0:
0x3c: {  	_ =	swait.ge [sflag:s15], $0x2D00;
	(pc) =	sbr.rel @p0 .LBB2_2-.Ltmp0, $4  }
0x3d: {  	[sflag:s15] =	ssyncset.done $0x0  }
0x3e: {  	[sflag:s15] =	ssyncadd.s32 $0xFFFFD300  }
0x3f: {  	s21 =	smov.u32 s24;
	_ =	swait.ge [sflag:s16], $0x2D00  }
0x40: {  	s19 =	sadd.s32 $0x5A0, s19;
	s18 =	sadd.s32 $0x5A0, s18;
	[sflag:s16] =	ssyncset.done $0x0  }
0x41: {  	s21 =	sadd.s32 s20, s8;
	[sflag:s16] =	ssyncadd.s32 $0xFFFFD300  }
0x42: {  	[tilespmem:s2], [sflag:$0x5] =	stream.linear.gather [hbm4b:s21+s2], $0x50, $0x38;
	[tilespmem:$0x5AA0] =	vst v63  }
0x43: {  	_ =	swait.ge [sflag:s9], $0x50  }
0x44: {  	[sflag:s9] =	ssyncset.done $0x0  }
0x45: {  	[sflag:s9] =	ssyncadd.s32 $0xFFFFFFB0  }
0x46: {  	[tilespmem:s11], [sflag:$0x1] =	stream.indirect.gather [hbm4b:s3+s10], $0x90, s2, s10, $0xb8;
	[tilespmem:$0x5AA0] =	vst v63  }
0x47: {  	s31 =	sadd.s32 s20, s7  }
0x48: {  	[tilespmem:s10], [sflag:$0x5] =	stream.linear.gather [hbm4b:s31+s2], $0x50, $0x38;
	[tilespmem:$0x5AA0] =	vst v63  }
0x49: {  	_ =	swait.ge [sflag:s9], $0x50  }
0x4a: {  	[sflag:s9] =	ssyncset.done $0x0  }
0x4b: {  	[sflag:s9] =	ssyncadd.s32 $0xFFFFFFB0  }
0x4c: {  	[tilespmem:s12], [sflag:$0x2] =	stream.indirect.gather [hbm4b:s3+s10], $0x90, s10, s10, $0xb8;
	[tilespmem:$0x5AA0] =	vst v63  }
0x4d: {  	_ =	swait.ge [sflag:s13], $0x2D00  }
0x4e: {  	[sflag:s13] =	ssyncset.done $0x0  }
0x4f: {  	[sflag:s13] =	ssyncadd.s32 $0xFFFFD300  }
0x50: {  	[hbm4b:s19+s2] =	stream.linear.scatter [tilespmem:s11], [sflag:$0x3], $0x2D00, $0x38;
	[tilespmem:$0x5AA0] =	vst v63  }
0x51: {  	_ =	swait.ge [sflag:s14], $0x2D00  }
0x52: {  	[sflag:s14] =	ssyncset.done $0x0  }
0x53: {  	s17 =	sadd.s32 $0x1, s17;
	[sflag:s14] =	ssyncadd.s32 $0xFFFFD300  }
0x54: {  	[hbm4b:s18+s2] =	stream.linear.scatter [tilespmem:s12], [sflag:$0x4], $0x2D00, $0x38;
	[tilespmem:$0x5AA0] =	vst v63  }
0x55: {  	p0 =	sne.s32 s17, s4;
	_ =	swait.ge [sflag:s15], $0x2D00  }
.Ltmp1:
0x56: {  	[sflag:s15] =	ssyncset.done $0x0;
	(pc) =	sbr.rel @p0 .LBB2_1-.Ltmp1, $4  }
0x57: {  	[sflag:s15] =	ssyncadd.s32 $0xFFFFD300  }
0x58: {  	_ =	swait.ge [sflag:s16], $0x2D00  }
0x59: {  	[sflag:s16] =	ssyncset.done $0x0  }
0x5a: {  	[sflag:s16] =	ssyncadd.s32 $0xFFFFD300  }
0x5b: {  	_ =	sfence.sel $0x180000  }
0x5c: {  	[bflag:$0x0] =	sbarrier.arrive $0xFFFF  }
0x5d: {  	p0 =	sne.s32 s1, $0x0;
	_ =	strace $0x90000053  }
0x5e: {  	s0 =	sadd.s32 @!p0 $0x100000, s0;
	[bflag:$0x2] =	sbarrier.arrive $0xFFFF  }
0x5f: {  	[sflag:s0] =	ssyncadd.tile.s32 @!p0 $0x1;
	_ =	shalt  }
.Lfunc_end2:
_tile_overlayer_lowered:
.L_overlay_start_2:
0x60: {  	(tag) =	ssettag $0x2  }
0x61: {  	s0 =	rddreg [dreg:$0x0];
	s2 =	stileid.u32  }
0x62: {  	s1 =	rddreg [dreg:$0x1];
	p0 =	sne.s32 s2, $0x0  }
0x63: {  	s3 =	rddreg [dreg:$0x2];
	[bflag:$0x3] =	sbarrier.arrive $0xFFFF;
	s2 =	simm.s32 @!p0 $0x1C05  }
0x64: {  	[timem:s3], [sflag:s2] =	dma.local @!p0 [hbm:s0], s1  }
0x65: {  	s0 =	simm.s32 @!p0 $0x5  }
0x66: {  	_ =	swait.ge @!p0 [sflag:s0], s1  }
0x67: {  	s1 =	ssub.s32 @!p0 $0x0, s1;
	[sflag:s0] =	ssyncset.done @!p0 $0x0  }
0x68: {  	[sflag:s0] =	ssyncadd.s32 @!p0 s1  }
0x69: {  	[bflag:$0x3] =	sbarrier.arrive $0xFFFF  }
0x6a: {  	_ =	shalt  }

// kernel: kernel.17.cloned.1.call-start
scs
__scs_entry_jumppad:
0x0: {  	(pc) =	sbr.rel $0x88, $3  }
0x1: {  	(tag) =	ssettag $0x0;
	lr =	simm.s32 $0x1  }
0x2: {  	[smem:$0x3F8D] =	sst lr;
	_ =	strace $0xD0000000  }
0x3: {  	_ = 	snop  }
0x4: {  	_ = 	snop  }
0x5: {  	_ = 	snop  }
0x6: {  	_ = 	snop  }
0x7: {  	_ = 	snop  }
__scs_overlays_trampoline_lowered:
0x8: {  	[smem:$0x3F9C] =	sst s0  }
0x9: {  	[smem:$0x3F9D] =	sst s1  }
0xa: {  	[smem:$0x3F9E] =	sst s2  }
0xb: {  	[smem:$0x3F9F] =	sst s3  }
0xc: {  	[smem:$0x3FA0] =	sst s4  }
0xd: {  	[smem:$0x3FA1] =	sst s5  }
0xe: {  	[smem:$0x3FA2] =	sst s6  }
0xf: {  	[smem:$0x3FA3] =	sst s7  }
0x10: {  	[smem:$0x3FA4] =	sst s8  }
0x11: {  	[smem:$0x3FA5] =	sst s9;
	s0 =	simm.s32 @!p0 $0x0  }
0x12: {  	s1 =	sld [smem:$0x3F8B];
	s0 =	simm.s32 @p0 $0x1  }
0x13: {  	[smem:$0x3FA6] =	sst s0;
	s0 =	simm.s32 @!p1 $0x0  }
0x14: {  	s2 =	sld [smem:$0x3F8A];
	s0 =	simm.s32 @p1 $0x1  }
0x15: {  	[smem:$0x3FA7] =	sst s0;
	s0 =	simm.s32 @!p2 $0x0  }
0x16: {  	s3 =	sld [smem:$0x3FDB];
	s0 =	simm.s32 @p2 $0x1  }
0x17: {  	s4 =	simm.s32 $0x1BF5;
	[smem:$0x3FA9] =	sst s0  }
0x18: {  	s0 =	sld [smem:$0x3F8C];
	_ =	swait.ge [sflag:s4], $0x0  }
0x19: {  	s7 =	sld [smem:$0x3F8D]  }
0x1a: {  	s8 =	sadd.s32 $0xFFFFE003, lr  }
0x1b: {  	s9 =	sadd.s32 $0xFFFFFEF7, lr;
	s5 =	simm.s32 $0xFFFFFFFF;
	p2 =	slt.u32 s8, $0xFFFFF086  }
0x1c: {  	p1 =	slt.u32 s9, $0xF7A;
	s5 =	simm.s32 @!p2 $0x0  }
0x1d: {  	s5 =	simm.s32 @p1 $0x1;
	p0 =	seq.s32 s7, s2  }
0x1e: {  	s7 =	smul.u32 @!p0 $0xF7A, s2;
	p2 =	seq.s32 @!p0 s5, $0x0  }
0x1f: {  	s9 =	smul.u32 $0xF7A, s1;
	s8 =	simm.s32 @!p0 $0x1BF5;
	p2 =	por !p2, p0  }
0x20: {  	[sflag:s8] =	ssyncset.s32 @!p0 $0xFFFFF086;
	s6 =	sadd.s32 @!p0 s3, s7;
	s7 =	simm.s32 @!p0 $0x108  }
0x21: {  	s3 =	sadd.s32 s3, s9;
	s6 =	sadd.s32 @!p0 $0x88, s6;
	s7 =	simm.s32 @p2 $0x1082  }
0x22: {  	[simem:s7], [sflag:s8] =	dma.local @!p0 [hbm:s6], $0xF7A  }
0x23: {  	s9 =	sor.u32 $0xD0000000, s2;
	s6 =	simm.s32 $0x108;
	_ =	swait.ge @!p0 [sflag:s8], $0x0  }
0x24: {  	s3 =	sadd.s32 $0x88, s3;
	s6 =	simm.s32 @!p1 $0x1082;
	[sflag:s4] =	ssyncset.s32 $0xFFFFF086  }
0x25: {  	[simem:s6], [sflag:s4] =	dma.local [hbm:s3], $0xF7A  }
0x26: {  	[smem:$0x3F8D] =	sst s1;
	(tag) =	ssettag s2;
	_ =	strace s9  }
0x27: {  	s1 =	sld [smem:$0x3F9D]  }
0x28: {  	s2 =	sld [smem:$0x3F9E]  }
0x29: {  	s4 =	sld [smem:$0x3FA0]  }
0x2a: {  	p0 =	seq.s32 s5, $0x0;
	s5 =	sld [smem:$0x3FA1]  }
0x2b: {  	s6 =	sld [smem:$0x3FA2]  }
0x2c: {  	s7 =	sld [smem:$0x3FA3]  }
0x2d: {  	s3 =	simm.s32 $0x108;
	s8 =	sld [smem:$0x3FA4]  }
0x2e: {  	s3 =	simm.s32 @!p0 $0x1082;
	s9 =	sld [smem:$0x3FA5]  }
0x2f: {  	lr =	sadd.s32 s0, s3;
	s0 =	sld [smem:$0x3F9C]  }
0x30: {  	s3 =	sld [smem:$0x3F9F]  }
0x31: {  	[smem:$0x3FA8] =	sst s10  }
0x32: {  	s10 =	sld [smem:$0x3FA6];
	_ =	sdelay $0x3  }
0x33: {  	p0 =	seq.s32 s10, $0x1;
	s10 =	sld [smem:$0x3FA8];
	_ =	sdelay $0x3  }
0x34: {  	[smem:$0x3FA8] =	sst s10  }
0x35: {  	s10 =	sld [smem:$0x3FA7];
	_ =	sdelay $0x3  }
0x36: {  	p1 =	seq.s32 s10, $0x1;
	s10 =	sld [smem:$0x3FA8];
	_ =	sdelay $0x3  }
0x37: {  	[smem:$0x3FA8] =	sst s10  }
0x38: {  	s10 =	sld [smem:$0x3FA9]  }
0x39: {  	_ = 	snop;
	(pc) =	sbr.ind lr, $3  }
0x3a: {  	_ = 	snop  }
0x3b: {  	_ = 	snop  }
0x3c: {  	p2 =	seq.s32 s10, $0x1;
	s10 =	sld [smem:$0x3FA8]  }
0x3d: {  	_ =	shalt  }
0x3e: {  	_ =	shalt  }
0x3f: {  	_ =	shalt  }
0x40: {  	_ =	shalt  }
0x41: {  	_ =	shalt  }
0x42: {  	_ =	shalt  }
0x43: {  	_ =	shalt  }
0x44: {  	_ =	shalt  }
0x45: {  	_ =	shalt  }
0x46: {  	_ =	shalt  }
0x47: {  	_ =	shalt  }
0x48: {  	_ =	shalt  }
0x49: {  	_ =	shalt  }
0x4a: {  	_ =	shalt  }
0x4b: {  	_ =	shalt  }
0x4c: {  	_ =	shalt  }
0x4d: {  	_ =	shalt  }
0x4e: {  	_ =	shalt  }
0x4f: {  	_ =	shalt  }
0x50: {  	_ =	shalt  }
0x51: {  	_ =	shalt  }
0x52: {  	_ =	shalt  }
0x53: {  	_ =	shalt  }
0x54: {  	_ =	shalt  }
0x55: {  	_ =	shalt  }
0x56: {  	_ =	shalt  }
0x57: {  	_ =	shalt  }
0x58: {  	_ =	shalt  }
0x59: {  	_ =	shalt  }
0x5a: {  	_ =	shalt  }
0x5b: {  	_ =	shalt  }
0x5c: {  	_ =	shalt  }
0x5d: {  	_ =	shalt  }
0x5e: {  	_ =	shalt  }
0x5f: {  	_ =	shalt  }
0x60: {  	_ =	shalt  }
0x61: {  	_ =	shalt  }
0x62: {  	_ =	shalt  }
0x63: {  	_ =	shalt  }
0x64: {  	_ =	shalt  }
0x65: {  	_ =	shalt  }
0x66: {  	_ =	shalt  }
0x67: {  	_ =	shalt  }
0x68: {  	_ =	shalt  }
0x69: {  	_ =	shalt  }
0x6a: {  	_ =	shalt  }
0x6b: {  	_ =	shalt  }
0x6c: {  	_ =	shalt  }
0x6d: {  	_ =	shalt  }
0x6e: {  	_ =	shalt  }
0x6f: {  	_ =	shalt  }
0x70: {  	_ =	shalt  }
0x71: {  	_ =	shalt  }
0x72: {  	_ =	shalt  }
0x73: {  	_ =	shalt  }
0x74: {  	_ =	shalt  }
0x75: {  	_ =	shalt  }
0x76: {  	_ =	shalt  }
0x77: {  	_ =	shalt  }
0x78: {  	_ =	shalt  }
0x79: {  	_ =	shalt  }
0x7a: {  	_ =	shalt  }
0x7b: {  	_ =	shalt  }
0x7c: {  	_ =	shalt  }
0x7d: {  	_ =	shalt  }
0x7e: {  	_ =	shalt  }
0x7f: {  	_ =	shalt  }
0x80: {  	_ =	shalt  }
0x81: {  	_ =	shalt  }
0x82: {  	_ =	shalt  }
0x83: {  	_ =	shalt  }
0x84: {  	_ =	shalt  }
0x85: {  	_ =	shalt  }
0x86: {  	_ =	shalt  }
0x87: {  	_ =	shalt  }
.Lfunc_end0:
.L_simem_size_0:
called_computation.1_lowered:
.L_overlay_start_0:
0x88: {  	s2 =	sld [smem:$0x3FD9]  }
0x89: {  	s3 =	sld [smem:$0x3FFE];
	_ =	sdelay $0x1  }
0x8a: {  	s1 =	srdreg.scid  }
0x8b: {  	s0 =	sand.u32 $0x1, s1  }
0x8c: {  	s17 =	sshll.u32 s0, $0xA;
	s2 =	sadd.s32 s3, s2  }
0x8d: {  	s2 =	sadd.s32 s2, s17  }
0x8e: {  	[smem:$0x3FB4] =	sst s2  }
0x8f: {  	_ = 	snop  }
0x90: {  	(tm) =	ssettm $0x1  }
0x91: {  	s18 =	sld [smem:$0x3FFB];
	_ =	sdelay $0x3  }
0x92: {  	_ =	strace s18  }
0x93: {  	s2 =	sld [smem:$0x3FFC];
	_ =	sdelay $0x3  }
0x94: {  	_ =	strace s2  }
0x95: {  	s2 =	sld [smem:$0x3FFD];
	_ =	sdelay $0x3  }
0x96: {  	_ =	strace s2  }
0x97: {  	_ =	strace $0x8FFFFFFF  }
0x98: {  	s19 =	sld [smem:$0x3FDB];
	_ =	sdelay $0x1  }
0x99: {  	s20 =	simm.s32 $_scs_section_size  }
0x9a: {  	s4 =	simm.s32 $_size__tile_overlayer_lowered;
	s5 =	simm.s32 $_tile_overlayer_lowered  }
0x9b: {  	s6 =	simm.s32 $0x1BFF;
	s21 =	sshll.u32 s5, $0x1;
	s3 =	sadd.s32 s20, s19  }
0x9c: {  	s22 =	simm.s32 $0x0;
	s4 =	sshll.u32 s4, $0x1;
	s5 =	sadd.s32 s21, s3  }
0x9d: {  	[timem:s22], [sflag:s6] =	dma.local [hbm:s5], s4  }
0x9e: {  	_ =	swait.ge [sflag:s6], s4  }
0x9f: {  	s4 =	ssub.s32 $0x0, s4;
	[sflag:s6] =	ssyncset.done $0x0  }
0xa0: {  	[sflag:s6] =	ssyncadd.s32 s4;
	_ =	sdelay $0x1  }
0xa1: {  	s23 =	simm.s32 $0x1B8B  }
0xa2: {  	_ =	swait.ge [sflag:s23], $0x1  }
0xa3: {  	[sflag:s23] =	ssyncset.done $0x0  }
0xa4: {  	[sflag:s23] =	ssyncadd.s32 $0xFFFFFFFF  }
0xa5: {  	s4 =	sld [smem:$0x0]  }
0xa6: {  	s5 =	sand.u32 $0xFFFFFFFE, s1  }
0xa7: {  	p0 =	sne.s32 s1, s5  }
0xa8: {  	s5 =	sshll.u32 @p0 s5, $0xE  }
0xa9: {  	s5 =	sadd.s32 @p0 $0x11B8D, s5;
	s6 =	sshll.u32 @p0 s4, $0x11  }
0xaa: {  	s5 =	sor.u32 @p0 s6, s5  }
0xab: {  	[sflag:s5] =	ssyncadd.remote.s32 @p0 $0x1;
	_ =	sdelay $0x1  }
0xac: {  	s5 =	simm.s32 @p0 $0x1B8D  }
0xad: {  	_ =	swait.eq @p0 [sflag:s5], $0x1  }
0xae: {  	[sflag:s5] =	ssyncadd.s32 @p0 $0xFFFFFFFF  }
0xaf: {  	s6 =	sshll.u32 @!p0 s1, $0xE  }
0xb0: {  	s6 =	sor.u32 @!p0 $0x4000, s6;
	s5 =	simm.s32 @!p0 $0x1B8D  }
0xb1: {  	s4 =	sshll.u32 @!p0 s4, $0x11;
	s6 =	sadd.s32 @!p0 $0x11B8D, s6;
	_ =	swait.eq @!p0 [sflag:s5], $0x1  }
0xb2: {  	s4 =	sor.u32 @!p0 s4, s6;
	[sflag:s5] =	ssyncadd.s32 @!p0 $0xFFFFFFFF  }
0xb3: {  	s25 =	simm.s32 $0x1B8E;
	s24 =	sld [smem:$0x3FFE];
	[sflag:s4] =	ssyncadd.remote.s32 @!p0 $0x1  }
0xb4: {  	s26 =	simm.s32 $execute0_lowered;
	[smem:$0x3FD2] =	sst s25  }
0xb5: {  	s5 =	sshll.u32 s26, $0x1;
	_ =	strace $0x80000049;
	[dreg:$0x1] =	wrdreg $0xFFFFFFFF  }
0xb6: {  	s28 =	simm.s32 $_size_execute0_lowered;
	s3 =	sadd.s32 s3, s5;
	[dreg:$0x0] =	wrdreg $0x0  }
0xb7: {  	s5 =	sshll.u32 s28, $0x1;
	[dreg:$0x2] =	wrdreg s3  }
0xb8: {  	[dreg:$0x3] =	wrdreg s5  }
0xb9: {  	[dreg:$0x4] =	wrdreg $0xC0  }
0xba: {  	_ =	task [dreg:s22], $0x5FFFF  }
0xbb: {  	[dreg:$0x1] =	wrdreg $0xFFFFFFFF  }
0xbc: {  	[dreg:$0x0] =	wrdreg $0x60  }
0xbd: {  	[dreg:$0x2] =	wrdreg s24  }
0xbe: {  	[dreg:$0x3] =	wrdreg $0xA  }
0xbf: {  	_ =	task.clear_ibuf [dreg:s22], $0x4FFFF;
	_ =	strace $0x90000049  }
0xc0: {  	s29 =	simm.s32 $0xA;
	_ =	strace $0x8000004B  }
0xc1: {  	_ =	swait.ge [sflag:s29], $0x1  }
0xc2: {  	[sflag:s29] =	ssyncadd.s32 $0xFFFFFFFF  }
0xc3: {  	_ =	strace $0x9000004B  }
0xc4: {  	_ =	sfence  }
0xc5: {  	s30 =	sld [smem:$0x0];
	_ =	sdelay $0x2  }
0xc6: {  	s31 =	sshll.u32 s1, $0xD;
	s1 =	sshrl.u32 s1, $0x2  }
0xc7: {  	s4 =	sand.u32 $0x4000, s31;
	s1 =	sadd.s32 s1, s30  }
0xc8: {  	s0 =	sor.u32 s4, s0;
	s1 =	sshll.u32 s1, $0x11  }
0xc9: {  	s0 =	sor.u32 s1, s0  }
0xca: {  	s0 =	sadd.s32 $0x8F2B, s0  }
0xcb: {  	[sflag:s0] =	ssyncadd.remote.s32 $0x1  }
0xcc: {  	_ =	sfence.sel $0xFFFF  }
0xcd: {  	[dreg:$0x0] =	wrdreg $0xFFFFFFFF;
	(pc) =	sbr.abs _section_cstart, $3  }
0xce: {  	[dreg:$0x1] =	wrdreg $0xFFFFFFFF  }
0xcf: {  	_ =	task.clear_ibuf [dreg:s22], $0x2FFFF;
	_ =	strace $0x9FFFFFFF  }
0xd0: {  	(tm) =	ssettm $0x7FFFFFFF  }
0xd1: {  	_ =	shalt  }
tec
execute0_lowered:
.L_overlay_start_1:
0x0: {  	(tag) =	ssettag $0x1  }
0x1: {  	s4 =	rddreg [dreg:$0x0]  }
0x2: {  	s0 =	rddreg [dreg:$0x1]  }
0x3: {  	s3 =	srdreg.scid;
	s1 =	stileid.u32;
	s2 =	simm.s32 $0x0  }
0x4: {  	s10 =	simm.s32 $0x50;
	s11 =	simm.s32 $0xA0;
	s12 =	simm.s32 $0x2DA0  }
0x5: {  	s13 =	simm.s32 $0x1;
	s14 =	simm.s32 $0x2;
	s15 =	simm.s32 $0x3  }
0x6: {  	s16 =	simm.s32 $0x4;
	s17 =	simm.s32 $0x0;
	s6 =	smul.u32 $0xFA0, s1  }
0x7: {  	s5 =	sand.u32 $0x1, s3;
	[smem:$0x7FF] =	sst s2;
	s8 =	smul.u32 $0x11940, s1  }
0x8: {  	s3 =	sadd.s32 $0x7600, s4;
	s7 =	smul.u32 $0x7D0, s5;
	s9 =	ssub.s32 $0x2, s5  }
0x9: {  	_ =	strace $0x8000004A;
	s5 =	smul.u32 $0x8CA0, s5;
	s30 =	sshrl.u32 s9, $0x1  }
0xa: {  	s29 =	sadd.s32 s8, s4;
	s6 =	sadd.s32 s7, s6;
	s8 =	ssub.s32 s9, s30  }
0xb: {  	s7 =	sadd.s32 s5, s29;
	s9 =	simm.s32 $0x5;
	s6 =	sshrl.u32 s6, $0x3  }
0xc: {  	s5 =	sadd.s32 $0x391200, s7;
	s31 =	sadd.s32 s6, s4;
	s4 =	smax.u32 s8, $0x1  }
0xd: {  	s6 =	sadd.s32 $0x277E00, s7;
	s7 =	sadd.s32 $0x35600, s31;
	s8 =	sadd.s32 $0x3F600, s31  }
.LBB2_1:
0xe: {  	s18 =	sadd.s32 $0x0, s8  }
0xf: {  	[tilespmem:s2], [sflag:$0x5] =	stream.linear.gather [hbm4b:s18+s2], $0x50, $0x38;
	[tilespmem:$0x5AA0] =	vst v63  }
0x10: {  	_ =	swait.ge [sflag:s9], $0x50  }
0x11: {  	[sflag:s9] =	ssyncset.done $0x0  }
0x12: {  	[sflag:s9] =	ssyncadd.s32 $0xFFFFFFB0  }
0x13: {  	[tilespmem:s11], [sflag:$0x1] =	stream.indirect.gather [hbm4b:s3+s10], $0x90, s2, s10, $0xb8;
	[tilespmem:$0x5AA0] =	vst v63  }
0x14: {  	s31 =	sadd.s32 $0x0, s7  }
0x15: {  	[tilespmem:s10], [sflag:$0x5] =	stream.linear.gather [hbm4b:s31+s2], $0x50, $0x38;
	[tilespmem:$0x5AA0] =	vst v63  }
0x16: {  	_ =	swait.ge [sflag:s9], $0x50  }
0x17: {  	[sflag:s9] =	ssyncset.done $0x0  }
0x18: {  	[sflag:s9] =	ssyncadd.s32 $0xFFFFFFB0  }
0x19: {  	[tilespmem:s12], [sflag:$0x2] =	stream.indirect.gather [hbm4b:s3+s10], $0x90, s10, s10, $0xb8;
	[tilespmem:$0x5AA0] =	vst v63  }
0x1a: {  	_ =	swait.ge [sflag:s13], $0x2D00  }
0x1b: {  	[sflag:s13] =	ssyncset.done $0x0  }
0x1c: {  	[sflag:s13] =	ssyncadd.s32 $0xFFFFD300  }
0x1d: {  	[hbm4b:s5+s2] =	stream.linear.scatter [tilespmem:s11], [sflag:$0x3], $0x2D00, $0x38;
	[tilespmem:$0x5AA0] =	vst v63  }
0x1e: {  	_ =	swait.ge [sflag:s14], $0x2D00  }
0x1f: {  	[sflag:s14] =	ssyncset.done $0x0  }
0x20: {  	[sflag:s14] =	ssyncadd.s32 $0xFFFFD300  }
0x21: {  	[hbm4b:s6+s2] =	stream.linear.scatter [tilespmem:s12], [sflag:$0x4], $0x2D00, $0x38;
	[tilespmem:$0x5AA0] =	vst v63  }
0x22: {  	_ =	swait.ge [sflag:s15], $0x2D00  }
0x23: {  	[sflag:s15] =	ssyncset.done $0x0  }
0x24: {  	[sflag:s15] =	ssyncadd.s32 $0xFFFFD300  }
0x25: {  	s20 =	simm.s32 $0xA;
	s21 =	simm.s32 $0x14;
	_ =	swait.ge [sflag:s16], $0x2D00  }
0x26: {  	s19 =	sadd.s32 $0x5A0, s5;
	s18 =	sadd.s32 $0x5A0, s6;
	[sflag:s16] =	ssyncset.done $0x0  }
.LBB2_2:
0x27: {  	s22 =	sadd.s32 s20, s8  }
0x28: {  	[sflag:s16] =	ssyncadd.s32 $0xFFFFD300;
	s23 =	smov.u32 s21;
	s24 =	sadd.s32 $0xA, s21  }
0x29: {  	[tilespmem:s2], [sflag:$0x5] =	stream.linear.gather [hbm4b:s22+s2], $0x50, $0x38;
	[tilespmem:$0x5AA0] =	vst v63  }
0x2a: {  	p0 =	sne.s32 s21, $0xF0;
	_ =	swait.ge [sflag:s9], $0x50  }
0x2b: {  	[sflag:s9] =	ssyncset.done $0x0  }
0x2c: {  	[sflag:s9] =	ssyncadd.s32 $0xFFFFFFB0  }
0x2d: {  	[tilespmem:s11], [sflag:$0x1] =	stream.indirect.gather [hbm4b:s3+s10], $0x90, s2, s10, $0xb8;
	[tilespmem:$0x5AA0] =	vst v63  }
0x2e: {  	s21 =	sadd.s32 s20, s7;
	s20 =	smov.u32 s23  }
0x2f: {  	[tilespmem:s10], [sflag:$0x5] =	stream.linear.gather [hbm4b:s21+s2], $0x50, $0x38;
	[tilespmem:$0x5AA0] =	vst v63  }
0x30: {  	_ =	swait.ge [sflag:s9], $0x50  }
0x31: {  	[sflag:s9] =	ssyncset.done $0x0  }
0x32: {  	[sflag:s9] =	ssyncadd.s32 $0xFFFFFFB0  }
0x33: {  	[tilespmem:s12], [sflag:$0x2] =	stream.indirect.gather [hbm4b:s3+s10], $0x90, s10, s10, $0xb8;
	[tilespmem:$0x5AA0] =	vst v63  }
0x34: {  	_ =	swait.ge [sflag:s13], $0x2D00  }
0x35: {  	[sflag:s13] =	ssyncset.done $0x0  }
0x36: {  	[sflag:s13] =	ssyncadd.s32 $0xFFFFD300  }
0x37: {  	[hbm4b:s19+s2] =	stream.linear.scatter [tilespmem:s11], [sflag:$0x3], $0x2D00, $0x38;
	[tilespmem:$0x5AA0] =	vst v63  }
0x38: {  	_ =	swait.ge [sflag:s14], $0x2D00  }
0x39: {  	[sflag:s14] =	ssyncset.done $0x0  }
0x3a: {  	[sflag:s14] =	ssyncadd.s32 $0xFFFFD300  }
0x3b: {  	[hbm4b:s18+s2] =	stream.linear.scatter [tilespmem:s12], [sflag:$0x4], $0x2D00, $0x38;
	[tilespmem:$0x5AA0] =	vst v63  }
.Ltmp0:
0x3c: {  	_ =	swait.ge [sflag:s15], $0x2D00;
	(pc) =	sbr.rel @p0 .LBB2_2-.Ltmp0, $4  }
0x3d: {  	[sflag:s15] =	ssyncset.done $0x0  }
0x3e: {  	[sflag:s15] =	ssyncadd.s32 $0xFFFFD300  }
0x3f: {  	s21 =	smov.u32 s24;
	_ =	swait.ge [sflag:s16], $0x2D00  }
0x40: {  	s19 =	sadd.s32 $0x5A0, s19;
	s18 =	sadd.s32 $0x5A0, s18;
	[sflag:s16] =	ssyncset.done $0x0  }
0x41: {  	s21 =	sadd.s32 s20, s8;
	[sflag:s16] =	ssyncadd.s32 $0xFFFFD300  }
0x42: {  	[tilespmem:s2], [sflag:$0x5] =	stream.linear.gather [hbm4b:s21+s2], $0x50, $0x38;
	[tilespmem:$0x5AA0] =	vst v63  }
0x43: {  	_ =	swait.ge [sflag:s9], $0x50  }
0x44: {  	[sflag:s9] =	ssyncset.done $0x0  }
0x45: {  	[sflag:s9] =	ssyncadd.s32 $0xFFFFFFB0  }
0x46: {  	[tilespmem:s11], [sflag:$0x1] =	stream.indirect.gather [hbm4b:s3+s10], $0x90, s2, s10, $0xb8;
	[tilespmem:$0x5AA0] =	vst v63  }
0x47: {  	s31 =	sadd.s32 s20, s7  }
0x48: {  	[tilespmem:s10], [sflag:$0x5] =	stream.linear.gather [hbm4b:s31+s2], $0x50, $0x38;
	[tilespmem:$0x5AA0] =	vst v63  }
0x49: {  	_ =	swait.ge [sflag:s9], $0x50  }
0x4a: {  	[sflag:s9] =	ssyncset.done $0x0  }
0x4b: {  	[sflag:s9] =	ssyncadd.s32 $0xFFFFFFB0  }
0x4c: {  	[tilespmem:s12], [sflag:$0x2] =	stream.indirect.gather [hbm4b:s3+s10], $0x90, s10, s10, $0xb8;
	[tilespmem:$0x5AA0] =	vst v63  }
0x4d: {  	_ =	swait.ge [sflag:s13], $0x2D00  }
0x4e: {  	[sflag:s13] =	ssyncset.done $0x0  }
0x4f: {  	[sflag:s13] =	ssyncadd.s32 $0xFFFFD300  }
0x50: {  	[hbm4b:s19+s2] =	stream.linear.scatter [tilespmem:s11], [sflag:$0x3], $0x2D00, $0x38;
	[tilespmem:$0x5AA0] =	vst v63  }
0x51: {  	_ =	swait.ge [sflag:s14], $0x2D00  }
0x52: {  	[sflag:s14] =	ssyncset.done $0x0  }
0x53: {  	s17 =	sadd.s32 $0x1, s17;
	[sflag:s14] =	ssyncadd.s32 $0xFFFFD300  }
0x54: {  	[hbm4b:s18+s2] =	stream.linear.scatter [tilespmem:s12], [sflag:$0x4], $0x2D00, $0x38;
	[tilespmem:$0x5AA0] =	vst v63  }
0x55: {  	p0 =	sne.s32 s17, s4;
	_ =	swait.ge [sflag:s15], $0x2D00  }
.Ltmp1:
0x56: {  	[sflag:s15] =	ssyncset.done $0x0;
	(pc) =	sbr.rel @p0 .LBB2_1-.Ltmp1, $4  }
0x57: {  	[sflag:s15] =	ssyncadd.s32 $0xFFFFD300  }
0x58: {  	_ =	swait.ge [sflag:s16], $0x2D00  }
0x59: {  	[sflag:s16] =	ssyncset.done $0x0  }
0x5a: {  	[sflag:s16] =	ssyncadd.s32 $0xFFFFD300  }
0x5b: {  	_ =	sfence.sel $0x180000  }
0x5c: {  	[bflag:$0x0] =	sbarrier.arrive $0xFFFF  }
0x5d: {  	p0 =	sne.s32 s1, $0x0;
	_ =	strace $0x9000004A  }
0x5e: {  	s0 =	sadd.s32 @!p0 $0x100000, s0;
	[bflag:$0x2] =	sbarrier.arrive $0xFFFF  }
0x5f: {  	[sflag:s0] =	ssyncadd.tile.s32 @!p0 $0x1;
	_ =	shalt  }
.Lfunc_end2:
_tile_overlayer_lowered:
.L_overlay_start_2:
0x60: {  	(tag) =	ssettag $0x2  }
0x61: {  	s0 =	rddreg [dreg:$0x0];
	s2 =	stileid.u32  }
0x62: {  	s1 =	rddreg [dreg:$0x1];
	p0 =	sne.s32 s2, $0x0  }
0x63: {  	s3 =	rddreg [dreg:$0x2];
	[bflag:$0x3] =	sbarrier.arrive $0xFFFF;
	s2 =	simm.s32 @!p0 $0x1C05  }
0x64: {  	[timem:s3], [sflag:s2] =	dma.local @!p0 [hbm:s0], s1  }
0x65: {  	s0 =	simm.s32 @!p0 $0x5  }
0x66: {  	_ =	swait.ge @!p0 [sflag:s0], s1  }
0x67: {  	s1 =	ssub.s32 @!p0 $0x0, s1;
	[sflag:s0] =	ssyncset.done @!p0 $0x0  }
0x68: {  	[sflag:s0] =	ssyncadd.s32 @!p0 s1  }
0x69: {  	[bflag:$0x3] =	sbarrier.arrive $0xFFFF  }
0x6a: {  	_ =	shalt  }

// kernel: kernel.20.cloned.1.call-start
scs
__scs_entry_jumppad:
0x0: {  	(pc) =	sbr.rel $0x88, $3  }
0x1: {  	(tag) =	ssettag $0x0;
	lr =	simm.s32 $0x1  }
0x2: {  	[smem:$0x3F8D] =	sst lr;
	_ =	strace $0xD0000000  }
0x3: {  	_ = 	snop  }
0x4: {  	_ = 	snop  }
0x5: {  	_ = 	snop  }
0x6: {  	_ = 	snop  }
0x7: {  	_ = 	snop  }
__scs_overlays_trampoline_lowered:
0x8: {  	[smem:$0x3F9C] =	sst s0  }
0x9: {  	[smem:$0x3F9D] =	sst s1  }
0xa: {  	[smem:$0x3F9E] =	sst s2  }
0xb: {  	[smem:$0x3F9F] =	sst s3  }
0xc: {  	[smem:$0x3FA0] =	sst s4  }
0xd: {  	[smem:$0x3FA1] =	sst s5  }
0xe: {  	[smem:$0x3FA2] =	sst s6  }
0xf: {  	[smem:$0x3FA3] =	sst s7  }
0x10: {  	[smem:$0x3FA4] =	sst s8  }
0x11: {  	[smem:$0x3FA5] =	sst s9;
	s0 =	simm.s32 @!p0 $0x0  }
0x12: {  	s1 =	sld [smem:$0x3F8B];
	s0 =	simm.s32 @p0 $0x1  }
0x13: {  	[smem:$0x3FA6] =	sst s0;
	s0 =	simm.s32 @!p1 $0x0  }
0x14: {  	s2 =	sld [smem:$0x3F8A];
	s0 =	simm.s32 @p1 $0x1  }
0x15: {  	[smem:$0x3FA7] =	sst s0;
	s0 =	simm.s32 @!p2 $0x0  }
0x16: {  	s3 =	sld [smem:$0x3FDB];
	s0 =	simm.s32 @p2 $0x1  }
0x17: {  	s4 =	simm.s32 $0x1BF5;
	[smem:$0x3FA9] =	sst s0  }
0x18: {  	s0 =	sld [smem:$0x3F8C];
	_ =	swait.ge [sflag:s4], $0x0  }
0x19: {  	s7 =	sld [smem:$0x3F8D]  }
0x1a: {  	s8 =	sadd.s32 $0xFFFFE003, lr  }
0x1b: {  	s9 =	sadd.s32 $0xFFFFFEF7, lr;
	s5 =	simm.s32 $0xFFFFFFFF;
	p2 =	slt.u32 s8, $0xFFFFF086  }
0x1c: {  	p1 =	slt.u32 s9, $0xF7A;
	s5 =	simm.s32 @!p2 $0x0  }
0x1d: {  	s5 =	simm.s32 @p1 $0x1;
	p0 =	seq.s32 s7, s2  }
0x1e: {  	s7 =	smul.u32 @!p0 $0xF7A, s2;
	p2 =	seq.s32 @!p0 s5, $0x0  }
0x1f: {  	s9 =	smul.u32 $0xF7A, s1;
	s8 =	simm.s32 @!p0 $0x1BF5;
	p2 =	por !p2, p0  }
0x20: {  	[sflag:s8] =	ssyncset.s32 @!p0 $0xFFFFF086;
	s6 =	sadd.s32 @!p0 s3, s7;
	s7 =	simm.s32 @!p0 $0x108  }
0x21: {  	s3 =	sadd.s32 s3, s9;
	s6 =	sadd.s32 @!p0 $0x88, s6;
	s7 =	simm.s32 @p2 $0x1082  }
0x22: {  	[simem:s7], [sflag:s8] =	dma.local @!p0 [hbm:s6], $0xF7A  }
0x23: {  	s9 =	sor.u32 $0xD0000000, s2;
	s6 =	simm.s32 $0x108;
	_ =	swait.ge @!p0 [sflag:s8], $0x0  }
0x24: {  	s3 =	sadd.s32 $0x88, s3;
	s6 =	simm.s32 @!p1 $0x1082;
	[sflag:s4] =	ssyncset.s32 $0xFFFFF086  }
0x25: {  	[simem:s6], [sflag:s4] =	dma.local [hbm:s3], $0xF7A  }
0x26: {  	[smem:$0x3F8D] =	sst s1;
	(tag) =	ssettag s2;
	_ =	strace s9  }
0x27: {  	s1 =	sld [smem:$0x3F9D]  }
0x28: {  	s2 =	sld [smem:$0x3F9E]  }
0x29: {  	s4 =	sld [smem:$0x3FA0]  }
0x2a: {  	p0 =	seq.s32 s5, $0x0;
	s5 =	sld [smem:$0x3FA1]  }
0x2b: {  	s6 =	sld [smem:$0x3FA2]  }
0x2c: {  	s7 =	sld [smem:$0x3FA3]  }
0x2d: {  	s3 =	simm.s32 $0x108;
	s8 =	sld [smem:$0x3FA4]  }
0x2e: {  	s3 =	simm.s32 @!p0 $0x1082;
	s9 =	sld [smem:$0x3FA5]  }
0x2f: {  	lr =	sadd.s32 s0, s3;
	s0 =	sld [smem:$0x3F9C]  }
0x30: {  	s3 =	sld [smem:$0x3F9F]  }
0x31: {  	[smem:$0x3FA8] =	sst s10  }
0x32: {  	s10 =	sld [smem:$0x3FA6];
	_ =	sdelay $0x3  }
0x33: {  	p0 =	seq.s32 s10, $0x1;
	s10 =	sld [smem:$0x3FA8];
	_ =	sdelay $0x3  }
0x34: {  	[smem:$0x3FA8] =	sst s10  }
0x35: {  	s10 =	sld [smem:$0x3FA7];
	_ =	sdelay $0x3  }
0x36: {  	p1 =	seq.s32 s10, $0x1;
	s10 =	sld [smem:$0x3FA8];
	_ =	sdelay $0x3  }
0x37: {  	[smem:$0x3FA8] =	sst s10  }
0x38: {  	s10 =	sld [smem:$0x3FA9]  }
0x39: {  	_ = 	snop;
	(pc) =	sbr.ind lr, $3  }
0x3a: {  	_ = 	snop  }
0x3b: {  	_ = 	snop  }
0x3c: {  	p2 =	seq.s32 s10, $0x1;
	s10 =	sld [smem:$0x3FA8]  }
0x3d: {  	_ =	shalt  }
0x3e: {  	_ =	shalt  }
0x3f: {  	_ =	shalt  }
0x40: {  	_ =	shalt  }
0x41: {  	_ =	shalt  }
0x42: {  	_ =	shalt  }
0x43: {  	_ =	shalt  }
0x44: {  	_ =	shalt  }
0x45: {  	_ =	shalt  }
0x46: {  	_ =	shalt  }
0x47: {  	_ =	shalt  }
0x48: {  	_ =	shalt  }
0x49: {  	_ =	shalt  }
0x4a: {  	_ =	shalt  }
0x4b: {  	_ =	shalt  }
0x4c: {  	_ =	shalt  }
0x4d: {  	_ =	shalt  }
0x4e: {  	_ =	shalt  }
0x4f: {  	_ =	shalt  }
0x50: {  	_ =	shalt  }
0x51: {  	_ =	shalt  }
0x52: {  	_ =	shalt  }
0x53: {  	_ =	shalt  }
0x54: {  	_ =	shalt  }
0x55: {  	_ =	shalt  }
0x56: {  	_ =	shalt  }
0x57: {  	_ =	shalt  }
0x58: {  	_ =	shalt  }
0x59: {  	_ =	shalt  }
0x5a: {  	_ =	shalt  }
0x5b: {  	_ =	shalt  }
0x5c: {  	_ =	shalt  }
0x5d: {  	_ =	shalt  }
0x5e: {  	_ =	shalt  }
0x5f: {  	_ =	shalt  }
0x60: {  	_ =	shalt  }
0x61: {  	_ =	shalt  }
0x62: {  	_ =	shalt  }
0x63: {  	_ =	shalt  }
0x64: {  	_ =	shalt  }
0x65: {  	_ =	shalt  }
0x66: {  	_ =	shalt  }
0x67: {  	_ =	shalt  }
0x68: {  	_ =	shalt  }
0x69: {  	_ =	shalt  }
0x6a: {  	_ =	shalt  }
0x6b: {  	_ =	shalt  }
0x6c: {  	_ =	shalt  }
0x6d: {  	_ =	shalt  }
0x6e: {  	_ =	shalt  }
0x6f: {  	_ =	shalt  }
0x70: {  	_ =	shalt  }
0x71: {  	_ =	shalt  }
0x72: {  	_ =	shalt  }
0x73: {  	_ =	shalt  }
0x74: {  	_ =	shalt  }
0x75: {  	_ =	shalt  }
0x76: {  	_ =	shalt  }
0x77: {  	_ =	shalt  }
0x78: {  	_ =	shalt  }
0x79: {  	_ =	shalt  }
0x7a: {  	_ =	shalt  }
0x7b: {  	_ =	shalt  }
0x7c: {  	_ =	shalt  }
0x7d: {  	_ =	shalt  }
0x7e: {  	_ =	shalt  }
0x7f: {  	_ =	shalt  }
0x80: {  	_ =	shalt  }
0x81: {  	_ =	shalt  }
0x82: {  	_ =	shalt  }
0x83: {  	_ =	shalt  }
0x84: {  	_ =	shalt  }
0x85: {  	_ =	shalt  }
0x86: {  	_ =	shalt  }
0x87: {  	_ =	shalt  }
.Lfunc_end0:
.L_simem_size_0:
called_computation.2_lowered:
.L_overlay_start_0:
0x88: {  	s2 =	sld [smem:$0x3FD9]  }
0x89: {  	s3 =	sld [smem:$0x3FFE];
	_ =	sdelay $0x1  }
0x8a: {  	s1 =	srdreg.scid  }
0x8b: {  	s0 =	sand.u32 $0x1, s1  }
0x8c: {  	s16 =	sshll.u32 s0, $0xA;
	s2 =	sadd.s32 s3, s2  }
0x8d: {  	s2 =	sadd.s32 s2, s16  }
0x8e: {  	[smem:$0x3FB4] =	sst s2  }
0x8f: {  	_ = 	snop  }
0x90: {  	(tm) =	ssettm $0x1  }
0x91: {  	s17 =	sld [smem:$0x3FFB];
	_ =	sdelay $0x3  }
0x92: {  	_ =	strace s17  }
0x93: {  	s2 =	sld [smem:$0x3FFC];
	_ =	sdelay $0x3  }
0x94: {  	_ =	strace s2  }
0x95: {  	s2 =	sld [smem:$0x3FFD];
	_ =	sdelay $0x3  }
0x96: {  	_ =	strace s2  }
0x97: {  	_ =	strace $0x8FFFFFFF  }
0x98: {  	s18 =	sld [smem:$0x3FDB];
	_ =	sdelay $0x1  }
0x99: {  	s19 =	simm.s32 $_scs_section_size  }
0x9a: {  	s4 =	simm.s32 $_size__tile_overlayer_lowered;
	s5 =	simm.s32 $_tile_overlayer_lowered  }
0x9b: {  	s22 =	simm.s32 $0x1BFF;
	s21 =	sshll.u32 s5, $0x1;
	s2 =	sadd.s32 s19, s18  }
0x9c: {  	s6 =	simm.s32 $0x0;
	s20 =	sshll.u32 s4, $0x1;
	s4 =	sadd.s32 s21, s2  }
0x9d: {  	[timem:s6], [sflag:s22] =	dma.local [hbm:s4], s20  }
0x9e: {  	_ =	swait.ge [sflag:s22], s20  }
0x9f: {  	s3 =	ssub.s32 $0x0, s20;
	[sflag:s22] =	ssyncset.done $0x0  }
0xa0: {  	[sflag:s22] =	ssyncadd.s32 s3;
	_ =	sdelay $0x1  }
0xa1: {  	s23 =	simm.s32 $0x1B8B  }
0xa2: {  	_ =	swait.ge [sflag:s23], $0x1  }
0xa3: {  	[sflag:s23] =	ssyncset.done $0x0  }
0xa4: {  	s25 =	simm.s32 $0x1B8E;
	s24 =	sld [smem:$0x3FFE];
	[sflag:s23] =	ssyncadd.s32 $0xFFFFFFFF  }
0xa5: {  	s26 =	simm.s32 $execute0_lowered;
	[smem:$0x3FD2] =	sst s25  }
0xa6: {  	s4 =	sshll.u32 s26, $0x1;
	_ =	strace $0x80000046;
	[dreg:$0x1] =	wrdreg $0xFFFFFFFF  }
0xa7: {  	s28 =	simm.s32 $_size_execute0_lowered;
	s2 =	sadd.s32 s2, s4;
	[dreg:$0x0] =	wrdreg $0x0  }
0xa8: {  	s4 =	sshll.u32 s28, $0x1;
	[dreg:$0x2] =	wrdreg s2  }
0xa9: {  	[dreg:$0x3] =	wrdreg s4  }
0xaa: {  	[dreg:$0x4] =	wrdreg $0xC0  }
0xab: {  	_ =	task [dreg:s6], $0x5FFFF  }
0xac: {  	[dreg:$0x1] =	wrdreg $0xFFFFFFFF  }
0xad: {  	[dreg:$0x0] =	wrdreg $0x60  }
0xae: {  	[dreg:$0x2] =	wrdreg s24  }
0xaf: {  	[dreg:$0x3] =	wrdreg $0xB  }
0xb0: {  	_ =	task.clear_ibuf [dreg:s6], $0x4FFFF;
	_ =	strace $0x90000046  }
0xb1: {  	s29 =	simm.s32 $0xB;
	_ =	strace $0x80000048  }
0xb2: {  	_ =	swait.ge [sflag:s29], $0x1  }
0xb3: {  	[sflag:s29] =	ssyncadd.s32 $0xFFFFFFFF  }
0xb4: {  	_ =	strace $0x90000048  }
0xb5: {  	_ =	sfence  }
0xb6: {  	s30 =	sld [smem:$0x0];
	_ =	sdelay $0x2  }
0xb7: {  	s31 =	sshll.u32 s1, $0xD;
	s1 =	sshrl.u32 s1, $0x2  }
0xb8: {  	s3 =	sand.u32 $0x4000, s31;
	s1 =	sadd.s32 s1, s30  }
0xb9: {  	s0 =	sor.u32 s3, s0;
	s1 =	sshll.u32 s1, $0x11  }
0xba: {  	s0 =	sor.u32 s1, s0  }
0xbb: {  	s0 =	sadd.s32 $0x8F2B, s0  }
0xbc: {  	[sflag:s0] =	ssyncadd.remote.s32 $0x1  }
0xbd: {  	_ =	sfence.sel $0xFFFF  }
0xbe: {  	[dreg:$0x0] =	wrdreg $0xFFFFFFFF;
	(pc) =	sbr.abs _section_cstart, $3  }
0xbf: {  	[dreg:$0x1] =	wrdreg $0xFFFFFFFF  }
0xc0: {  	_ =	task.clear_ibuf [dreg:s6], $0x2FFFF;
	_ =	strace $0x9FFFFFFF  }
0xc1: {  	(tm) =	ssettm $0x7FFFFFFF  }
tec
execute0_lowered:
.L_overlay_start_1:
0x0: {  	(tag) =	ssettag $0x1  }
0x1: {  	s4 =	rddreg [dreg:$0x0]  }
0x2: {  	s0 =	rddreg [dreg:$0x1]  }
0x3: {  	s3 =	srdreg.scid;
	s1 =	stileid.u32;
	s2 =	simm.s32 $0x0  }
0x4: {  	s10 =	simm.s32 $0x50;
	s11 =	simm.s32 $0xA0;
	s12 =	simm.s32 $0x2DA0  }
0x5: {  	s13 =	simm.s32 $0x1;
	s14 =	simm.s32 $0x2;
	s15 =	simm.s32 $0x3  }
0x6: {  	s16 =	simm.s32 $0x4;
	s17 =	simm.s32 $0x0;
	s6 =	smul.u32 $0xFA0, s1  }
0x7: {  	s5 =	sand.u32 $0x1, s3;
	[smem:$0x7FF] =	sst s2;
	s8 =	smul.u32 $0x11940, s1  }
0x8: {  	s3 =	sadd.s32 $0x7600, s4;
	s7 =	smul.u32 $0x7D0, s5;
	s9 =	ssub.s32 $0x2, s5  }
0x9: {  	_ =	strace $0x80000047;
	s5 =	smul.u32 $0x8CA0, s5;
	s30 =	sshrl.u32 s9, $0x1  }
0xa: {  	s29 =	sadd.s32 s8, s4;
	s6 =	sadd.s32 s7, s6;
	s8 =	ssub.s32 s9, s30  }
0xb: {  	s7 =	sadd.s32 s5, s29;
	s9 =	simm.s32 $0x5;
	s6 =	sshrl.u32 s6, $0x3  }
0xc: {  	s5 =	sadd.s32 $0x15EA00, s7;
	s31 =	sadd.s32 s6, s4;
	s4 =	smax.u32 s8, $0x1  }
0xd: {  	s6 =	sadd.s32 $0x45600, s7;
	s7 =	sadd.s32 $0x33600, s31;
	s8 =	sadd.s32 $0x3D600, s31  }
.LBB2_1:
0xe: {  	s18 =	sadd.s32 $0x0, s8  }
0xf: {  	[tilespmem:s2], [sflag:$0x5] =	stream.linear.gather [hbm4b:s18+s2], $0x50, $0x38;
	[tilespmem:$0x5AA0] =	vst v63  }
0x10: {  	_ =	swait.ge [sflag:s9], $0x50  }
0x11: {  	[sflag:s9] =	ssyncset.done $0x0  }
0x12: {  	[sflag:s9] =	ssyncadd.s32 $0xFFFFFFB0  }
0x13: {  	[tilespmem:s11], [sflag:$0x1] =	stream.indirect.gather [hbm4b:s3+s10], $0x90, s2, s10, $0xb8;
	[tilespmem:$0x5AA0] =	vst v63  }
0x14: {  	s31 =	sadd.s32 $0x0, s7  }
0x15: {  	[tilespmem:s10], [sflag:$0x5] =	stream.linear.gather [hbm4b:s31+s2], $0x50, $0x38;
	[tilespmem:$0x5AA0] =	vst v63  }
0x16: {  	_ =	swait.ge [sflag:s9], $0x50  }
0x17: {  	[sflag:s9] =	ssyncset.done $0x0  }
0x18: {  	[sflag:s9] =	ssyncadd.s32 $0xFFFFFFB0  }
0x19: {  	[tilespmem:s12], [sflag:$0x2] =	stream.indirect.gather [hbm4b:s3+s10], $0x90, s10, s10, $0xb8;
	[tilespmem:$0x5AA0] =	vst v63  }
0x1a: {  	_ =	swait.ge [sflag:s13], $0x2D00  }
0x1b: {  	[sflag:s13] =	ssyncset.done $0x0  }
0x1c: {  	[sflag:s13] =	ssyncadd.s32 $0xFFFFD300  }
0x1d: {  	[hbm4b:s5+s2] =	stream.linear.scatter [tilespmem:s11], [sflag:$0x3], $0x2D00, $0x38;
	[tilespmem:$0x5AA0] =	vst v63  }
0x1e: {  	_ =	swait.ge [sflag:s14], $0x2D00  }
0x1f: {  	[sflag:s14] =	ssyncset.done $0x0  }
0x20: {  	[sflag:s14] =	ssyncadd.s32 $0xFFFFD300  }
0x21: {  	[hbm4b:s6+s2] =	stream.linear.scatter [tilespmem:s12], [sflag:$0x4], $0x2D00, $0x38;
	[tilespmem:$0x5AA0] =	vst v63  }
0x22: {  	_ =	swait.ge [sflag:s15], $0x2D00  }
0x23: {  	[sflag:s15] =	ssyncset.done $0x0  }
0x24: {  	[sflag:s15] =	ssyncadd.s32 $0xFFFFD300  }
0x25: {  	s20 =	simm.s32 $0xA;
	s21 =	simm.s32 $0x14;
	_ =	swait.ge [sflag:s16], $0x2D00  }
0x26: {  	s19 =	sadd.s32 $0x5A0, s5;
	s18 =	sadd.s32 $0x5A0, s6;
	[sflag:s16] =	ssyncset.done $0x0  }
.LBB2_2:
0x27: {  	s22 =	sadd.s32 s20, s8  }
0x28: {  	[sflag:s16] =	ssyncadd.s32 $0xFFFFD300;
	s23 =	smov.u32 s21;
	s24 =	sadd.s32 $0xA, s21  }
0x29: {  	[tilespmem:s2], [sflag:$0x5] =	stream.linear.gather [hbm4b:s22+s2], $0x50, $0x38;
	[tilespmem:$0x5AA0] =	vst v63  }
0x2a: {  	p0 =	sne.s32 s21, $0xF0;
	_ =	swait.ge [sflag:s9], $0x50  }
0x2b: {  	[sflag:s9] =	ssyncset.done $0x0  }
0x2c: {  	[sflag:s9] =	ssyncadd.s32 $0xFFFFFFB0  }
0x2d: {  	[tilespmem:s11], [sflag:$0x1] =	stream.indirect.gather [hbm4b:s3+s10], $0x90, s2, s10, $0xb8;
	[tilespmem:$0x5AA0] =	vst v63  }
0x2e: {  	s21 =	sadd.s32 s20, s7;
	s20 =	smov.u32 s23  }
0x2f: {  	[tilespmem:s10], [sflag:$0x5] =	stream.linear.gather [hbm4b:s21+s2], $0x50, $0x38;
	[tilespmem:$0x5AA0] =	vst v63  }
0x30: {  	_ =	swait.ge [sflag:s9], $0x50  }
0x31: {  	[sflag:s9] =	ssyncset.done $0x0  }
0x32: {  	[sflag:s9] =	ssyncadd.s32 $0xFFFFFFB0  }
0x33: {  	[tilespmem:s12], [sflag:$0x2] =	stream.indirect.gather [hbm4b:s3+s10], $0x90, s10, s10, $0xb8;
	[tilespmem:$0x5AA0] =	vst v63  }
0x34: {  	_ =	swait.ge [sflag:s13], $0x2D00  }
0x35: {  	[sflag:s13] =	ssyncset.done $0x0  }
0x36: {  	[sflag:s13] =	ssyncadd.s32 $0xFFFFD300  }
0x37: {  	[hbm4b:s19+s2] =	stream.linear.scatter [tilespmem:s11], [sflag:$0x3], $0x2D00, $0x38;
	[tilespmem:$0x5AA0] =	vst v63  }
0x38: {  	_ =	swait.ge [sflag:s14], $0x2D00  }
0x39: {  	[sflag:s14] =	ssyncset.done $0x0  }
0x3a: {  	[sflag:s14] =	ssyncadd.s32 $0xFFFFD300  }
0x3b: {  	[hbm4b:s18+s2] =	stream.linear.scatter [tilespmem:s12], [sflag:$0x4], $0x2D00, $0x38;
	[tilespmem:$0x5AA0] =	vst v63  }
.Ltmp0:
0x3c: {  	_ =	swait.ge [sflag:s15], $0x2D00;
	(pc) =	sbr.rel @p0 .LBB2_2-.Ltmp0, $4  }
0x3d: {  	[sflag:s15] =	ssyncset.done $0x0  }
0x3e: {  	[sflag:s15] =	ssyncadd.s32 $0xFFFFD300  }
0x3f: {  	s21 =	smov.u32 s24;
	_ =	swait.ge [sflag:s16], $0x2D00  }
0x40: {  	s19 =	sadd.s32 $0x5A0, s19;
	s18 =	sadd.s32 $0x5A0, s18;
	[sflag:s16] =	ssyncset.done $0x0  }
0x41: {  	s21 =	sadd.s32 s20, s8;
	[sflag:s16] =	ssyncadd.s32 $0xFFFFD300  }
0x42: {  	[tilespmem:s2], [sflag:$0x5] =	stream.linear.gather [hbm4b:s21+s2], $0x50, $0x38;
	[tilespmem:$0x5AA0] =	vst v63  }
0x43: {  	_ =	swait.ge [sflag:s9], $0x50  }
0x44: {  	[sflag:s9] =	ssyncset.done $0x0  }
0x45: {  	[sflag:s9] =	ssyncadd.s32 $0xFFFFFFB0  }
0x46: {  	[tilespmem:s11], [sflag:$0x1] =	stream.indirect.gather [hbm4b:s3+s10], $0x90, s2, s10, $0xb8;
	[tilespmem:$0x5AA0] =	vst v63  }
0x47: {  	s31 =	sadd.s32 s20, s7  }
0x48: {  	[tilespmem:s10], [sflag:$0x5] =	stream.linear.gather [hbm4b:s31+s2], $0x50, $0x38;
	[tilespmem:$0x5AA0] =	vst v63  }
0x49: {  	_ =	swait.ge [sflag:s9], $0x50  }
0x4a: {  	[sflag:s9] =	ssyncset.done $0x0  }
0x4b: {  	[sflag:s9] =	ssyncadd.s32 $0xFFFFFFB0  }
0x4c: {  	[tilespmem:s12], [sflag:$0x2] =	stream.indirect.gather [hbm4b:s3+s10], $0x90, s10, s10, $0xb8;
	[tilespmem:$0x5AA0] =	vst v63  }
0x4d: {  	_ =	swait.ge [sflag:s13], $0x2D00  }
0x4e: {  	[sflag:s13] =	ssyncset.done $0x0  }
0x4f: {  	[sflag:s13] =	ssyncadd.s32 $0xFFFFD300  }
0x50: {  	[hbm4b:s19+s2] =	stream.linear.scatter [tilespmem:s11], [sflag:$0x3], $0x2D00, $0x38;
	[tilespmem:$0x5AA0] =	vst v63  }
0x51: {  	_ =	swait.ge [sflag:s14], $0x2D00  }
0x52: {  	[sflag:s14] =	ssyncset.done $0x0  }
0x53: {  	s17 =	sadd.s32 $0x1, s17;
	[sflag:s14] =	ssyncadd.s32 $0xFFFFD300  }
0x54: {  	[hbm4b:s18+s2] =	stream.linear.scatter [tilespmem:s12], [sflag:$0x4], $0x2D00, $0x38;
	[tilespmem:$0x5AA0] =	vst v63  }
0x55: {  	p0 =	sne.s32 s17, s4;
	_ =	swait.ge [sflag:s15], $0x2D00  }
.Ltmp1:
0x56: {  	[sflag:s15] =	ssyncset.done $0x0;
	(pc) =	sbr.rel @p0 .LBB2_1-.Ltmp1, $4  }
0x57: {  	[sflag:s15] =	ssyncadd.s32 $0xFFFFD300  }
0x58: {  	_ =	swait.ge [sflag:s16], $0x2D00  }
0x59: {  	[sflag:s16] =	ssyncset.done $0x0  }
0x5a: {  	[sflag:s16] =	ssyncadd.s32 $0xFFFFD300  }
0x5b: {  	_ =	sfence.sel $0x180000  }
0x5c: {  	[bflag:$0x0] =	sbarrier.arrive $0xFFFF  }
0x5d: {  	p0 =	sne.s32 s1, $0x0;
	_ =	strace $0x90000047  }
0x5e: {  	s0 =	sadd.s32 @!p0 $0x100000, s0;
	[bflag:$0x2] =	sbarrier.arrive $0xFFFF  }
0x5f: {  	[sflag:s0] =	ssyncadd.tile.s32 @!p0 $0x1;
	_ =	shalt  }
.Lfunc_end2:
_tile_overlayer_lowered:
.L_overlay_start_2:
0x60: {  	(tag) =	ssettag $0x2  }
0x61: {  	s0 =	rddreg [dreg:$0x0];
	s2 =	stileid.u32  }
0x62: {  	s1 =	rddreg [dreg:$0x1];
	p0 =	sne.s32 s2, $0x0  }
0x63: {  	s3 =	rddreg [dreg:$0x2];
	[bflag:$0x3] =	sbarrier.arrive $0xFFFF;
	s2 =	simm.s32 @!p0 $0x1C05  }
0x64: {  	[timem:s3], [sflag:s2] =	dma.local @!p0 [hbm:s0], s1  }
0x65: {  	s0 =	simm.s32 @!p0 $0x5  }
0x66: {  	_ =	swait.ge @!p0 [sflag:s0], s1  }
0x67: {  	s1 =	ssub.s32 @!p0 $0x0, s1;
	[sflag:s0] =	ssyncset.done @!p0 $0x0  }
0x68: {  	[sflag:s0] =	ssyncadd.s32 @!p0 s1  }
0x69: {  	[bflag:$0x3] =	sbarrier.arrive $0xFFFF  }
0x6a: {  	_ =	shalt  }

// kernel: kernel.23.cloned.1.call-start
scs
__scs_entry_jumppad:
0x0: {  	(pc) =	sbr.rel $0x88, $3  }
0x1: {  	(tag) =	ssettag $0x0;
	lr =	simm.s32 $0x1  }
0x2: {  	[smem:$0x3F8D] =	sst lr;
	_ =	strace $0xD0000000  }
0x3: {  	_ = 	snop  }
0x4: {  	_ = 	snop  }
0x5: {  	_ = 	snop  }
0x6: {  	_ = 	snop  }
0x7: {  	_ = 	snop  }
__scs_overlays_trampoline_lowered:
0x8: {  	[smem:$0x3F9C] =	sst s0  }
0x9: {  	[smem:$0x3F9D] =	sst s1  }
0xa: {  	[smem:$0x3F9E] =	sst s2  }
0xb: {  	[smem:$0x3F9F] =	sst s3  }
0xc: {  	[smem:$0x3FA0] =	sst s4  }
0xd: {  	[smem:$0x3FA1] =	sst s5  }
0xe: {  	[smem:$0x3FA2] =	sst s6  }
0xf: {  	[smem:$0x3FA3] =	sst s7  }
0x10: {  	[smem:$0x3FA4] =	sst s8  }
0x11: {  	[smem:$0x3FA5] =	sst s9;
	s0 =	simm.s32 @!p0 $0x0  }
0x12: {  	s1 =	sld [smem:$0x3F8B];
	s0 =	simm.s32 @p0 $0x1  }
0x13: {  	[smem:$0x3FA6] =	sst s0;
	s0 =	simm.s32 @!p1 $0x0  }
0x14: {  	s2 =	sld [smem:$0x3F8A];
	s0 =	simm.s32 @p1 $0x1  }
0x15: {  	[smem:$0x3FA7] =	sst s0;
	s0 =	simm.s32 @!p2 $0x0  }
0x16: {  	s3 =	sld [smem:$0x3FDB];
	s0 =	simm.s32 @p2 $0x1  }
0x17: {  	s4 =	simm.s32 $0x1BF5;
	[smem:$0x3FA9] =	sst s0  }
0x18: {  	s0 =	sld [smem:$0x3F8C];
	_ =	swait.ge [sflag:s4], $0x0  }
0x19: {  	s7 =	sld [smem:$0x3F8D]  }
0x1a: {  	s8 =	sadd.s32 $0xFFFFE003, lr  }
0x1b: {  	s9 =	sadd.s32 $0xFFFFFEF7, lr;
	s5 =	simm.s32 $0xFFFFFFFF;
	p2 =	slt.u32 s8, $0xFFFFF086  }
0x1c: {  	p1 =	slt.u32 s9, $0xF7A;
	s5 =	simm.s32 @!p2 $0x0  }
0x1d: {  	s5 =	simm.s32 @p1 $0x1;
	p0 =	seq.s32 s7, s2  }
0x1e: {  	s7 =	smul.u32 @!p0 $0xF7A, s2;
	p2 =	seq.s32 @!p0 s5, $0x0  }
0x1f: {  	s9 =	smul.u32 $0xF7A, s1;
	s8 =	simm.s32 @!p0 $0x1BF5;
	p2 =	por !p2, p0  }
0x20: {  	[sflag:s8] =	ssyncset.s32 @!p0 $0xFFFFF086;
	s6 =	sadd.s32 @!p0 s3, s7;
	s7 =	simm.s32 @!p0 $0x108  }
0x21: {  	s3 =	sadd.s32 s3, s9;
	s6 =	sadd.s32 @!p0 $0x88, s6;
	s7 =	simm.s32 @p2 $0x1082  }
0x22: {  	[simem:s7], [sflag:s8] =	dma.local @!p0 [hbm:s6], $0xF7A  }
0x23: {  	s9 =	sor.u32 $0xD0000000, s2;
	s6 =	simm.s32 $0x108;
	_ =	swait.ge @!p0 [sflag:s8], $0x0  }
0x24: {  	s3 =	sadd.s32 $0x88, s3;
	s6 =	simm.s32 @!p1 $0x1082;
	[sflag:s4] =	ssyncset.s32 $0xFFFFF086  }
0x25: {  	[simem:s6], [sflag:s4] =	dma.local [hbm:s3], $0xF7A  }
0x26: {  	[smem:$0x3F8D] =	sst s1;
	(tag) =	ssettag s2;
	_ =	strace s9  }
0x27: {  	s1 =	sld [smem:$0x3F9D]  }
0x28: {  	s2 =	sld [smem:$0x3F9E]  }
0x29: {  	s4 =	sld [smem:$0x3FA0]  }
0x2a: {  	p0 =	seq.s32 s5, $0x0;
	s5 =	sld [smem:$0x3FA1]  }
0x2b: {  	s6 =	sld [smem:$0x3FA2]  }
0x2c: {  	s7 =	sld [smem:$0x3FA3]  }
0x2d: {  	s3 =	simm.s32 $0x108;
	s8 =	sld [smem:$0x3FA4]  }
0x2e: {  	s3 =	simm.s32 @!p0 $0x1082;
	s9 =	sld [smem:$0x3FA5]  }
0x2f: {  	lr =	sadd.s32 s0, s3;
	s0 =	sld [smem:$0x3F9C]  }
0x30: {  	s3 =	sld [smem:$0x3F9F]  }
0x31: {  	[smem:$0x3FA8] =	sst s10  }
0x32: {  	s10 =	sld [smem:$0x3FA6];
	_ =	sdelay $0x3  }
0x33: {  	p0 =	seq.s32 s10, $0x1;
	s10 =	sld [smem:$0x3FA8];
	_ =	sdelay $0x3  }
0x34: {  	[smem:$0x3FA8] =	sst s10  }
0x35: {  	s10 =	sld [smem:$0x3FA7];
	_ =	sdelay $0x3  }
0x36: {  	p1 =	seq.s32 s10, $0x1;
	s10 =	sld [smem:$0x3FA8];
	_ =	sdelay $0x3  }
0x37: {  	[smem:$0x3FA8] =	sst s10  }
0x38: {  	s10 =	sld [smem:$0x3FA9]  }
0x39: {  	_ = 	snop;
	(pc) =	sbr.ind lr, $3  }
0x3a: {  	_ = 	snop  }
0x3b: {  	_ = 	snop  }
0x3c: {  	p2 =	seq.s32 s10, $0x1;
	s10 =	sld [smem:$0x3FA8]  }
0x3d: {  	_ =	shalt  }
0x3e: {  	_ =	shalt  }
0x3f: {  	_ =	shalt  }
0x40: {  	_ =	shalt  }
0x41: {  	_ =	shalt  }
0x42: {  	_ =	shalt  }
0x43: {  	_ =	shalt  }
0x44: {  	_ =	shalt  }
0x45: {  	_ =	shalt  }
0x46: {  	_ =	shalt  }
0x47: {  	_ =	shalt  }
0x48: {  	_ =	shalt  }
0x49: {  	_ =	shalt  }
0x4a: {  	_ =	shalt  }
0x4b: {  	_ =	shalt  }
0x4c: {  	_ =	shalt  }
0x4d: {  	_ =	shalt  }
0x4e: {  	_ =	shalt  }
0x4f: {  	_ =	shalt  }
0x50: {  	_ =	shalt  }
0x51: {  	_ =	shalt  }
0x52: {  	_ =	shalt  }
0x53: {  	_ =	shalt  }
0x54: {  	_ =	shalt  }
0x55: {  	_ =	shalt  }
0x56: {  	_ =	shalt  }
0x57: {  	_ =	shalt  }
0x58: {  	_ =	shalt  }
0x59: {  	_ =	shalt  }
0x5a: {  	_ =	shalt  }
0x5b: {  	_ =	shalt  }
0x5c: {  	_ =	shalt  }
0x5d: {  	_ =	shalt  }
0x5e: {  	_ =	shalt  }
0x5f: {  	_ =	shalt  }
0x60: {  	_ =	shalt  }
0x61: {  	_ =	shalt  }
0x62: {  	_ =	shalt  }
0x63: {  	_ =	shalt  }
0x64: {  	_ =	shalt  }
0x65: {  	_ =	shalt  }
0x66: {  	_ =	shalt  }
0x67: {  	_ =	shalt  }
0x68: {  	_ =	shalt  }
0x69: {  	_ =	shalt  }
0x6a: {  	_ =	shalt  }
0x6b: {  	_ =	shalt  }
0x6c: {  	_ =	shalt  }
0x6d: {  	_ =	shalt  }
0x6e: {  	_ =	shalt  }
0x6f: {  	_ =	shalt  }
0x70: {  	_ =	shalt  }
0x71: {  	_ =	shalt  }
0x72: {  	_ =	shalt  }
0x73: {  	_ =	shalt  }
0x74: {  	_ =	shalt  }
0x75: {  	_ =	shalt  }
0x76: {  	_ =	shalt  }
0x77: {  	_ =	shalt  }
0x78: {  	_ =	shalt  }
0x79: {  	_ =	shalt  }
0x7a: {  	_ =	shalt  }
0x7b: {  	_ =	shalt  }
0x7c: {  	_ =	shalt  }
0x7d: {  	_ =	shalt  }
0x7e: {  	_ =	shalt  }
0x7f: {  	_ =	shalt  }
0x80: {  	_ =	shalt  }
0x81: {  	_ =	shalt  }
0x82: {  	_ =	shalt  }
0x83: {  	_ =	shalt  }
0x84: {  	_ =	shalt  }
0x85: {  	_ =	shalt  }
0x86: {  	_ =	shalt  }
0x87: {  	_ =	shalt  }
.Lfunc_end0:
.L_simem_size_0:
called_computation.3_lowered:
.L_overlay_start_0:
0x88: {  	s2 =	sld [smem:$0x3FD9]  }
0x89: {  	s3 =	sld [smem:$0x3FFE];
	_ =	sdelay $0x1  }
0x8a: {  	s1 =	srdreg.scid  }
0x8b: {  	s0 =	sand.u32 $0x1, s1  }
0x8c: {  	s17 =	sshll.u32 s0, $0xA;
	s2 =	sadd.s32 s3, s2  }
0x8d: {  	s2 =	sadd.s32 s2, s17  }
0x8e: {  	[smem:$0x3FB4] =	sst s2  }
0x8f: {  	_ = 	snop  }
0x90: {  	(tm) =	ssettm $0x1  }
0x91: {  	s18 =	sld [smem:$0x3FFB];
	_ =	sdelay $0x3  }
0x92: {  	_ =	strace s18  }
0x93: {  	s2 =	sld [smem:$0x3FFC];
	_ =	sdelay $0x3  }
0x94: {  	_ =	strace s2  }
0x95: {  	s2 =	sld [smem:$0x3FFD];
	_ =	sdelay $0x3  }
0x96: {  	_ =	strace s2  }
0x97: {  	_ =	strace $0x8FFFFFFF  }
0x98: {  	s19 =	sld [smem:$0x3FDB];
	_ =	sdelay $0x1  }
0x99: {  	s20 =	simm.s32 $_scs_section_size  }
0x9a: {  	s4 =	simm.s32 $_size__tile_overlayer_lowered;
	s5 =	simm.s32 $_tile_overlayer_lowered  }
0x9b: {  	s6 =	simm.s32 $0x1BFF;
	s21 =	sshll.u32 s5, $0x1;
	s3 =	sadd.s32 s20, s19  }
0x9c: {  	s22 =	simm.s32 $0x0;
	s4 =	sshll.u32 s4, $0x1;
	s5 =	sadd.s32 s21, s3  }
0x9d: {  	[timem:s22], [sflag:s6] =	dma.local [hbm:s5], s4  }
0x9e: {  	_ =	swait.ge [sflag:s6], s4  }
0x9f: {  	s4 =	ssub.s32 $0x0, s4;
	[sflag:s6] =	ssyncset.done $0x0  }
0xa0: {  	[sflag:s6] =	ssyncadd.s32 s4;
	_ =	sdelay $0x1  }
0xa1: {  	s23 =	simm.s32 $0x1B8B  }
0xa2: {  	_ =	swait.ge [sflag:s23], $0x1  }
0xa3: {  	[sflag:s23] =	ssyncset.done $0x0  }
0xa4: {  	[sflag:s23] =	ssyncadd.s32 $0xFFFFFFFF  }
0xa5: {  	s4 =	sld [smem:$0x0]  }
0xa6: {  	s5 =	sand.u32 $0xFFFFFFFE, s1  }
0xa7: {  	p0 =	sne.s32 s1, s5  }
0xa8: {  	s5 =	sshll.u32 @p0 s5, $0xE  }
0xa9: {  	s5 =	sadd.s32 @p0 $0x11B8D, s5;
	s6 =	sshll.u32 @p0 s4, $0x11  }
0xaa: {  	s5 =	sor.u32 @p0 s6, s5  }
0xab: {  	[sflag:s5] =	ssyncadd.remote.s32 @p0 $0x1;
	_ =	sdelay $0x1  }
0xac: {  	s5 =	simm.s32 @p0 $0x1B8D  }
0xad: {  	_ =	swait.eq @p0 [sflag:s5], $0x1  }
0xae: {  	[sflag:s5] =	ssyncadd.s32 @p0 $0xFFFFFFFF  }
0xaf: {  	s6 =	sshll.u32 @!p0 s1, $0xE  }
0xb0: {  	s6 =	sor.u32 @!p0 $0x4000, s6;
	s5 =	simm.s32 @!p0 $0x1B8D  }
0xb1: {  	s4 =	sshll.u32 @!p0 s4, $0x11;
	s6 =	sadd.s32 @!p0 $0x11B8D, s6;
	_ =	swait.eq @!p0 [sflag:s5], $0x1  }
0xb2: {  	s4 =	sor.u32 @!p0 s4, s6;
	[sflag:s5] =	ssyncadd.s32 @!p0 $0xFFFFFFFF  }
0xb3: {  	s25 =	simm.s32 $0x1B8E;
	s24 =	sld [smem:$0x3FFE];
	[sflag:s4] =	ssyncadd.remote.s32 @!p0 $0x1  }
0xb4: {  	s26 =	simm.s32 $execute0_lowered;
	[smem:$0x3FD2] =	sst s25  }
0xb5: {  	s5 =	sshll.u32 s26, $0x1;
	_ =	strace $0x8000004F;
	[dreg:$0x1] =	wrdreg $0xFFFFFFFF  }
0xb6: {  	s28 =	simm.s32 $_size_execute0_lowered;
	s3 =	sadd.s32 s3, s5;
	[dreg:$0x0] =	wrdreg $0x0  }
0xb7: {  	s5 =	sshll.u32 s28, $0x1;
	[dreg:$0x2] =	wrdreg s3  }
0xb8: {  	[dreg:$0x3] =	wrdreg s5  }
0xb9: {  	[dreg:$0x4] =	wrdreg $0xC0  }
0xba: {  	_ =	task [dreg:s22], $0x5FFFF  }
0xbb: {  	[dreg:$0x1] =	wrdreg $0xFFFFFFFF  }
0xbc: {  	[dreg:$0x0] =	wrdreg $0x60  }
0xbd: {  	[dreg:$0x2] =	wrdreg s24  }
0xbe: {  	[dreg:$0x3] =	wrdreg $0xC  }
0xbf: {  	_ =	task.clear_ibuf [dreg:s22], $0x4FFFF;
	_ =	strace $0x9000004F  }
0xc0: {  	s29 =	simm.s32 $0xC;
	_ =	strace $0x80000051  }
0xc1: {  	_ =	swait.ge [sflag:s29], $0x1  }
0xc2: {  	[sflag:s29] =	ssyncadd.s32 $0xFFFFFFFF  }
0xc3: {  	_ =	strace $0x90000051  }
0xc4: {  	_ =	sfence  }
0xc5: {  	s30 =	sld [smem:$0x0];
	_ =	sdelay $0x2  }
0xc6: {  	s31 =	sshll.u32 s1, $0xD;
	s1 =	sshrl.u32 s1, $0x2  }
0xc7: {  	s4 =	sand.u32 $0x4000, s31;
	s1 =	sadd.s32 s1, s30  }
0xc8: {  	s0 =	sor.u32 s4, s0;
	s1 =	sshll.u32 s1, $0x11  }
0xc9: {  	s0 =	sor.u32 s1, s0  }
0xca: {  	s0 =	sadd.s32 $0x8F2B, s0  }
0xcb: {  	[sflag:s0] =	ssyncadd.remote.s32 $0x1  }
0xcc: {  	_ =	sfence.sel $0xFFFF  }
0xcd: {  	[dreg:$0x0] =	wrdreg $0xFFFFFFFF;
	(pc) =	sbr.abs _section_cstart, $3  }
0xce: {  	[dreg:$0x1] =	wrdreg $0xFFFFFFFF  }
0xcf: {  	_ =	task.clear_ibuf [dreg:s22], $0x2FFFF;
	_ =	strace $0x9FFFFFFF  }
0xd0: {  	(tm) =	ssettm $0x7FFFFFFF  }
0xd1: {  	_ =	shalt  }
tec
execute0_lowered:
.L_overlay_start_1:
0x0: {  	(tag) =	ssettag $0x1  }
0x1: {  	s4 =	rddreg [dreg:$0x0]  }
0x2: {  	s0 =	rddreg [dreg:$0x1]  }
0x3: {  	s3 =	srdreg.scid;
	s1 =	stileid.u32;
	s2 =	simm.s32 $0x0  }
0x4: {  	s10 =	simm.s32 $0x50;
	s11 =	simm.s32 $0xA0;
	s12 =	simm.s32 $0x2DA0  }
0x5: {  	s13 =	simm.s32 $0x1;
	s14 =	simm.s32 $0x2;
	s15 =	simm.s32 $0x3  }
0x6: {  	s16 =	simm.s32 $0x4;
	s17 =	simm.s32 $0x0;
	s6 =	smul.u32 $0xFA0, s1  }
0x7: {  	s5 =	sand.u32 $0x1, s3;
	[smem:$0x7FF] =	sst s2;
	s8 =	smul.u32 $0x11940, s1  }
0x8: {  	s3 =	sadd.s32 $0x7600, s4;
	s7 =	smul.u32 $0x7D0, s5;
	s9 =	ssub.s32 $0x2, s5  }
0x9: {  	_ =	strace $0x80000050;
	s5 =	smul.u32 $0x8CA0, s5;
	s30 =	sshrl.u32 s9, $0x1  }
0xa: {  	s29 =	sadd.s32 s8, s4;
	s6 =	sadd.s32 s7, s6;
	s8 =	ssub.s32 s9, s30  }
0xb: {  	s7 =	sadd.s32 s5, s29;
	s9 =	simm.s32 $0x5;
	s6 =	sshrl.u32 s6, $0x3  }
0xc: {  	s5 =	sadd.s32 $0x7F6200, s7;
	s31 =	sadd.s32 s6, s4;
	s4 =	smax.u32 s8, $0x1  }
0xd: {  	s6 =	sadd.s32 $0x6DCE00, s7;
	s7 =	sadd.s32 $0x39600, s31;
	s8 =	sadd.s32 $0x41600, s31  }
.LBB2_1:
0xe: {  	s18 =	sadd.s32 $0x0, s8  }
0xf: {  	[tilespmem:s2], [sflag:$0x5] =	stream.linear.gather [hbm4b:s18+s2], $0x50, $0x38;
	[tilespmem:$0x5AA0] =	vst v63  }
0x10: {  	_ =	swait.ge [sflag:s9], $0x50  }
0x11: {  	[sflag:s9] =	ssyncset.done $0x0  }
0x12: {  	[sflag:s9] =	ssyncadd.s32 $0xFFFFFFB0  }
0x13: {  	[tilespmem:s11], [sflag:$0x1] =	stream.indirect.gather [hbm4b:s3+s10], $0x90, s2, s10, $0xb8;
	[tilespmem:$0x5AA0] =	vst v63  }
0x14: {  	s31 =	sadd.s32 $0x0, s7  }
0x15: {  	[tilespmem:s10], [sflag:$0x5] =	stream.linear.gather [hbm4b:s31+s2], $0x50, $0x38;
	[tilespmem:$0x5AA0] =	vst v63  }
0x16: {  	_ =	swait.ge [sflag:s9], $0x50  }
0x17: {  	[sflag:s9] =	ssyncset.done $0x0  }
0x18: {  	[sflag:s9] =	ssyncadd.s32 $0xFFFFFFB0  }
0x19: {  	[tilespmem:s12], [sflag:$0x2] =	stream.indirect.gather [hbm4b:s3+s10], $0x90, s10, s10, $0xb8;
	[tilespmem:$0x5AA0] =	vst v63  }
0x1a: {  	_ =	swait.ge [sflag:s13], $0x2D00  }
0x1b: {  	[sflag:s13] =	ssyncset.done $0x0  }
0x1c: {  	[sflag:s13] =	ssyncadd.s32 $0xFFFFD300  }
0x1d: {  	[hbm4b:s5+s2] =	stream.linear.scatter [tilespmem:s11], [sflag:$0x3], $0x2D00, $0x38;
	[tilespmem:$0x5AA0] =	vst v63  }
0x1e: {  	_ =	swait.ge [sflag:s14], $0x2D00  }
0x1f: {  	[sflag:s14] =	ssyncset.done $0x0  }
0x20: {  	[sflag:s14] =	ssyncadd.s32 $0xFFFFD300  }
0x21: {  	[hbm4b:s6+s2] =	stream.linear.scatter [tilespmem:s12], [sflag:$0x4], $0x2D00, $0x38;
	[tilespmem:$0x5AA0] =	vst v63  }
0x22: {  	_ =	swait.ge [sflag:s15], $0x2D00  }
0x23: {  	[sflag:s15] =	ssyncset.done $0x0  }
0x24: {  	[sflag:s15] =	ssyncadd.s32 $0xFFFFD300  }
0x25: {  	s20 =	simm.s32 $0xA;
	s21 =	simm.s32 $0x14;
	_ =	swait.ge [sflag:s16], $0x2D00  }
0x26: {  	s19 =	sadd.s32 $0x5A0, s5;
	s18 =	sadd.s32 $0x5A0, s6;
	[sflag:s16] =	ssyncset.done $0x0  }
.LBB2_2:
0x27: {  	s22 =	sadd.s32 s20, s8  }
0x28: {  	[sflag:s16] =	ssyncadd.s32 $0xFFFFD300;
	s23 =	smov.u32 s21;
	s24 =	sadd.s32 $0xA, s21  }
0x29: {  	[tilespmem:s2], [sflag:$0x5] =	stream.linear.gather [hbm4b:s22+s2], $0x50, $0x38;
	[tilespmem:$0x5AA0] =	vst v63  }
0x2a: {  	p0 =	sne.s32 s21, $0xF0;
	_ =	swait.ge [sflag:s9], $0x50  }
0x2b: {  	[sflag:s9] =	ssyncset.done $0x0  }
0x2c: {  	[sflag:s9] =	ssyncadd.s32 $0xFFFFFFB0  }
0x2d: {  	[tilespmem:s11], [sflag:$0x1] =	stream.indirect.gather [hbm4b:s3+s10], $0x90, s2, s10, $0xb8;
	[tilespmem:$0x5AA0] =	vst v63  }
0x2e: {  	s21 =	sadd.s32 s20, s7;
	s20 =	smov.u32 s23  }
0x2f: {  	[tilespmem:s10], [sflag:$0x5] =	stream.linear.gather [hbm4b:s21+s2], $0x50, $0x38;
	[tilespmem:$0x5AA0] =	vst v63  }
0x30: {  	_ =	swait.ge [sflag:s9], $0x50  }
0x31: {  	[sflag:s9] =	ssyncset.done $0x0  }
0x32: {  	[sflag:s9] =	ssyncadd.s32 $0xFFFFFFB0  }
0x33: {  	[tilespmem:s12], [sflag:$0x2] =	stream.indirect.gather [hbm4b:s3+s10], $0x90, s10, s10, $0xb8;
	[tilespmem:$0x5AA0] =	vst v63  }
0x34: {  	_ =	swait.ge [sflag:s13], $0x2D00  }
0x35: {  	[sflag:s13] =	ssyncset.done $0x0  }
0x36: {  	[sflag:s13] =	ssyncadd.s32 $0xFFFFD300  }
0x37: {  	[hbm4b:s19+s2] =	stream.linear.scatter [tilespmem:s11], [sflag:$0x3], $0x2D00, $0x38;
	[tilespmem:$0x5AA0] =	vst v63  }
0x38: {  	_ =	swait.ge [sflag:s14], $0x2D00  }
0x39: {  	[sflag:s14] =	ssyncset.done $0x0  }
0x3a: {  	[sflag:s14] =	ssyncadd.s32 $0xFFFFD300  }
0x3b: {  	[hbm4b:s18+s2] =	stream.linear.scatter [tilespmem:s12], [sflag:$0x4], $0x2D00, $0x38;
	[tilespmem:$0x5AA0] =	vst v63  }
.Ltmp0:
0x3c: {  	_ =	swait.ge [sflag:s15], $0x2D00;
	(pc) =	sbr.rel @p0 .LBB2_2-.Ltmp0, $4  }
0x3d: {  	[sflag:s15] =	ssyncset.done $0x0  }
0x3e: {  	[sflag:s15] =	ssyncadd.s32 $0xFFFFD300  }
0x3f: {  	s21 =	smov.u32 s24;
	_ =	swait.ge [sflag:s16], $0x2D00  }
0x40: {  	s19 =	sadd.s32 $0x5A0, s19;
	s18 =	sadd.s32 $0x5A0, s18;
	[sflag:s16] =	ssyncset.done $0x0  }
0x41: {  	s21 =	sadd.s32 s20, s8;
	[sflag:s16] =	ssyncadd.s32 $0xFFFFD300  }
0x42: {  	[tilespmem:s2], [sflag:$0x5] =	stream.linear.gather [hbm4b:s21+s2], $0x50, $0x38;
	[tilespmem:$0x5AA0] =	vst v63  }
0x43: {  	_ =	swait.ge [sflag:s9], $0x50  }
0x44: {  	[sflag:s9] =	ssyncset.done $0x0  }
0x45: {  	[sflag:s9] =	ssyncadd.s32 $0xFFFFFFB0  }
0x46: {  	[tilespmem:s11], [sflag:$0x1] =	stream.indirect.gather [hbm4b:s3+s10], $0x90, s2, s10, $0xb8;
	[tilespmem:$0x5AA0] =	vst v63  }
0x47: {  	s31 =	sadd.s32 s20, s7  }
0x48: {  	[tilespmem:s10], [sflag:$0x5] =	stream.linear.gather [hbm4b:s31+s2], $0x50, $0x38;
	[tilespmem:$0x5AA0] =	vst v63  }
0x49: {  	_ =	swait.ge [sflag:s9], $0x50  }
0x4a: {  	[sflag:s9] =	ssyncset.done $0x0  }
0x4b: {  	[sflag:s9] =	ssyncadd.s32 $0xFFFFFFB0  }
0x4c: {  	[tilespmem:s12], [sflag:$0x2] =	stream.indirect.gather [hbm4b:s3+s10], $0x90, s10, s10, $0xb8;
	[tilespmem:$0x5AA0] =	vst v63  }
0x4d: {  	_ =	swait.ge [sflag:s13], $0x2D00  }
0x4e: {  	[sflag:s13] =	ssyncset.done $0x0  }
0x4f: {  	[sflag:s13] =	ssyncadd.s32 $0xFFFFD300  }
0x50: {  	[hbm4b:s19+s2] =	stream.linear.scatter [tilespmem:s11], [sflag:$0x3], $0x2D00, $0x38;
	[tilespmem:$0x5AA0] =	vst v63  }
0x51: {  	_ =	swait.ge [sflag:s14], $0x2D00  }
0x52: {  	[sflag:s14] =	ssyncset.done $0x0  }
0x53: {  	s17 =	sadd.s32 $0x1, s17;
	[sflag:s14] =	ssyncadd.s32 $0xFFFFD300  }
0x54: {  	[hbm4b:s18+s2] =	stream.linear.scatter [tilespmem:s12], [sflag:$0x4], $0x2D00, $0x38;
	[tilespmem:$0x5AA0] =	vst v63  }
0x55: {  	p0 =	sne.s32 s17, s4;
	_ =	swait.ge [sflag:s15], $0x2D00  }
.Ltmp1:
0x56: {  	[sflag:s15] =	ssyncset.done $0x0;
	(pc) =	sbr.rel @p0 .LBB2_1-.Ltmp1, $4  }
0x57: {  	[sflag:s15] =	ssyncadd.s32 $0xFFFFD300  }
0x58: {  	_ =	swait.ge [sflag:s16], $0x2D00  }
0x59: {  	[sflag:s16] =	ssyncset.done $0x0  }
0x5a: {  	[sflag:s16] =	ssyncadd.s32 $0xFFFFD300  }
0x5b: {  	_ =	sfence.sel $0x180000  }
0x5c: {  	[bflag:$0x0] =	sbarrier.arrive $0xFFFF  }
0x5d: {  	p0 =	sne.s32 s1, $0x0;
	_ =	strace $0x90000050  }
0x5e: {  	s0 =	sadd.s32 @!p0 $0x100000, s0;
	[bflag:$0x2] =	sbarrier.arrive $0xFFFF  }
0x5f: {  	[sflag:s0] =	ssyncadd.tile.s32 @!p0 $0x1;
	_ =	shalt  }
.Lfunc_end2:
_tile_overlayer_lowered:
.L_overlay_start_2:
0x60: {  	(tag) =	ssettag $0x2  }
0x61: {  	s0 =	rddreg [dreg:$0x0];
	s2 =	stileid.u32  }
0x62: {  	s1 =	rddreg [dreg:$0x1];
	p0 =	sne.s32 s2, $0x0  }
0x63: {  	s3 =	rddreg [dreg:$0x2];
	[bflag:$0x3] =	sbarrier.arrive $0xFFFF;
	s2 =	simm.s32 @!p0 $0x1C05  }
0x64: {  	[timem:s3], [sflag:s2] =	dma.local @!p0 [hbm:s0], s1  }
0x65: {  	s0 =	simm.s32 @!p0 $0x5  }
0x66: {  	_ =	swait.ge @!p0 [sflag:s0], s1  }
0x67: {  	s1 =	ssub.s32 @!p0 $0x0, s1;
	[sflag:s0] =	ssyncset.done @!p0 $0x0  }
0x68: {  	[sflag:s0] =	ssyncadd.s32 @!p0 s1  }
0x69: {  	[bflag:$0x3] =	sbarrier.arrive $0xFFFF  }
0x6a: {  	_ =	shalt  }

// kernel: kernel.26.cloned.1.call-start
scs
__scs_entry_jumppad:
0x0: {  	(pc) =	sbr.rel $0x88, $3  }
0x1: {  	(tag) =	ssettag $0x0;
	lr =	simm.s32 $0x1  }
0x2: {  	[smem:$0x3F8D] =	sst lr;
	_ =	strace $0xD0000000  }
0x3: {  	_ = 	snop  }
0x4: {  	_ = 	snop  }
0x5: {  	_ = 	snop  }
0x6: {  	_ = 	snop  }
0x7: {  	_ = 	snop  }
__scs_overlays_trampoline_lowered:
0x8: {  	[smem:$0x3F9C] =	sst s0  }
0x9: {  	[smem:$0x3F9D] =	sst s1  }
0xa: {  	[smem:$0x3F9E] =	sst s2  }
0xb: {  	[smem:$0x3F9F] =	sst s3  }
0xc: {  	[smem:$0x3FA0] =	sst s4  }
0xd: {  	[smem:$0x3FA1] =	sst s5  }
0xe: {  	[smem:$0x3FA2] =	sst s6  }
0xf: {  	[smem:$0x3FA3] =	sst s7  }
0x10: {  	[smem:$0x3FA4] =	sst s8  }
0x11: {  	[smem:$0x3FA5] =	sst s9;
	s0 =	simm.s32 @!p0 $0x0  }
0x12: {  	s1 =	sld [smem:$0x3F8B];
	s0 =	simm.s32 @p0 $0x1  }
0x13: {  	[smem:$0x3FA6] =	sst s0;
	s0 =	simm.s32 @!p1 $0x0  }
0x14: {  	s2 =	sld [smem:$0x3F8A];
	s0 =	simm.s32 @p1 $0x1  }
0x15: {  	[smem:$0x3FA7] =	sst s0;
	s0 =	simm.s32 @!p2 $0x0  }
0x16: {  	s3 =	sld [smem:$0x3FDB];
	s0 =	simm.s32 @p2 $0x1  }
0x17: {  	s4 =	simm.s32 $0x1BF5;
	[smem:$0x3FA9] =	sst s0  }
0x18: {  	s0 =	sld [smem:$0x3F8C];
	_ =	swait.ge [sflag:s4], $0x0  }
0x19: {  	s7 =	sld [smem:$0x3F8D]  }
0x1a: {  	s8 =	sadd.s32 $0xFFFFE003, lr  }
0x1b: {  	s9 =	sadd.s32 $0xFFFFFEF7, lr;
	s5 =	simm.s32 $0xFFFFFFFF;
	p2 =	slt.u32 s8, $0xFFFFF086  }
0x1c: {  	p1 =	slt.u32 s9, $0xF7A;
	s5 =	simm.s32 @!p2 $0x0  }
0x1d: {  	s5 =	simm.s32 @p1 $0x1;
	p0 =	seq.s32 s7, s2  }
0x1e: {  	s7 =	smul.u32 @!p0 $0xF7A, s2;
	p2 =	seq.s32 @!p0 s5, $0x0  }
0x1f: {  	s9 =	smul.u32 $0xF7A, s1;
	s8 =	simm.s32 @!p0 $0x1BF5;
	p2 =	por !p2, p0  }
0x20: {  	[sflag:s8] =	ssyncset.s32 @!p0 $0xFFFFF086;
	s6 =	sadd.s32 @!p0 s3, s7;
	s7 =	simm.s32 @!p0 $0x108  }
0x21: {  	s3 =	sadd.s32 s3, s9;
	s6 =	sadd.s32 @!p0 $0x88, s6;
	s7 =	simm.s32 @p2 $0x1082  }
0x22: {  	[simem:s7], [sflag:s8] =	dma.local @!p0 [hbm:s6], $0xF7A  }
0x23: {  	s9 =	sor.u32 $0xD0000000, s2;
	s6 =	simm.s32 $0x108;
	_ =	swait.ge @!p0 [sflag:s8], $0x0  }
0x24: {  	s3 =	sadd.s32 $0x88, s3;
	s6 =	simm.s32 @!p1 $0x1082;
	[sflag:s4] =	ssyncset.s32 $0xFFFFF086  }
0x25: {  	[simem:s6], [sflag:s4] =	dma.local [hbm:s3], $0xF7A  }
0x26: {  	[smem:$0x3F8D] =	sst s1;
	(tag) =	ssettag s2;
	_ =	strace s9  }
0x27: {  	s1 =	sld [smem:$0x3F9D]  }
0x28: {  	s2 =	sld [smem:$0x3F9E]  }
0x29: {  	s4 =	sld [smem:$0x3FA0]  }
0x2a: {  	p0 =	seq.s32 s5, $0x0;
	s5 =	sld [smem:$0x3FA1]  }
0x2b: {  	s6 =	sld [smem:$0x3FA2]  }
0x2c: {  	s7 =	sld [smem:$0x3FA3]  }
0x2d: {  	s3 =	simm.s32 $0x108;
	s8 =	sld [smem:$0x3FA4]  }
0x2e: {  	s3 =	simm.s32 @!p0 $0x1082;
	s9 =	sld [smem:$0x3FA5]  }
0x2f: {  	lr =	sadd.s32 s0, s3;
	s0 =	sld [smem:$0x3F9C]  }
0x30: {  	s3 =	sld [smem:$0x3F9F]  }
0x31: {  	[smem:$0x3FA8] =	sst s10  }
0x32: {  	s10 =	sld [smem:$0x3FA6];
	_ =	sdelay $0x3  }
0x33: {  	p0 =	seq.s32 s10, $0x1;
	s10 =	sld [smem:$0x3FA8];
	_ =	sdelay $0x3  }
0x34: {  	[smem:$0x3FA8] =	sst s10  }
0x35: {  	s10 =	sld [smem:$0x3FA7];
	_ =	sdelay $0x3  }
0x36: {  	p1 =	seq.s32 s10, $0x1;
	s10 =	sld [smem:$0x3FA8];
	_ =	sdelay $0x3  }
0x37: {  	[smem:$0x3FA8] =	sst s10  }
0x38: {  	s10 =	sld [smem:$0x3FA9]  }
0x39: {  	_ = 	snop;
	(pc) =	sbr.ind lr, $3  }
0x3a: {  	_ = 	snop  }
0x3b: {  	_ = 	snop  }
0x3c: {  	p2 =	seq.s32 s10, $0x1;
	s10 =	sld [smem:$0x3FA8]  }
0x3d: {  	_ =	shalt  }
0x3e: {  	_ =	shalt  }
0x3f: {  	_ =	shalt  }
0x40: {  	_ =	shalt  }
0x41: {  	_ =	shalt  }
0x42: {  	_ =	shalt  }
0x43: {  	_ =	shalt  }
0x44: {  	_ =	shalt  }
0x45: {  	_ =	shalt  }
0x46: {  	_ =	shalt  }
0x47: {  	_ =	shalt  }
0x48: {  	_ =	shalt  }
0x49: {  	_ =	shalt  }
0x4a: {  	_ =	shalt  }
0x4b: {  	_ =	shalt  }
0x4c: {  	_ =	shalt  }
0x4d: {  	_ =	shalt  }
0x4e: {  	_ =	shalt  }
0x4f: {  	_ =	shalt  }
0x50: {  	_ =	shalt  }
0x51: {  	_ =	shalt  }
0x52: {  	_ =	shalt  }
0x53: {  	_ =	shalt  }
0x54: {  	_ =	shalt  }
0x55: {  	_ =	shalt  }
0x56: {  	_ =	shalt  }
0x57: {  	_ =	shalt  }
0x58: {  	_ =	shalt  }
0x59: {  	_ =	shalt  }
0x5a: {  	_ =	shalt  }
0x5b: {  	_ =	shalt  }
0x5c: {  	_ =	shalt  }
0x5d: {  	_ =	shalt  }
0x5e: {  	_ =	shalt  }
0x5f: {  	_ =	shalt  }
0x60: {  	_ =	shalt  }
0x61: {  	_ =	shalt  }
0x62: {  	_ =	shalt  }
0x63: {  	_ =	shalt  }
0x64: {  	_ =	shalt  }
0x65: {  	_ =	shalt  }
0x66: {  	_ =	shalt  }
0x67: {  	_ =	shalt  }
0x68: {  	_ =	shalt  }
0x69: {  	_ =	shalt  }
0x6a: {  	_ =	shalt  }
0x6b: {  	_ =	shalt  }
0x6c: {  	_ =	shalt  }
0x6d: {  	_ =	shalt  }
0x6e: {  	_ =	shalt  }
0x6f: {  	_ =	shalt  }
0x70: {  	_ =	shalt  }
0x71: {  	_ =	shalt  }
0x72: {  	_ =	shalt  }
0x73: {  	_ =	shalt  }
0x74: {  	_ =	shalt  }
0x75: {  	_ =	shalt  }
0x76: {  	_ =	shalt  }
0x77: {  	_ =	shalt  }
0x78: {  	_ =	shalt  }
0x79: {  	_ =	shalt  }
0x7a: {  	_ =	shalt  }
0x7b: {  	_ =	shalt  }
0x7c: {  	_ =	shalt  }
0x7d: {  	_ =	shalt  }
0x7e: {  	_ =	shalt  }
0x7f: {  	_ =	shalt  }
0x80: {  	_ =	shalt  }
0x81: {  	_ =	shalt  }
0x82: {  	_ =	shalt  }
0x83: {  	_ =	shalt  }
0x84: {  	_ =	shalt  }
0x85: {  	_ =	shalt  }
0x86: {  	_ =	shalt  }
0x87: {  	_ =	shalt  }
.Lfunc_end0:
.L_simem_size_0:
called_computation.4_lowered:
.L_overlay_start_0:
0x88: {  	s2 =	sld [smem:$0x3FD9]  }
0x89: {  	s3 =	sld [smem:$0x3FFE];
	_ =	sdelay $0x1  }
0x8a: {  	s1 =	srdreg.scid  }
0x8b: {  	s0 =	sand.u32 $0x1, s1  }
0x8c: {  	s15 =	sshll.u32 s0, $0xA;
	s2 =	sadd.s32 s3, s2  }
0x8d: {  	s2 =	sadd.s32 s2, s15  }
0x8e: {  	[smem:$0x3FB4] =	sst s2  }
0x8f: {  	_ = 	snop  }
0x90: {  	s2 =	sld [smem:$0x3FD0];
	_ =	sdelay $0x2  }
0x91: {  	s16 =	simm.s32 $0xE;
	s4 =	simm.s32 $0x10  }
0x92: {  	[smem:s4], [sflag:s16] =	dma.local [hbm:s2], $0x1  }
0x93: {  	_ =	swait.eq [sflag:s16], $0x1  }
0x94: {  	[sflag:s16] =	ssyncset.done $0x0  }
0x95: {  	[sflag:s16] =	ssyncadd.s32 $0xFFFFFFFF  }
0x96: {  	s17 =	sld [smem:$0x11];
	(tm) =	ssettm $0x1  }
0x97: {  	s18 =	sld [smem:$0x3FFB];
	_ =	sdelay $0x3  }
0x98: {  	_ =	strace s18  }
0x99: {  	s2 =	sld [smem:$0x3FFC];
	_ =	sdelay $0x3  }
0x9a: {  	_ =	strace s2  }
0x9b: {  	s2 =	sld [smem:$0x3FFD];
	_ =	sdelay $0x3  }
0x9c: {  	_ =	strace s2  }
0x9d: {  	_ =	strace $0x8FFFFFFF  }
0x9e: {  	s19 =	sld [smem:$0x3FDB];
	_ =	sdelay $0x1  }
0x9f: {  	s20 =	simm.s32 $_scs_section_size  }
0xa0: {  	s5 =	simm.s32 $_size__tile_overlayer_lowered;
	s6 =	simm.s32 $_tile_overlayer_lowered  }
0xa1: {  	s7 =	simm.s32 $0x1BFF;
	s21 =	sshll.u32 s6, $0x1;
	s4 =	sadd.s32 s20, s19  }
0xa2: {  	s22 =	simm.s32 $0x0;
	s5 =	sshll.u32 s5, $0x1;
	s6 =	sadd.s32 s21, s4  }
0xa3: {  	[timem:s22], [sflag:s7] =	dma.local [hbm:s6], s5  }
0xa4: {  	_ =	swait.ge [sflag:s7], s5  }
0xa5: {  	s5 =	ssub.s32 $0x0, s5;
	[sflag:s7] =	ssyncset.done $0x0  }
0xa6: {  	[sflag:s7] =	ssyncadd.s32 s5;
	_ =	sdelay $0x1  }
0xa7: {  	s23 =	simm.s32 $0x1B8B  }
0xa8: {  	_ =	swait.ge [sflag:s23], $0x1  }
0xa9: {  	[sflag:s23] =	ssyncset.done $0x0  }
0xaa: {  	[sflag:s23] =	ssyncadd.s32 $0xFFFFFFFF  }
0xab: {  	s5 =	sld [smem:$0x0]  }
0xac: {  	s6 =	sand.u32 $0xFFFFFFFE, s1  }
0xad: {  	p0 =	sne.s32 s1, s6  }
0xae: {  	s6 =	sshll.u32 @p0 s6, $0xE  }
0xaf: {  	s6 =	sadd.s32 @p0 $0x11B8D, s6;
	s7 =	sshll.u32 @p0 s5, $0x11  }
0xb0: {  	s6 =	sor.u32 @p0 s7, s6  }
0xb1: {  	[sflag:s6] =	ssyncadd.remote.s32 @p0 $0x1;
	_ =	sdelay $0x1  }
0xb2: {  	s6 =	simm.s32 @p0 $0x1B8D  }
0xb3: {  	_ =	swait.eq @p0 [sflag:s6], $0x1  }
0xb4: {  	[sflag:s6] =	ssyncadd.s32 @p0 $0xFFFFFFFF  }
0xb5: {  	s7 =	sshll.u32 @!p0 s1, $0xE  }
0xb6: {  	s7 =	sor.u32 @!p0 $0x4000, s7;
	s6 =	simm.s32 @!p0 $0x1B8D  }
0xb7: {  	s5 =	sshll.u32 @!p0 s5, $0x11;
	s7 =	sadd.s32 @!p0 $0x11B8D, s7;
	_ =	swait.eq @!p0 [sflag:s6], $0x1  }
0xb8: {  	s5 =	sor.u32 @!p0 s5, s7;
	[sflag:s6] =	ssyncadd.s32 @!p0 $0xFFFFFFFF  }
0xb9: {  	s25 =	simm.s32 $0x1B8E;
	s24 =	sld [smem:$0x3FFE];
	[sflag:s5] =	ssyncadd.remote.s32 @!p0 $0x1  }
0xba: {  	s26 =	simm.s32 $execute0_lowered;
	[smem:$0x3FD2] =	sst s25  }
0xbb: {  	s6 =	sshll.u32 s26, $0x1;
	_ =	strace $0x8000004C;
	[dreg:$0x1] =	wrdreg $0xFFFFFFFF  }
0xbc: {  	s28 =	simm.s32 $_size_execute0_lowered;
	s4 =	sadd.s32 s4, s6;
	[dreg:$0x0] =	wrdreg $0x0  }
0xbd: {  	s6 =	sshll.u32 s28, $0x1;
	[dreg:$0x2] =	wrdreg s4  }
0xbe: {  	[dreg:$0x3] =	wrdreg s6  }
0xbf: {  	[dreg:$0x4] =	wrdreg $0xC0  }
0xc0: {  	_ =	task [dreg:s22], $0x5FFFF  }
0xc1: {  	[dreg:$0x1] =	wrdreg $0xFFFFFFFF  }
0xc2: {  	[dreg:$0x0] =	wrdreg $0x60  }
0xc3: {  	[dreg:$0x2] =	wrdreg s24  }
0xc4: {  	[dreg:$0x3] =	wrdreg s17  }
0xc5: {  	[dreg:$0x4] =	wrdreg $0xD  }
0xc6: {  	_ =	task.clear_ibuf [dreg:s22], $0x5FFFF;
	_ =	strace $0x9000004C  }
0xc7: {  	s29 =	simm.s32 $0xD;
	_ =	strace $0x8000004E  }
0xc8: {  	_ =	swait.ge [sflag:s29], $0x1  }
0xc9: {  	[sflag:s29] =	ssyncadd.s32 $0xFFFFFFFF  }
0xca: {  	_ =	strace $0x9000004E  }
0xcb: {  	_ =	sfence  }
0xcc: {  	s30 =	sld [smem:$0x0];
	_ =	sdelay $0x2  }
0xcd: {  	s31 =	sshll.u32 s1, $0xD;
	s1 =	sshrl.u32 s1, $0x2  }
0xce: {  	s4 =	sand.u32 $0x4000, s31;
	s1 =	sadd.s32 s1, s30  }
0xcf: {  	s0 =	sor.u32 s4, s0;
	s1 =	sshll.u32 s1, $0x11  }
0xd0: {  	s0 =	sor.u32 s1, s0  }
0xd1: {  	s0 =	sadd.s32 $0x8F2B, s0  }
0xd2: {  	[sflag:s0] =	ssyncadd.remote.s32 $0x1  }
0xd3: {  	_ =	sfence.sel $0xFFFF  }
0xd4: {  	[dreg:$0x0] =	wrdreg $0xFFFFFFFF;
	(pc) =	sbr.abs _section_cstart, $3  }
0xd5: {  	[dreg:$0x1] =	wrdreg $0xFFFFFFFF  }
0xd6: {  	_ =	task.clear_ibuf [dreg:s22], $0x2FFFF;
	_ =	strace $0x9FFFFFFF  }
0xd7: {  	(tm) =	ssettm $0x7FFFFFFF  }
tec
execute0_lowered:
.L_overlay_start_1:
0x0: {  	(tag) =	ssettag $0x1  }
0x1: {  	s4 =	rddreg [dreg:$0x0]  }
0x2: {  	s8 =	rddreg [dreg:$0x1]  }
0x3: {  	s0 =	rddreg [dreg:$0x2]  }
0x4: {  	s3 =	srdreg.scid;
	s1 =	stileid.u32;
	s2 =	simm.s32 $0x0  }
0x5: {  	s12 =	simm.s32 $0x2DA0;
	s13 =	simm.s32 $0x1;
	s14 =	simm.s32 $0x2  }
0x6: {  	s15 =	simm.s32 $0x3;
	s16 =	simm.s32 $0x4;
	s6 =	smul.u32 $0xFA0, s1  }
0x7: {  	s17 =	simm.s32 $0x0;
	s5 =	sand.u32 $0x1, s3;
	s9 =	smul.u32 $0x11940, s1  }
0x8: {  	[smem:$0x7FF] =	sst s2;
	s3 =	sadd.s32 $0x7600, s4;
	s7 =	smul.u32 $0x7D0, s5  }
0x9: {  	_ =	strace $0x8000004D;
	s10 =	ssub.s32 $0x2, s5;
	s5 =	smul.u32 $0x8CA0, s5  }
0xa: {  	s28 =	sadd.s32 s9, s4;
	s29 =	sshrl.u32 s10, $0x1;
	s9 =	simm.s32 $0x5  }
0xb: {  	s6 =	sadd.s32 s7, s6;
	s30 =	ssub.s32 s10, s29;
	s7 =	sadd.s32 s5, s28  }
0xc: {  	s10 =	simm.s32 $0x50;
	s11 =	sshrl.u32 s6, $0x3;
	s5 =	sadd.s32 $0x5C3A00, s7  }
0xd: {  	s6 =	sadd.s32 $0x4AA600, s7;
	s31 =	sadd.s32 s11, s4;
	s4 =	smax.u32 s30, $0x1  }
0xe: {  	s8 =	sadd.s32 s11, s8;
	s11 =	simm.s32 $0xA0;
	s7 =	sadd.s32 $0x37600, s31  }
.LBB2_1:
0xf: {  	s18 =	sadd.s32 $0x0, s8  }
0x10: {  	[tilespmem:s2], [sflag:$0x5] =	stream.linear.gather [hbm4b:s18+s2], $0x50, $0x38;
	[tilespmem:$0x5AA0] =	vst v63  }
0x11: {  	_ =	swait.ge [sflag:s9], $0x50  }
0x12: {  	[sflag:s9] =	ssyncset.done $0x0  }
0x13: {  	[sflag:s9] =	ssyncadd.s32 $0xFFFFFFB0  }
0x14: {  	[tilespmem:s11], [sflag:$0x1] =	stream.indirect.gather [hbm4b:s3+s10], $0x90, s2, s10, $0xb8;
	[tilespmem:$0x5AA0] =	vst v63  }
0x15: {  	s31 =	sadd.s32 $0x0, s7  }
0x16: {  	[tilespmem:s10], [sflag:$0x5] =	stream.linear.gather [hbm4b:s31+s2], $0x50, $0x38;
	[tilespmem:$0x5AA0] =	vst v63  }
0x17: {  	_ =	swait.ge [sflag:s9], $0x50  }
0x18: {  	[sflag:s9] =	ssyncset.done $0x0  }
0x19: {  	[sflag:s9] =	ssyncadd.s32 $0xFFFFFFB0  }
0x1a: {  	[tilespmem:s12], [sflag:$0x2] =	stream.indirect.gather [hbm4b:s3+s10], $0x90, s10, s10, $0xb8;
	[tilespmem:$0x5AA0] =	vst v63  }
0x1b: {  	_ =	swait.ge [sflag:s13], $0x2D00  }
0x1c: {  	[sflag:s13] =	ssyncset.done $0x0  }
0x1d: {  	[sflag:s13] =	ssyncadd.s32 $0xFFFFD300  }
0x1e: {  	[hbm4b:s5+s2] =	stream.linear.scatter [tilespmem:s11], [sflag:$0x3], $0x2D00, $0x38;
	[tilespmem:$0x5AA0] =	vst v63  }
0x1f: {  	_ =	swait.ge [sflag:s14], $0x2D00  }
0x20: {  	[sflag:s14] =	ssyncset.done $0x0  }
0x21: {  	[sflag:s14] =	ssyncadd.s32 $0xFFFFD300  }
0x22: {  	[hbm4b:s6+s2] =	stream.linear.scatter [tilespmem:s12], [sflag:$0x4], $0x2D00, $0x38;
	[tilespmem:$0x5AA0] =	vst v63  }
0x23: {  	_ =	swait.ge [sflag:s15], $0x2D00  }
0x24: {  	[sflag:s15] =	ssyncset.done $0x0  }
0x25: {  	[sflag:s15] =	ssyncadd.s32 $0xFFFFD300  }
0x26: {  	s20 =	simm.s32 $0xA;
	s21 =	simm.s32 $0x14;
	_ =	swait.ge [sflag:s16], $0x2D00  }
0x27: {  	s19 =	sadd.s32 $0x5A0, s5;
	s18 =	sadd.s32 $0x5A0, s6;
	[sflag:s16] =	ssyncset.done $0x0  }
.LBB2_2:
0x28: {  	s22 =	sadd.s32 s20, s8  }
0x29: {  	[sflag:s16] =	ssyncadd.s32 $0xFFFFD300;
	s23 =	smov.u32 s21;
	s24 =	sadd.s32 $0xA, s21  }
0x2a: {  	[tilespmem:s2], [sflag:$0x5] =	stream.linear.gather [hbm4b:s22+s2], $0x50, $0x38;
	[tilespmem:$0x5AA0] =	vst v63  }
0x2b: {  	p0 =	sne.s32 s21, $0xF0;
	_ =	swait.ge [sflag:s9], $0x50  }
0x2c: {  	[sflag:s9] =	ssyncset.done $0x0  }
0x2d: {  	[sflag:s9] =	ssyncadd.s32 $0xFFFFFFB0  }
0x2e: {  	[tilespmem:s11], [sflag:$0x1] =	stream.indirect.gather [hbm4b:s3+s10], $0x90, s2, s10, $0xb8;
	[tilespmem:$0x5AA0] =	vst v63  }
0x2f: {  	s21 =	sadd.s32 s20, s7;
	s20 =	smov.u32 s23  }
0x30: {  	[tilespmem:s10], [sflag:$0x5] =	stream.linear.gather [hbm4b:s21+s2], $0x50, $0x38;
	[tilespmem:$0x5AA0] =	vst v63  }
0x31: {  	_ =	swait.ge [sflag:s9], $0x50  }
0x32: {  	[sflag:s9] =	ssyncset.done $0x0  }
0x33: {  	[sflag:s9] =	ssyncadd.s32 $0xFFFFFFB0  }
0x34: {  	[tilespmem:s12], [sflag:$0x2] =	stream.indirect.gather [hbm4b:s3+s10], $0x90, s10, s10, $0xb8;
	[tilespmem:$0x5AA0] =	vst v63  }
0x35: {  	_ =	swait.ge [sflag:s13], $0x2D00  }
0x36: {  	[sflag:s13] =	ssyncset.done $0x0  }
0x37: {  	[sflag:s13] =	ssyncadd.s32 $0xFFFFD300  }
0x38: {  	[hbm4b:s19+s2] =	stream.linear.scatter [tilespmem:s11], [sflag:$0x3], $0x2D00, $0x38;
	[tilespmem:$0x5AA0] =	vst v63  }
0x39: {  	_ =	swait.ge [sflag:s14], $0x2D00  }
0x3a: {  	[sflag:s14] =	ssyncset.done $0x0  }
0x3b: {  	[sflag:s14] =	ssyncadd.s32 $0xFFFFD300  }
0x3c: {  	[hbm4b:s18+s2] =	stream.linear.scatter [tilespmem:s12], [sflag:$0x4], $0x2D00, $0x38;
	[tilespmem:$0x5AA0] =	vst v63  }
.Ltmp0:
0x3d: {  	_ =	swait.ge [sflag:s15], $0x2D00;
	(pc) =	sbr.rel @p0 .LBB2_2-.Ltmp0, $4  }
0x3e: {  	[sflag:s15] =	ssyncset.done $0x0  }
0x3f: {  	[sflag:s15] =	ssyncadd.s32 $0xFFFFD300  }
0x40: {  	s21 =	smov.u32 s24;
	_ =	swait.ge [sflag:s16], $0x2D00  }
0x41: {  	s19 =	sadd.s32 $0x5A0, s19;
	s18 =	sadd.s32 $0x5A0, s18;
	[sflag:s16] =	ssyncset.done $0x0  }
0x42: {  	s21 =	sadd.s32 s20, s8;
	[sflag:s16] =	ssyncadd.s32 $0xFFFFD300  }
0x43: {  	[tilespmem:s2], [sflag:$0x5] =	stream.linear.gather [hbm4b:s21+s2], $0x50, $0x38;
	[tilespmem:$0x5AA0] =	vst v63  }
0x44: {  	_ =	swait.ge [sflag:s9], $0x50  }
0x45: {  	[sflag:s9] =	ssyncset.done $0x0  }
0x46: {  	[sflag:s9] =	ssyncadd.s32 $0xFFFFFFB0  }
0x47: {  	[tilespmem:s11], [sflag:$0x1] =	stream.indirect.gather [hbm4b:s3+s10], $0x90, s2, s10, $0xb8;
	[tilespmem:$0x5AA0] =	vst v63  }
0x48: {  	s31 =	sadd.s32 s20, s7  }
0x49: {  	[tilespmem:s10], [sflag:$0x5] =	stream.linear.gather [hbm4b:s31+s2], $0x50, $0x38;
	[tilespmem:$0x5AA0] =	vst v63  }
0x4a: {  	_ =	swait.ge [sflag:s9], $0x50  }
0x4b: {  	[sflag:s9] =	ssyncset.done $0x0  }
0x4c: {  	[sflag:s9] =	ssyncadd.s32 $0xFFFFFFB0  }
0x4d: {  	[tilespmem:s12], [sflag:$0x2] =	stream.indirect.gather [hbm4b:s3+s10], $0x90, s10, s10, $0xb8;
	[tilespmem:$0x5AA0] =	vst v63  }
0x4e: {  	_ =	swait.ge [sflag:s13], $0x2D00  }
0x4f: {  	[sflag:s13] =	ssyncset.done $0x0  }
0x50: {  	[sflag:s13] =	ssyncadd.s32 $0xFFFFD300  }
0x51: {  	[hbm4b:s19+s2] =	stream.linear.scatter [tilespmem:s11], [sflag:$0x3], $0x2D00, $0x38;
	[tilespmem:$0x5AA0] =	vst v63  }
0x52: {  	_ =	swait.ge [sflag:s14], $0x2D00  }
0x53: {  	[sflag:s14] =	ssyncset.done $0x0  }
0x54: {  	s17 =	sadd.s32 $0x1, s17;
	[sflag:s14] =	ssyncadd.s32 $0xFFFFD300  }
0x55: {  	[hbm4b:s18+s2] =	stream.linear.scatter [tilespmem:s12], [sflag:$0x4], $0x2D00, $0x38;
	[tilespmem:$0x5AA0] =	vst v63  }
0x56: {  	p0 =	sne.s32 s17, s4;
	_ =	swait.ge [sflag:s15], $0x2D00  }
.Ltmp1:
0x57: {  	[sflag:s15] =	ssyncset.done $0x0;
	(pc) =	sbr.rel @p0 .LBB2_1-.Ltmp1, $4  }
0x58: {  	[sflag:s15] =	ssyncadd.s32 $0xFFFFD300  }
0x59: {  	_ =	swait.ge [sflag:s16], $0x2D00  }
0x5a: {  	[sflag:s16] =	ssyncset.done $0x0  }
0x5b: {  	[sflag:s16] =	ssyncadd.s32 $0xFFFFD300  }
0x5c: {  	_ =	sfence.sel $0x180000  }
0x5d: {  	[bflag:$0x0] =	sbarrier.arrive $0xFFFF  }
0x5e: {  	p0 =	sne.s32 s1, $0x0;
	_ =	strace $0x9000004D  }
0x5f: {  	s0 =	sadd.s32 @!p0 $0x100000, s0;
	[bflag:$0x2] =	sbarrier.arrive $0xFFFF  }
0x60: {  	[sflag:s0] =	ssyncadd.tile.s32 @!p0 $0x1;
	_ =	shalt  }
.Lfunc_end2:
_tile_overlayer_lowered:
.L_overlay_start_2:
0x61: {  	(tag) =	ssettag $0x2  }
0x62: {  	s0 =	rddreg [dreg:$0x0];
	s2 =	stileid.u32  }
0x63: {  	s1 =	rddreg [dreg:$0x1];
	p0 =	sne.s32 s2, $0x0  }
0x64: {  	s3 =	rddreg [dreg:$0x2];
	[bflag:$0x3] =	sbarrier.arrive $0xFFFF;
	s2 =	simm.s32 @!p0 $0x1C05  }
0x65: {  	[timem:s3], [sflag:s2] =	dma.local @!p0 [hbm:s0], s1  }
0x66: {  	s0 =	simm.s32 @!p0 $0x5  }
0x67: {  	_ =	swait.ge @!p0 [sflag:s0], s1  }
0x68: {  	s1 =	ssub.s32 @!p0 $0x0, s1;
	[sflag:s0] =	ssyncset.done @!p0 $0x0  }
0x69: {  	[sflag:s0] =	ssyncadd.s32 @!p0 s1  }
0x6a: {  	[bflag:$0x3] =	sbarrier.arrive $0xFFFF  }
0x6b: {  	_ =	shalt  }

// kernel: kernel.29.cloned.1.call-start
scs
__scs_entry_jumppad:
0x0: {  	(pc) =	sbr.rel $0x88, $3  }
0x1: {  	(tag) =	ssettag $0x0;
	lr =	simm.s32 $0x1  }
0x2: {  	[smem:$0x3F8D] =	sst lr;
	_ =	strace $0xD0000000  }
0x3: {  	_ = 	snop  }
0x4: {  	_ = 	snop  }
0x5: {  	_ = 	snop  }
0x6: {  	_ = 	snop  }
0x7: {  	_ = 	snop  }
__scs_overlays_trampoline_lowered:
0x8: {  	[smem:$0x3F9C] =	sst s0  }
0x9: {  	[smem:$0x3F9D] =	sst s1  }
0xa: {  	[smem:$0x3F9E] =	sst s2  }
0xb: {  	[smem:$0x3F9F] =	sst s3  }
0xc: {  	[smem:$0x3FA0] =	sst s4  }
0xd: {  	[smem:$0x3FA1] =	sst s5  }
0xe: {  	[smem:$0x3FA2] =	sst s6  }
0xf: {  	[smem:$0x3FA3] =	sst s7  }
0x10: {  	[smem:$0x3FA4] =	sst s8  }
0x11: {  	[smem:$0x3FA5] =	sst s9;
	s0 =	simm.s32 @!p0 $0x0  }
0x12: {  	s1 =	sld [smem:$0x3F8B];
	s0 =	simm.s32 @p0 $0x1  }
0x13: {  	[smem:$0x3FA6] =	sst s0;
	s0 =	simm.s32 @!p1 $0x0  }
0x14: {  	s2 =	sld [smem:$0x3F8A];
	s0 =	simm.s32 @p1 $0x1  }
0x15: {  	[smem:$0x3FA7] =	sst s0;
	s0 =	simm.s32 @!p2 $0x0  }
0x16: {  	s3 =	sld [smem:$0x3FDB];
	s0 =	simm.s32 @p2 $0x1  }
0x17: {  	s4 =	simm.s32 $0x1BF5;
	[smem:$0x3FA9] =	sst s0  }
0x18: {  	s0 =	sld [smem:$0x3F8C];
	_ =	swait.ge [sflag:s4], $0x0  }
0x19: {  	s7 =	sld [smem:$0x3F8D]  }
0x1a: {  	s8 =	sadd.s32 $0xFFFFE003, lr  }
0x1b: {  	s9 =	sadd.s32 $0xFFFFFEF7, lr;
	s5 =	simm.s32 $0xFFFFFFFF;
	p2 =	slt.u32 s8, $0xFFFFF086  }
0x1c: {  	p1 =	slt.u32 s9, $0xF7A;
	s5 =	simm.s32 @!p2 $0x0  }
0x1d: {  	s5 =	simm.s32 @p1 $0x1;
	p0 =	seq.s32 s7, s2  }
0x1e: {  	s7 =	smul.u32 @!p0 $0xF7A, s2;
	p2 =	seq.s32 @!p0 s5, $0x0  }
0x1f: {  	s9 =	smul.u32 $0xF7A, s1;
	s8 =	simm.s32 @!p0 $0x1BF5;
	p2 =	por !p2, p0  }
0x20: {  	[sflag:s8] =	ssyncset.s32 @!p0 $0xFFFFF086;
	s6 =	sadd.s32 @!p0 s3, s7;
	s7 =	simm.s32 @!p0 $0x108  }
0x21: {  	s3 =	sadd.s32 s3, s9;
	s6 =	sadd.s32 @!p0 $0x88, s6;
	s7 =	simm.s32 @p2 $0x1082  }
0x22: {  	[simem:s7], [sflag:s8] =	dma.local @!p0 [hbm:s6], $0xF7A  }
0x23: {  	s9 =	sor.u32 $0xD0000000, s2;
	s6 =	simm.s32 $0x108;
	_ =	swait.ge @!p0 [sflag:s8], $0x0  }
0x24: {  	s3 =	sadd.s32 $0x88, s3;
	s6 =	simm.s32 @!p1 $0x1082;
	[sflag:s4] =	ssyncset.s32 $0xFFFFF086  }
0x25: {  	[simem:s6], [sflag:s4] =	dma.local [hbm:s3], $0xF7A  }
0x26: {  	[smem:$0x3F8D] =	sst s1;
	(tag) =	ssettag s2;
	_ =	strace s9  }
0x27: {  	s1 =	sld [smem:$0x3F9D]  }
0x28: {  	s2 =	sld [smem:$0x3F9E]  }
0x29: {  	s4 =	sld [smem:$0x3FA0]  }
0x2a: {  	p0 =	seq.s32 s5, $0x0;
	s5 =	sld [smem:$0x3FA1]  }
0x2b: {  	s6 =	sld [smem:$0x3FA2]  }
0x2c: {  	s7 =	sld [smem:$0x3FA3]  }
0x2d: {  	s3 =	simm.s32 $0x108;
	s8 =	sld [smem:$0x3FA4]  }
0x2e: {  	s3 =	simm.s32 @!p0 $0x1082;
	s9 =	sld [smem:$0x3FA5]  }
0x2f: {  	lr =	sadd.s32 s0, s3;
	s0 =	sld [smem:$0x3F9C]  }
0x30: {  	s3 =	sld [smem:$0x3F9F]  }
0x31: {  	[smem:$0x3FA8] =	sst s10  }
0x32: {  	s10 =	sld [smem:$0x3FA6];
	_ =	sdelay $0x3  }
0x33: {  	p0 =	seq.s32 s10, $0x1;
	s10 =	sld [smem:$0x3FA8];
	_ =	sdelay $0x3  }
0x34: {  	[smem:$0x3FA8] =	sst s10  }
0x35: {  	s10 =	sld [smem:$0x3FA7];
	_ =	sdelay $0x3  }
0x36: {  	p1 =	seq.s32 s10, $0x1;
	s10 =	sld [smem:$0x3FA8];
	_ =	sdelay $0x3  }
0x37: {  	[smem:$0x3FA8] =	sst s10  }
0x38: {  	s10 =	sld [smem:$0x3FA9]  }
0x39: {  	_ = 	snop;
	(pc) =	sbr.ind lr, $3  }
0x3a: {  	_ = 	snop  }
0x3b: {  	_ = 	snop  }
0x3c: {  	p2 =	seq.s32 s10, $0x1;
	s10 =	sld [smem:$0x3FA8]  }
0x3d: {  	_ =	shalt  }
0x3e: {  	_ =	shalt  }
0x3f: {  	_ =	shalt  }
0x40: {  	_ =	shalt  }
0x41: {  	_ =	shalt  }
0x42: {  	_ =	shalt  }
0x43: {  	_ =	shalt  }
0x44: {  	_ =	shalt  }
0x45: {  	_ =	shalt  }
0x46: {  	_ =	shalt  }
0x47: {  	_ =	shalt  }
0x48: {  	_ =	shalt  }
0x49: {  	_ =	shalt  }
0x4a: {  	_ =	shalt  }
0x4b: {  	_ =	shalt  }
0x4c: {  	_ =	shalt  }
0x4d: {  	_ =	shalt  }
0x4e: {  	_ =	shalt  }
0x4f: {  	_ =	shalt  }
0x50: {  	_ =	shalt  }
0x51: {  	_ =	shalt  }
0x52: {  	_ =	shalt  }
0x53: {  	_ =	shalt  }
0x54: {  	_ =	shalt  }
0x55: {  	_ =	shalt  }
0x56: {  	_ =	shalt  }
0x57: {  	_ =	shalt  }
0x58: {  	_ =	shalt  }
0x59: {  	_ =	shalt  }
0x5a: {  	_ =	shalt  }
0x5b: {  	_ =	shalt  }
0x5c: {  	_ =	shalt  }
0x5d: {  	_ =	shalt  }
0x5e: {  	_ =	shalt  }
0x5f: {  	_ =	shalt  }
0x60: {  	_ =	shalt  }
0x61: {  	_ =	shalt  }
0x62: {  	_ =	shalt  }
0x63: {  	_ =	shalt  }
0x64: {  	_ =	shalt  }
0x65: {  	_ =	shalt  }
0x66: {  	_ =	shalt  }
0x67: {  	_ =	shalt  }
0x68: {  	_ =	shalt  }
0x69: {  	_ =	shalt  }
0x6a: {  	_ =	shalt  }
0x6b: {  	_ =	shalt  }
0x6c: {  	_ =	shalt  }
0x6d: {  	_ =	shalt  }
0x6e: {  	_ =	shalt  }
0x6f: {  	_ =	shalt  }
0x70: {  	_ =	shalt  }
0x71: {  	_ =	shalt  }
0x72: {  	_ =	shalt  }
0x73: {  	_ =	shalt  }
0x74: {  	_ =	shalt  }
0x75: {  	_ =	shalt  }
0x76: {  	_ =	shalt  }
0x77: {  	_ =	shalt  }
0x78: {  	_ =	shalt  }
0x79: {  	_ =	shalt  }
0x7a: {  	_ =	shalt  }
0x7b: {  	_ =	shalt  }
0x7c: {  	_ =	shalt  }
0x7d: {  	_ =	shalt  }
0x7e: {  	_ =	shalt  }
0x7f: {  	_ =	shalt  }
0x80: {  	_ =	shalt  }
0x81: {  	_ =	shalt  }
0x82: {  	_ =	shalt  }
0x83: {  	_ =	shalt  }
0x84: {  	_ =	shalt  }
0x85: {  	_ =	shalt  }
0x86: {  	_ =	shalt  }
0x87: {  	_ =	shalt  }
.Lfunc_end0:
.L_simem_size_0:
called_computation.5_lowered:
.L_overlay_start_0:
0x88: {  	s2 =	sld [smem:$0x3FD9]  }
0x89: {  	s3 =	sld [smem:$0x3FFE];
	_ =	sdelay $0x1  }
0x8a: {  	s1 =	srdreg.scid  }
0x8b: {  	s0 =	sand.u32 $0x1, s1  }
0x8c: {  	s14 =	sshll.u32 s0, $0xA;
	s2 =	sadd.s32 s3, s2  }
0x8d: {  	s2 =	sadd.s32 s2, s14  }
0x8e: {  	[smem:$0x3FB4] =	sst s2  }
0x8f: {  	_ = 	snop  }
0x90: {  	s2 =	sld [smem:$0x3FD0];
	_ =	sdelay $0x2  }
0x91: {  	s4 =	simm.s32 $0xE;
	s5 =	simm.s32 $0x10;
	s15 =	sld [smem:$0x3FC5]  }
0x92: {  	[smem:s5], [sflag:s4] =	dma.local [hbm:s2], $0x1  }
0x93: {  	_ =	swait.eq [sflag:s4], $0x1  }
0x94: {  	[sflag:s4] =	ssyncset.done $0x0  }
0x95: {  	[sflag:s4] =	ssyncadd.s32 $0xFFFFFFFF  }
0x96: {  	s16 =	sld [smem:$0x11];
	(tm) =	ssettm $0x1  }
0x97: {  	s17 =	sld [smem:$0x3FFB];
	_ =	sdelay $0x3  }
0x98: {  	_ =	strace s17  }
0x99: {  	s4 =	sld [smem:$0x3FFC];
	_ =	sdelay $0x3  }
0x9a: {  	_ =	strace s4  }
0x9b: {  	s4 =	sld [smem:$0x3FFD];
	_ =	sdelay $0x3  }
0x9c: {  	_ =	strace s4  }
0x9d: {  	_ =	strace $0x8FFFFFFF  }
0x9e: {  	s18 =	sld [smem:$0x3FDB];
	_ =	sdelay $0x1  }
0x9f: {  	s19 =	simm.s32 $_scs_section_size  }
0xa0: {  	s6 =	simm.s32 $_size__tile_overlayer_lowered;
	s7 =	simm.s32 $_tile_overlayer_lowered  }
0xa1: {  	s22 =	simm.s32 $0x1BFF;
	s21 =	sshll.u32 s7, $0x1;
	s4 =	sadd.s32 s19, s18  }
0xa2: {  	s8 =	simm.s32 $0x0;
	s20 =	sshll.u32 s6, $0x1;
	s6 =	sadd.s32 s21, s4  }
0xa3: {  	[timem:s8], [sflag:s22] =	dma.local [hbm:s6], s20  }
0xa4: {  	_ =	swait.ge [sflag:s22], s20  }
0xa5: {  	s5 =	ssub.s32 $0x0, s20;
	[sflag:s22] =	ssyncset.done $0x0  }
0xa6: {  	[sflag:s22] =	ssyncadd.s32 s5;
	_ =	sdelay $0x1  }
0xa7: {  	s23 =	simm.s32 $0x1B8B  }
0xa8: {  	_ =	swait.ge [sflag:s23], $0x1  }
0xa9: {  	[sflag:s23] =	ssyncset.done $0x0  }
0xaa: {  	s25 =	simm.s32 $0x1B8E;
	s24 =	sld [smem:$0x3FFE];
	[sflag:s23] =	ssyncadd.s32 $0xFFFFFFFF  }
0xab: {  	s26 =	simm.s32 $execute0_lowered;
	[smem:$0x3FD2] =	sst s25  }
0xac: {  	s6 =	sshll.u32 s26, $0x1;
	_ =	strace $0x80000055;
	[dreg:$0x1] =	wrdreg $0xFFFFFFFF  }
0xad: {  	s28 =	simm.s32 $_size_execute0_lowered;
	s4 =	sadd.s32 s4, s6;
	[dreg:$0x0] =	wrdreg $0x0  }
0xae: {  	s6 =	sshll.u32 s28, $0x1;
	[dreg:$0x2] =	wrdreg s4  }
0xaf: {  	[dreg:$0x3] =	wrdreg s6  }
0xb0: {  	[dreg:$0x4] =	wrdreg $0xC0  }
0xb1: {  	_ =	task [dreg:s8], $0x5FFFF  }
0xb2: {  	[dreg:$0x1] =	wrdreg $0xFFFFFFFF  }
0xb3: {  	[dreg:$0x0] =	wrdreg $0x60  }
0xb4: {  	[dreg:$0x2] =	wrdreg s24  }
0xb5: {  	[dreg:$0x3] =	wrdreg s15  }
0xb6: {  	[dreg:$0x4] =	wrdreg s16  }
0xb7: {  	[dreg:$0x5] =	wrdreg $0x2D500  }
0xb8: {  	[dreg:$0x6] =	wrdreg $0x9  }
0xb9: {  	_ =	task.clear_ibuf [dreg:s8], $0x7FFFF;
	_ =	strace $0x90000055  }
0xba: {  	s29 =	simm.s32 $0x9;
	_ =	strace $0x80000057  }
0xbb: {  	_ =	swait.ge [sflag:s29], $0x1  }
0xbc: {  	[sflag:s29] =	ssyncadd.s32 $0xFFFFFFFF  }
0xbd: {  	_ =	strace $0x90000057  }
0xbe: {  	_ =	sfence  }
0xbf: {  	s30 =	sld [smem:$0x0];
	_ =	sdelay $0x2  }
0xc0: {  	s31 =	sshll.u32 s1, $0xD;
	s1 =	sshrl.u32 s1, $0x2  }
0xc1: {  	s3 =	sand.u32 $0x4000, s31;
	s1 =	sadd.s32 s1, s30  }
0xc2: {  	s0 =	sor.u32 s3, s0;
	s1 =	sshll.u32 s1, $0x11  }
0xc3: {  	s0 =	sor.u32 s1, s0  }
0xc4: {  	s0 =	sadd.s32 $0x8F2B, s0  }
0xc5: {  	[sflag:s0] =	ssyncadd.remote.s32 $0x1  }
0xc6: {  	_ =	sfence.sel $0xFFFF  }
0xc7: {  	[dreg:$0x0] =	wrdreg $0xFFFFFFFF;
	(pc) =	sbr.abs _section_cstart, $3  }
0xc8: {  	[dreg:$0x1] =	wrdreg $0xFFFFFFFF  }
0xc9: {  	_ =	task.clear_ibuf [dreg:s8], $0x2FFFF;
	_ =	strace $0x9FFFFFFF  }
0xca: {  	(tm) =	ssettm $0x7FFFFFFF  }
0xcb: {  	_ =	shalt  }
tec
execute0_lowered:
.L_overlay_start_1:
0x0: {  	(tag) =	ssettag $0x1  }
0x1: {  	s5 =	rddreg [dreg:$0x0]  }
0x2: {  	s19 =	rddreg [dreg:$0x1]  }
0x3: {  	s1 =	rddreg [dreg:$0x2];
	s4 =	srdreg.scid  }
0x4: {  	s2 =	rddreg [dreg:$0x3];
	s3 =	simm.s32 $0x0;
	s6 =	sand.u32 $0x1, s4  }
0x5: {  	[smem:$0x7FF] =	sst s3;
	s8 =	sadd.s32 $0xA86600, s5;
	s4 =	smul.u32 $0x8CA00, s6  }
0x6: {  	_ =	strace $0x80000056;
	s7 =	ssub.s32 $0x2, s6;
	s25 =	smul.u32 $0x15F900, s6  }
0x7: {  	s12 =	smul.u32 $0x7D00, s6;
	s10 =	sadd.s32 s4, s5;
	s4 =	stileid.u32  }
0x8: {  	s6 =	sadd.s32 $0x15F000, s2;
	s23 =	sshrl.u32 s7, $0x1;
	s9 =	smul.u32 $0x15F00, s4  }
0x9: {  	s11 =	ssub.s32 s7, s23;
	s14 =	sshrl.u32 s25, $0x3;
	s13 =	smul.u32 $0x7D0, s4  }
0xa: {  	s23 =	simm.s32 $0x0;
	s24 =	sshll.u32 s4, $0x6;
	s15 =	smul.u32 $0x8CA0, s4  }
0xb: {  	p0 =	sne.s32 s4, $0xF;
	s5 =	sor.u32 $0x1C01, s24;
	s20 =	sadd.s32 s9, s2  }
0xc: {  	s9 =	sadd.s32 s9, s25;
	s17 =	sadd.s32 s13, s12;
	s18 =	sadd.s32 s15, s10  }
0xd: {  	s9 =	sshrl.u32 s9, $0x3;
	s10 =	sadd.s32 $0x96D200, s18;
	s26 =	sshrl.u32 s17, $0x3  }
0xe: {  	s12 =	sadd.s32 $0xFA00, s17;
	s29 =	sadd.s32 $0x1F400, s17;
	s21 =	sadd.s32 $0x2EE00, s17  }
0xf: {  	s16 =	sadd.s32 $0x277E00, s18;
	s22 =	sadd.s32 $0x3E800, s17;
	s20 =	sshrl.u32 s20, $0x3  }
0x10: {  	s7 =	sadd.s32 s8, s9;
	s8 =	sadd.s32 s8, s14;
	s9 =	smax.u32 s11, $0x1  }
0x11: {  	s11 =	sadd.s32 s26, s19;
	s28 =	sshrl.u32 s12, $0x3;
	s12 =	sadd.s32 $0x45600, s18  }
0x12: {  	s30 =	sshrl.u32 s29, $0x3;
	s14 =	sadd.s32 $0xB41E00, s18;
	s21 =	sshrl.u32 s21, $0x3  }
0x13: {  	s18 =	sadd.s32 $0x15EA00, s18;
	s31 =	sshrl.u32 s22, $0x3;
	s22 =	simm.s32 $0x50  }
0x14: {  	s8 =	sadd.s32 $0x2BE00, s8;
	s13 =	sadd.s32 s28, s19;
	s15 =	sadd.s32 s30, s19  }
0x15: {  	s17 =	sadd.s32 s21, s19;
	s19 =	sadd.s32 s31, s19;
	s21 =	simm.s32 $0x1  }
.LBB2_1:
0x16: {  	[spmem:s20], [sflag:s5] =	dma.local [hbm:s1], $0x2BE0  }
0x17: {  	_ =	swait.ge [sflag:s21], $0x2BE0  }
0x18: {  	[sflag:s21] =	ssyncset.done $0x0  }
0x19: {  	s24 =	sshrl.u32 @!p0 s6, $0x3;
	s25 =	simm.s32 @!p0 $0x1;
	[sflag:s21] =	ssyncadd.s32 $0xFFFFD420  }
0x1a: {  	[spmem:s24], [sflag:s5] =	dma.local @!p0 [hbm:s1], $0x120  }
0x1b: {  	_ =	swait.ge @!p0 [sflag:s25], $0x120  }
0x1c: {  	[sflag:s25] =	ssyncset.done @!p0 $0x0  }
0x1d: {  	[sflag:s25] =	ssyncadd.s32 @!p0 $0xFFFFFEE0  }
0x1e: {  	s31 =	sadd.s32 $0x0, s11;
	[bflag:$0x0] =	sbarrier.arrive $0xFFFF  }
0x1f: {  	[tilespmem:s3], [sflag:$0x1] =	stream.linear.gather [hbm4b:s31+s3], $0x50, $0x38;
	[tilespmem:$0x18CE0] =	vst v63  }
0x20: {  	_ =	swait.ge [sflag:s21], $0x50  }
0x21: {  	[sflag:s21] =	ssyncset.done $0x0  }
0x22: {  	[sflag:s21] =	ssyncadd.s32 $0xFFFFFFB0  }
0x23: {  	[tilespmem:s22], [sflag:$0x1] =	stream.linear.gather [hbm4b:s10+s3], $0x2D00, $0x38;
	[tilespmem:$0x18CE0] =	vst v63  }
0x24: {  	_ =	swait.ge [sflag:s21], $0x2D00  }
0x25: {  	[sflag:s21] =	ssyncset.done $0x0  }
0x26: {  	[sflag:s21] =	ssyncadd.s32 $0xFFFFD300  }
0x27: {  	[spmem:s2] =	stream.indirect.scatter.add.f32 [tilespmem:s22], [sflag:$0x1], $0x90, s3, s22, $0xb8;
	[tilespmem:$0x18CE0] =	vst v63  }
0x28: {  	s29 =	sadd.s32 $0xA, s11;
	_ =	swait.ge [sflag:s21], $0x2D00  }
0x29: {  	s28 =	simm.s32 $0x14;
	s26 =	sadd.s32 $0x5A0, s10;
	[sflag:s21] =	ssyncset.done $0x0  }
.LBB2_2:
0x2a: {  	s30 =	sadd.s32 s28, s11;
	s25 =	simm.s32 $0x0;
	[sflag:s21] =	ssyncadd.s32 $0xFFFFD300  }
0x2b: {  	[tilespmem:s25], [sflag:$0x1] =	stream.linear.gather [hbm4b:s29+s25], $0x50, $0x38;
	[tilespmem:$0x18CE0] =	vst v63  }
0x2c: {  	p1 =	sne.s32 s28, $0xF0;
	s28 =	sadd.s32 $0xA, s28;
	_ =	swait.ge [sflag:s21], $0x50  }
0x2d: {  	s29 =	smov.u32 s30;
	[sflag:s21] =	ssyncset.done $0x0  }
0x2e: {  	[sflag:s21] =	ssyncadd.s32 $0xFFFFFFB0  }
0x2f: {  	[tilespmem:s22], [sflag:$0x1] =	stream.linear.gather [hbm4b:s26+s25], $0x2D00, $0x38;
	[tilespmem:$0x18CE0] =	vst v63  }
0x30: {  	_ =	swait.ge [sflag:s21], $0x2D00  }
.Ltmp0:
0x31: {  	[sflag:s21] =	ssyncset.done $0x0;
	(pc) =	sbr.rel @p1 .LBB2_2-.Ltmp0, $4  }
0x32: {  	[sflag:s21] =	ssyncadd.s32 $0xFFFFD300  }
0x33: {  	[spmem:s2] =	stream.indirect.scatter.add.f32 [tilespmem:s22], [sflag:$0x1], $0x90, s25, s22, $0xb8;
	[tilespmem:$0x18CE0] =	vst v63  }
0x34: {  	_ =	swait.ge [sflag:s21], $0x2D00  }
0x35: {  	s26 =	sadd.s32 $0x5A0, s26;
	[sflag:s21] =	ssyncset.done $0x0  }
0x36: {  	[sflag:s21] =	ssyncadd.s32 $0xFFFFD300  }
0x37: {  	[tilespmem:s25], [sflag:$0x1] =	stream.linear.gather [hbm4b:s29+s25], $0x50, $0x38;
	[tilespmem:$0x18CE0] =	vst v63  }
0x38: {  	_ =	swait.ge [sflag:s21], $0x50  }
0x39: {  	[sflag:s21] =	ssyncset.done $0x0  }
0x3a: {  	[sflag:s21] =	ssyncadd.s32 $0xFFFFFFB0  }
0x3b: {  	[tilespmem:s22], [sflag:$0x1] =	stream.linear.gather [hbm4b:s26+s25], $0x2D00, $0x38;
	[tilespmem:$0x18CE0] =	vst v63  }
0x3c: {  	_ =	swait.ge [sflag:s21], $0x2D00  }
0x3d: {  	p2 =	por $0x1, $0x1;
	[sflag:s21] =	ssyncset.done $0x0  }
.Ltmp1:
0x3e: {  	[sflag:s21] =	ssyncadd.s32 $0xFFFFD300;
	(pc) =	sbr.rel @!p2 .LBB2_8-.Ltmp1, $4  }
0x3f: {  	[spmem:s2] =	stream.indirect.scatter.add.f32 [tilespmem:s22], [sflag:$0x1], $0x90, s25, s22, $0xb8;
	[tilespmem:$0x18CE0] =	vst v63  }
0x40: {  	p1 =	por $0x0, $0x0;
	_ =	swait.ge [sflag:s21], $0x2D00  }
0x41: {  	s28 =	smov.u32 s12;
	p3 =	por $0x0, $0x0;
	[sflag:s21] =	ssyncset.done $0x0  }
0x42: {  	s29 =	simm.s32 $0x0;
	s26 =	simm.s32 $0xA;
	[sflag:s21] =	ssyncadd.s32 $0xFFFFD300  }
0x43: {  	s28 =	sadd.s32 $0x0, s13  }
0x44: {  	[tilespmem:s25], [sflag:$0x1] =	stream.linear.gather [hbm4b:s28+s25], $0x50, $0x38;
	[tilespmem:$0x18CE0] =	vst v63  }
0x45: {  	_ =	swait.ge [sflag:s21], $0x50  }
0x46: {  	[sflag:s21] =	ssyncset.done $0x0  }
0x47: {  	[sflag:s21] =	ssyncadd.s32 $0xFFFFFFB0  }
0x48: {  	[tilespmem:s22], [sflag:$0x1] =	stream.linear.gather [hbm4b:s12+s25], $0x2D00, $0x38;
	[tilespmem:$0x18CE0] =	vst v63  }
0x49: {  	p4 =	por $0x1, $0x1;
	_ =	swait.ge [sflag:s21], $0x2D00  }
.Ltmp2:
0x4a: {  	[sflag:s21] =	ssyncset.done $0x0;
	(pc) =	sbr.rel @!p4 .LBB2_5-.Ltmp2, $4  }
0x4b: {  	[sflag:s21] =	ssyncadd.s32 $0xFFFFD300  }
0x4c: {  	[spmem:s2] =	stream.indirect.scatter.add.f32 [tilespmem:s22], [sflag:$0x1], $0x90, s25, s22, $0xb8;
	[tilespmem:$0x18CE0] =	vst v63  }
0x4d: {  	s29 =	simm.s32 $0x14;
	_ =	swait.ge [sflag:s21], $0x2D00  }
0x4e: {  	p3 =	por $0x1, $0x1;
	s28 =	sadd.s32 $0x5A0, s12;
	[sflag:s21] =	ssyncset.done $0x0  }
.LBB2_6:
0x4f: {  	s30 =	sadd.s32 s26, s13  }
0x50: {  	[sflag:s21] =	ssyncadd.s32 $0xFFFFD300;
	s26 =	smov.u32 s29;
	s31 =	sadd.s32 $0xA, s29  }
0x51: {  	[tilespmem:s25], [sflag:$0x1] =	stream.linear.gather [hbm4b:s30+s25], $0x50, $0x38;
	[tilespmem:$0x18CE0] =	vst v63  }
0x52: {  	p4 =	sne.s32 s29, $0xF0;
	_ =	swait.ge [sflag:s21], $0x50  }
0x53: {  	[sflag:s21] =	ssyncset.done $0x0  }
0x54: {  	[sflag:s21] =	ssyncadd.s32 $0xFFFFFFB0  }
0x55: {  	[tilespmem:s22], [sflag:$0x1] =	stream.linear.gather [hbm4b:s28+s25], $0x2D00, $0x38;
	[tilespmem:$0x18CE0] =	vst v63  }
0x56: {  	_ =	swait.ge [sflag:s21], $0x2D00  }
.Ltmp3:
0x57: {  	[sflag:s21] =	ssyncset.done $0x0;
	(pc) =	sbr.rel @p4 .LBB2_6-.Ltmp3, $4  }
0x58: {  	[sflag:s21] =	ssyncadd.s32 $0xFFFFD300  }
0x59: {  	[spmem:s2] =	stream.indirect.scatter.add.f32 [tilespmem:s22], [sflag:$0x1], $0x90, s25, s22, $0xb8;
	[tilespmem:$0x18CE0] =	vst v63  }
0x5a: {  	_ =	swait.ge [sflag:s21], $0x2D00  }
0x5b: {  	s29 =	smov.u32 s31;
	s28 =	sadd.s32 $0x5A0, s28;
	[sflag:s21] =	ssyncset.done $0x0  }
0x5c: {  	s29 =	smov.u32 s26  }
.LBB2_8:
0x5d: {  	s26 =	sadd.s32 s29, s13;
	[sflag:s21] =	ssyncadd.s32 @p3 $0xFFFFD300  }
0x5e: {  	[tilespmem:s25], [sflag:$0x1] =	stream.linear.gather [hbm4b:s26+s25], $0x50, $0x38;
	[tilespmem:$0x18CE0] =	vst v63  }
0x5f: {  	_ =	swait.ge [sflag:s21], $0x50  }
0x60: {  	[sflag:s21] =	ssyncset.done $0x0  }
0x61: {  	[sflag:s21] =	ssyncadd.s32 $0xFFFFFFB0  }
0x62: {  	[tilespmem:s22], [sflag:$0x1] =	stream.linear.gather [hbm4b:s28+s25], $0x2D00, $0x38;
	[tilespmem:$0x18CE0] =	vst v63  }
0x63: {  	_ =	swait.ge [sflag:s21], $0x2D00  }
0x64: {  	[sflag:s21] =	ssyncset.done $0x0  }
.Ltmp4:
0x65: {  	[sflag:s21] =	ssyncadd.s32 $0xFFFFD300;
	(pc) =	sbr.rel @!p2 .LBB2_9-.Ltmp4, $4  }
0x66: {  	[spmem:s2] =	stream.indirect.scatter.add.f32 [tilespmem:s22], [sflag:$0x1], $0x90, s25, s22, $0xb8;
	[tilespmem:$0x18CE0] =	vst v63  }
0x67: {  	_ =	swait.ge [sflag:s21], $0x2D00  }
0x68: {  	[sflag:s21] =	ssyncset.done $0x0  }
0x69: {  	s29 =	sadd.s32 $0x0, s15;
	[sflag:s21] =	ssyncadd.s32 $0xFFFFD300  }
0x6a: {  	s25 =	simm.s32 $0x0  }
0x6b: {  	[tilespmem:s25], [sflag:$0x1] =	stream.linear.gather [hbm4b:s29+s25], $0x50, $0x38;
	[tilespmem:$0x18CE0] =	vst v63  }
0x6c: {  	_ =	swait.ge [sflag:s21], $0x50  }
0x6d: {  	[sflag:s21] =	ssyncset.done $0x0  }
0x6e: {  	[sflag:s21] =	ssyncadd.s32 $0xFFFFFFB0  }
0x6f: {  	[tilespmem:s22], [sflag:$0x1] =	stream.linear.gather [hbm4b:s14+s25], $0x2D00, $0x38;
	[tilespmem:$0x18CE0] =	vst v63  }
0x70: {  	p2 =	por $0x1, $0x1;
	_ =	swait.ge [sflag:s21], $0x2D00  }
.Ltmp5:
0x71: {  	[sflag:s21] =	ssyncset.done $0x0;
	(pc) =	sbr.rel @!p2 .LBB2_12-.Ltmp5, $4  }
0x72: {  	[sflag:s21] =	ssyncadd.s32 $0xFFFFD300  }
0x73: {  	[spmem:s2] =	stream.indirect.scatter.add.f32 [tilespmem:s22], [sflag:$0x1], $0x90, s25, s22, $0xb8;
	[tilespmem:$0x18CE0] =	vst v63  }
0x74: {  	s26 =	simm.s32 $0x14;
	s28 =	sadd.s32 $0x5A0, s14;
	_ =	swait.ge [sflag:s21], $0x2D00  }
0x75: {  	p1 =	por $0x1, $0x1;
	s29 =	sadd.s32 $0xA, s15;
	[sflag:s21] =	ssyncset.done $0x0  }
.LBB2_11:
0x76: {  	s30 =	sadd.s32 s26, s15;
	[sflag:s21] =	ssyncadd.s32 $0xFFFFD300  }
0x77: {  	[tilespmem:s25], [sflag:$0x1] =	stream.linear.gather [hbm4b:s29+s25], $0x50, $0x38;
	[tilespmem:$0x18CE0] =	vst v63  }
0x78: {  	p2 =	sne.s32 s26, $0xF0;
	s26 =	sadd.s32 $0xA, s26;
	_ =	swait.ge [sflag:s21], $0x50  }
0x79: {  	s29 =	smov.u32 s30;
	[sflag:s21] =	ssyncset.done $0x0  }
0x7a: {  	[sflag:s21] =	ssyncadd.s32 $0xFFFFFFB0  }
0x7b: {  	[tilespmem:s22], [sflag:$0x1] =	stream.linear.gather [hbm4b:s28+s25], $0x2D00, $0x38;
	[tilespmem:$0x18CE0] =	vst v63  }
0x7c: {  	_ =	swait.ge [sflag:s21], $0x2D00  }
.Ltmp6:
0x7d: {  	[sflag:s21] =	ssyncset.done $0x0;
	(pc) =	sbr.rel @p2 .LBB2_11-.Ltmp6, $4  }
0x7e: {  	[sflag:s21] =	ssyncadd.s32 $0xFFFFD300  }
0x7f: {  	[spmem:s2] =	stream.indirect.scatter.add.f32 [tilespmem:s22], [sflag:$0x1], $0x90, s25, s22, $0xb8;
	[tilespmem:$0x18CE0] =	vst v63  }
0x80: {  	_ =	swait.ge [sflag:s21], $0x2D00  }
0x81: {  	s28 =	sadd.s32 $0x5A0, s28;
	[sflag:s21] =	ssyncset.done $0x0  }
.LBB2_12:
0x82: {  	s26 =	simm.s32 $0x0;
	[sflag:s21] =	ssyncadd.s32 @p1 $0xFFFFD300  }
0x83: {  	[tilespmem:s26], [sflag:$0x1] =	stream.linear.gather [hbm4b:s29+s26], $0x50, $0x38;
	[tilespmem:$0x18CE0] =	vst v63  }
0x84: {  	_ =	swait.ge [sflag:s21], $0x50  }
0x85: {  	[sflag:s21] =	ssyncset.done $0x0  }
0x86: {  	[sflag:s21] =	ssyncadd.s32 $0xFFFFFFB0  }
0x87: {  	[tilespmem:s22], [sflag:$0x1] =	stream.linear.gather [hbm4b:s28+s26], $0x2D00, $0x38;
	[tilespmem:$0x18CE0] =	vst v63  }
0x88: {  	_ =	swait.ge [sflag:s21], $0x2D00  }
0x89: {  	p2 =	por $0x1, $0x1;
	[sflag:s21] =	ssyncset.done $0x0  }
.Ltmp7:
0x8a: {  	[sflag:s21] =	ssyncadd.s32 $0xFFFFD300;
	(pc) =	sbr.rel @!p2 .LBB2_16-.Ltmp7, $4  }
0x8b: {  	[spmem:s2] =	stream.indirect.scatter.add.f32 [tilespmem:s22], [sflag:$0x1], $0x90, s26, s22, $0xb8;
	[tilespmem:$0x18CE0] =	vst v63  }
0x8c: {  	s25 =	simm.s32 $0xA;
	_ =	swait.ge [sflag:s21], $0x2D00  }
0x8d: {  	p1 =	por $0x0, $0x0;
	p3 =	por $0x0, $0x0;
	[sflag:s21] =	ssyncset.done $0x0  }
0x8e: {  	s29 =	simm.s32 $0x0;
	s28 =	smov.u32 s16;
	[sflag:s21] =	ssyncadd.s32 $0xFFFFD300  }
0x8f: {  	s28 =	sadd.s32 $0x0, s17  }
0x90: {  	[tilespmem:s26], [sflag:$0x1] =	stream.linear.gather [hbm4b:s28+s26], $0x50, $0x38;
	[tilespmem:$0x18CE0] =	vst v63  }
0x91: {  	_ =	swait.ge [sflag:s21], $0x50  }
0x92: {  	[sflag:s21] =	ssyncset.done $0x0  }
0x93: {  	[sflag:s21] =	ssyncadd.s32 $0xFFFFFFB0  }
0x94: {  	[tilespmem:s22], [sflag:$0x1] =	stream.linear.gather [hbm4b:s16+s26], $0x2D00, $0x38;
	[tilespmem:$0x18CE0] =	vst v63  }
0x95: {  	p4 =	por $0x1, $0x1;
	_ =	swait.ge [sflag:s21], $0x2D00  }
.Ltmp8:
0x96: {  	[sflag:s21] =	ssyncset.done $0x0;
	(pc) =	sbr.rel @!p4 .LBB2_14-.Ltmp8, $4  }
0x97: {  	[sflag:s21] =	ssyncadd.s32 $0xFFFFD300  }
0x98: {  	[spmem:s2] =	stream.indirect.scatter.add.f32 [tilespmem:s22], [sflag:$0x1], $0x90, s26, s22, $0xb8;
	[tilespmem:$0x18CE0] =	vst v63  }
0x99: {  	s30 =	simm.s32 $0x14;
	p3 =	por $0x1, $0x1;
	_ =	swait.ge [sflag:s21], $0x2D00  }
0x9a: {  	s29 =	simm.s32 $0xA;
	s28 =	sadd.s32 $0x5A0, s16;
	[sflag:s21] =	ssyncset.done $0x0  }
.LBB2_15:
0x9b: {  	s31 =	sadd.s32 s29, s17  }
0x9c: {  	[sflag:s21] =	ssyncadd.s32 $0xFFFFD300;
	s29 =	smov.u32 s30;
	s0 =	sadd.s32 $0xA, s30  }
0x9d: {  	[tilespmem:s26], [sflag:$0x1] =	stream.linear.gather [hbm4b:s31+s26], $0x50, $0x38;
	[tilespmem:$0x18CE0] =	vst v63  }
0x9e: {  	p4 =	sne.s32 s30, $0xF0;
	_ =	swait.ge [sflag:s21], $0x50  }
0x9f: {  	[sflag:s21] =	ssyncset.done $0x0  }
0xa0: {  	[sflag:s21] =	ssyncadd.s32 $0xFFFFFFB0  }
0xa1: {  	[tilespmem:s22], [sflag:$0x1] =	stream.linear.gather [hbm4b:s28+s26], $0x2D00, $0x38;
	[tilespmem:$0x18CE0] =	vst v63  }
0xa2: {  	_ =	swait.ge [sflag:s21], $0x2D00  }
.Ltmp9:
0xa3: {  	[sflag:s21] =	ssyncset.done $0x0;
	(pc) =	sbr.rel @p4 .LBB2_15-.Ltmp9, $4  }
0xa4: {  	[sflag:s21] =	ssyncadd.s32 $0xFFFFD300  }
0xa5: {  	[spmem:s2] =	stream.indirect.scatter.add.f32 [tilespmem:s22], [sflag:$0x1], $0x90, s26, s22, $0xb8;
	[tilespmem:$0x18CE0] =	vst v63  }
0xa6: {  	_ =	swait.ge [sflag:s21], $0x2D00  }
0xa7: {  	s30 =	smov.u32 s0;
	s28 =	sadd.s32 $0x5A0, s28;
	[sflag:s21] =	ssyncset.done $0x0  }
.LBB2_16:
0xa8: {  	s0 =	sadd.s32 s29, s17;
	[sflag:s21] =	ssyncadd.s32 @p3 $0xFFFFD300  }
0xa9: {  	[tilespmem:s26], [sflag:$0x1] =	stream.linear.gather [hbm4b:s0+s26], $0x50, $0x38;
	[tilespmem:$0x18CE0] =	vst v63  }
0xaa: {  	_ =	swait.ge [sflag:s21], $0x50  }
0xab: {  	[sflag:s21] =	ssyncset.done $0x0  }
0xac: {  	[sflag:s21] =	ssyncadd.s32 $0xFFFFFFB0  }
0xad: {  	[tilespmem:s22], [sflag:$0x1] =	stream.linear.gather [hbm4b:s28+s26], $0x2D00, $0x38;
	[tilespmem:$0x18CE0] =	vst v63  }
0xae: {  	_ =	swait.ge [sflag:s21], $0x2D00  }
0xaf: {  	[sflag:s21] =	ssyncset.done $0x0  }
.Ltmp10:
0xb0: {  	[sflag:s21] =	ssyncadd.s32 $0xFFFFD300;
	(pc) =	sbr.rel @!p2 .LBB2_21-.Ltmp10, $4  }
0xb1: {  	[spmem:s2] =	stream.indirect.scatter.add.f32 [tilespmem:s22], [sflag:$0x1], $0x90, s26, s22, $0xb8;
	[tilespmem:$0x18CE0] =	vst v63  }
0xb2: {  	_ =	swait.ge [sflag:s21], $0x2D00  }
0xb3: {  	[sflag:s21] =	ssyncset.done $0x0  }
0xb4: {  	s28 =	smov.u32 s18;
	[sflag:s21] =	ssyncadd.s32 $0xFFFFD300  }
0xb5: {  	s0 =	sadd.s32 $0x0, s19  }
0xb6: {  	[tilespmem:s3], [sflag:$0x1] =	stream.linear.gather [hbm4b:s0+s3], $0x50, $0x38;
	[tilespmem:$0x18CE0] =	vst v63  }
0xb7: {  	_ =	swait.ge [sflag:s21], $0x50  }
0xb8: {  	[sflag:s21] =	ssyncset.done $0x0  }
0xb9: {  	[sflag:s21] =	ssyncadd.s32 $0xFFFFFFB0  }
0xba: {  	[tilespmem:s22], [sflag:$0x1] =	stream.linear.gather [hbm4b:s18+s3], $0x2D00, $0x38;
	[tilespmem:$0x18CE0] =	vst v63  }
0xbb: {  	p2 =	por $0x1, $0x1;
	_ =	swait.ge [sflag:s21], $0x2D00  }
.Ltmp11:
0xbc: {  	[sflag:s21] =	ssyncset.done $0x0;
	(pc) =	sbr.rel @!p2 .LBB2_18-.Ltmp11, $4  }
0xbd: {  	[sflag:s21] =	ssyncadd.s32 $0xFFFFD300  }
0xbe: {  	[spmem:s2] =	stream.indirect.scatter.add.f32 [tilespmem:s22], [sflag:$0x1], $0x90, s3, s22, $0xb8;
	[tilespmem:$0x18CE0] =	vst v63  }
0xbf: {  	s26 =	simm.s32 $0x14;
	_ =	swait.ge [sflag:s21], $0x2D00  }
0xc0: {  	s28 =	sadd.s32 $0x5A0, s18;
	p1 =	por $0x1, $0x1;
	[sflag:s21] =	ssyncset.done $0x0  }
.LBB2_19:
0xc1: {  	s0 =	sadd.s32 s25, s19  }
0xc2: {  	[sflag:s21] =	ssyncadd.s32 $0xFFFFD300;
	s25 =	smov.u32 s26;
	s29 =	sadd.s32 $0xA, s26  }
0xc3: {  	[tilespmem:s3], [sflag:$0x1] =	stream.linear.gather [hbm4b:s0+s3], $0x50, $0x38;
	[tilespmem:$0x18CE0] =	vst v63  }
0xc4: {  	p2 =	sne.s32 s26, $0xF0;
	_ =	swait.ge [sflag:s21], $0x50  }
0xc5: {  	[sflag:s21] =	ssyncset.done $0x0  }
0xc6: {  	[sflag:s21] =	ssyncadd.s32 $0xFFFFFFB0  }
0xc7: {  	[tilespmem:s22], [sflag:$0x1] =	stream.linear.gather [hbm4b:s28+s3], $0x2D00, $0x38;
	[tilespmem:$0x18CE0] =	vst v63  }
0xc8: {  	_ =	swait.ge [sflag:s21], $0x2D00  }
.Ltmp12:
0xc9: {  	[sflag:s21] =	ssyncset.done $0x0;
	(pc) =	sbr.rel @p2 .LBB2_19-.Ltmp12, $4  }
0xca: {  	[sflag:s21] =	ssyncadd.s32 $0xFFFFD300  }
0xcb: {  	[spmem:s2] =	stream.indirect.scatter.add.f32 [tilespmem:s22], [sflag:$0x1], $0x90, s3, s22, $0xb8;
	[tilespmem:$0x18CE0] =	vst v63  }
0xcc: {  	_ =	swait.ge [sflag:s21], $0x2D00  }
0xcd: {  	s26 =	smov.u32 s29;
	s28 =	sadd.s32 $0x5A0, s28;
	[sflag:s21] =	ssyncset.done $0x0  }
0xce: {  	s26 =	smov.u32 s25  }
.LBB2_21:
0xcf: {  	s0 =	sadd.s32 s26, s19;
	[sflag:s21] =	ssyncadd.s32 @p1 $0xFFFFD300  }
0xd0: {  	[tilespmem:s3], [sflag:$0x1] =	stream.linear.gather [hbm4b:s0+s3], $0x50, $0x38;
	[tilespmem:$0x18CE0] =	vst v63  }
0xd1: {  	_ =	swait.ge [sflag:s21], $0x50  }
0xd2: {  	[sflag:s21] =	ssyncset.done $0x0  }
0xd3: {  	[sflag:s21] =	ssyncadd.s32 $0xFFFFFFB0  }
0xd4: {  	[tilespmem:s22], [sflag:$0x1] =	stream.linear.gather [hbm4b:s28+s3], $0x2D00, $0x38;
	[tilespmem:$0x18CE0] =	vst v63  }
0xd5: {  	_ =	swait.ge [sflag:s21], $0x2D00  }
0xd6: {  	[sflag:s21] =	ssyncset.done $0x0  }
0xd7: {  	[sflag:s21] =	ssyncadd.s32 $0xFFFFD300  }
0xd8: {  	[spmem:s2] =	stream.indirect.scatter.add.f32 [tilespmem:s22], [sflag:$0x1], $0x90, s3, s22, $0xb8;
	[tilespmem:$0x18CE0] =	vst v63  }
0xd9: {  	_ =	swait.ge [sflag:s21], $0x2D00  }
0xda: {  	[sflag:s21] =	ssyncset.done $0x0  }
0xdb: {  	[sflag:s21] =	ssyncadd.s32 $0xFFFFD300  }
0xdc: {  	[bflag:$0x0] =	sbarrier.arrive $0xFFFF  }
0xdd: {  	[hbm:s7], [sflag:s5] =	dma.local [spmem:s20], $0x2BE0  }
0xde: {  	_ =	swait.ge [sflag:s21], $0x2BE0  }
0xdf: {  	s23 =	sadd.s32 $0x1, s23;
	[sflag:s21] =	ssyncset.done $0x0  }
0xe0: {  	p1 =	sne.s32 s23, s9;
	[sflag:s21] =	ssyncadd.s32 $0xFFFFD420  }
0xe1: {  	[hbm:s8], [sflag:s5] =	dma.local @!p0 [spmem:s24], $0x120  }
.Ltmp13:
0xe2: {  	_ = 	snop;
	(pc) =	sbr.rel @p1 .LBB2_1-.Ltmp13, $4  }
.Ltmp14:
0xe3: {  	s0 =	simm.s32 @!p0 $0x1;
	(pc) =	sbr.rel @!p1 .LBB2_22-.Ltmp14, $4  }
0xe4: {  	_ =	swait.ge @!p0 [sflag:s0], $0x120  }
0xe5: {  	[sflag:s0] =	ssyncset.done @!p0 $0x0  }
0xe6: {  	[sflag:s0] =	ssyncadd.s32 @!p0 $0xFFFFFEE0  }
0xe7: {  	_ = 	snop  }
.LBB2_9:
.Ltmp15:
0xe8: {  	(pc) =	sbr.rel .LBB2_12-.Ltmp15, $2  }
0xe9: {  	_ =	sdelay $0x2  }
0xea: {  	s28 =	smov.u32 s14  }
.LBB2_5:
.Ltmp16:
0xeb: {  	(pc) =	sbr.rel .LBB2_8-.Ltmp16, $2  }
0xec: {  	_ =	sdelay $0x2  }
0xed: {  	s29 =	simm.s32 $0xA  }
.LBB2_14:
.Ltmp17:
0xee: {  	(pc) =	sbr.rel .LBB2_16-.Ltmp17, $2  }
0xef: {  	_ =	sdelay $0x2  }
0xf0: {  	s29 =	simm.s32 $0xA  }
.LBB2_18:
.Ltmp18:
0xf1: {  	(pc) =	sbr.rel .LBB2_21-.Ltmp18, $2  }
0xf2: {  	_ =	sdelay $0x2  }
0xf3: {  	s26 =	simm.s32 $0xA  }
.LBB2_22:
0xf4: {  	_ =	sfence.sel $0x180000  }
0xf5: {  	[bflag:$0x0] =	sbarrier.arrive $0xFFFF  }
0xf6: {  	_ =	strace $0x90000056  }
0xf7: {  	[bflag:$0x2] =	sbarrier.arrive $0xFFFF  }
0xf8: {  	p0 =	sne.s32 s4, $0x0;
	s0 =	rddreg [dreg:$0x4]  }
0xf9: {  	s0 =	sadd.s32 @!p0 $0x100000, s0  }
0xfa: {  	[sflag:s0] =	ssyncadd.tile.s32 @!p0 $0x1;
	_ =	shalt  }
.Lfunc_end2:
_tile_overlayer_lowered:
.L_overlay_start_2:
0xfb: {  	(tag) =	ssettag $0x2  }
0xfc: {  	s0 =	rddreg [dreg:$0x0];
	s2 =	stileid.u32  }
0xfd: {  	s1 =	rddreg [dreg:$0x1];
	p0 =	sne.s32 s2, $0x0  }
0xfe: {  	s3 =	rddreg [dreg:$0x2];
	[bflag:$0x3] =	sbarrier.arrive $0xFFFF;
	s2 =	simm.s32 @!p0 $0x1C01  }
0xff: {  	[timem:s3], [sflag:s2] =	dma.local @!p0 [hbm:s0], s1  }
0x100: {  	s0 =	simm.s32 @!p0 $0x1  }
0x101: {  	_ =	swait.ge @!p0 [sflag:s0], s1  }
0x102: {  	s1 =	ssub.s32 @!p0 $0x0, s1;
	[sflag:s0] =	ssyncset.done @!p0 $0x0  }
0x103: {  	[sflag:s0] =	ssyncadd.s32 @!p0 s1  }
0x104: {  	[bflag:$0x3] =	sbarrier.arrive $0xFFFF  }
0x105: {  	_ =	shalt  }

</sc_bundles>
